<compile_context>
chip_gen: v7x
topology: tpu7x:2x2x1
jax: 0.10.2.dev20260603
libtpu: 0.0.44.dev20260713+nightly
codegen_flags: <defaults>
</compile_context>

<pallas_src>
import functools

import jax
import jax.numpy as jnp
from jax import lax
from jax.experimental import pallas as pl
from jax.experimental.pallas import tpu as pltpu
from jax.experimental.pallas import tpu_sc as plsc

N = 10000
E = 320000
D = 128
G = 64

NC = 2
NS = 16
CHUNK = 96
EDGES_PER_TILE = E // (NC * NS)
NCH = EDGES_PER_TILE // CHUNK
TAIL = EDGES_PER_TILE - NCH * CHUNK
NBUF = 3


def _seg_sum_sc(x, src, dst, zeros):
  mesh = plsc.VectorSubcoreMesh(core_axis_name="c", subcore_axis_name="s")

  @functools.partial(
      pl.kernel,
      out_type=jax.ShapeDtypeStruct((NC, N, D), jnp.float32),
      mesh=mesh,
      scratch_types=[
          pltpu.VMEM((EDGES_PER_TILE,), jnp.int32),
          [pltpu.VMEM((CHUNK,), jnp.int32)] * NBUF,
          [pltpu.VMEM((CHUNK, D), jnp.float32)] * NBUF,
          pltpu.VMEM((TAIL,), jnp.int32),
          pltpu.VMEM((TAIL, D), jnp.float32),
          pltpu.VMEM_SHARED((N, D), jnp.float32),
          [pltpu.SemaphoreType.DMA] * NBUF,
          [pltpu.SemaphoreType.DMA] * NBUF,
          pltpu.SemaphoreType.DMA,
      ],
  )
  def seg_sum(x_hbm, src_hbm, dst_hbm, zero_hbm, out_hbm,
              src_all, dstv, rowsv, dst_t, rows_t, acc_sh,
              gsem, isem, tsem):
    c = lax.axis_index("c")
    s = lax.axis_index("s")

    base = (c * NS + s) * EDGES_PER_TILE
    pltpu.sync_copy(src_hbm.at[pl.ds(base, EDGES_PER_TILE)], src_all)

    def issue(j, b):
      off = j * CHUNK
      pltpu.async_copy(dst_hbm.at[pl.ds(base + off, CHUNK)], dstv[b], isem[b])
      pltpu.async_copy(x_hbm.at[src_all.at[pl.ds(off, CHUNK)]],
                       rowsv[b], gsem[b])

    for b in range(NBUF):
      issue(b, b)
    pltpu.async_copy(dst_hbm.at[pl.ds(base + NCH * CHUNK, TAIL)], dst_t, tsem)
    pltpu.async_copy(x_hbm.at[src_all.at[pl.ds(NCH * CHUNK, TAIL)]],
                     rows_t, tsem)

    z0 = s * 624

    def init_stripe(lo, n):
      @pl.when(c == 0)
      def _():
        pltpu.sync_copy(x_hbm.at[pl.ds(lo, n)], acc_sh.at[pl.ds(lo, n)])

      @pl.when(c == 1)
      def _():
        pltpu.sync_copy(zero_hbm.at[pl.ds(lo, n)], acc_sh.at[pl.ds(lo, n)])

    init_stripe(z0, 624)

    @pl.when(s == 0)
    def _():
      init_stripe(9984, 16)

    plsc.subcore_barrier()

    def drain_and_scatter(b):
      pltpu.make_async_copy(dst_hbm.at[pl.ds(0, CHUNK)], dstv[b],
                            isem[b]).wait()
      pltpu.make_async_copy(x_hbm.at[pl.ds(0, CHUNK)], rowsv[b],
                            gsem[b]).wait()
      pltpu.sync_copy(rowsv[b], acc_sh.at[dstv[b]], add=True)

    MAIN = (NCH // NBUF) * NBUF

    @pl.loop(0, MAIN, step=NBUF)
    def _(i):
      for b in range(NBUF):
        j = i + b
        drain_and_scatter(b)

        @pl.when(j + NBUF < NCH)
        def _():
          issue(j + NBUF, b)

    for j in range(MAIN, NCH):
      drain_and_scatter(j % NBUF)

    pltpu.make_async_copy(dst_hbm.at[pl.ds(0, TAIL)], dst_t, tsem).wait()
    pltpu.make_async_copy(x_hbm.at[pl.ds(0, TAIL)], rows_t, tsem).wait()
    pltpu.sync_copy(rows_t, acc_sh.at[dst_t], add=True)

    plsc.subcore_barrier()

    r0 = s * 624
    pltpu.sync_copy(acc_sh.at[pl.ds(r0, 624)],
                    out_hbm.at[c, pl.ds(r0, 624)])

    @pl.when(s == 0)
    def _():
      pltpu.sync_copy(acc_sh.at[pl.ds(9984, 16)],
                      out_hbm.at[c, pl.ds(9984, 16)])

  return seg_sum(x, src, dst, zeros)


def _mlp_body(a_ref, W1_ref, b1_ref, g_ref, beta_ref, W2_ref, b2_ref):
  h = a_ref[0] + a_ref[1]
  h = jnp.dot(h, W1_ref[...], preferred_element_type=jnp.float32) + b1_ref[...]
  mean = jnp.mean(h, axis=0, keepdims=True)
  var = jnp.mean((h - mean) ** 2, axis=0, keepdims=True)
  h = (h - mean) / jnp.sqrt(var + 1e-5) * g_ref[...] + beta_ref[...]
  h = jnp.maximum(h, 0.0)
  h = jnp.dot(h, W2_ref[...], preferred_element_type=jnp.float32) + b2_ref[...]
  return jnp.maximum(h, 0.0)


def _mlp_kernel(a_ref, W1_ref, b1_ref, g_ref, beta_ref, W2_ref, b2_ref,
                out_ref):
  out_ref[...] = _mlp_body(a_ref, W1_ref, b1_ref, g_ref, beta_ref,
                           W2_ref, b2_ref)


def _mlp_tc(agg, W1, b1, g, beta, W2, b2):
  return pl.pallas_call(
      _mlp_kernel,
      out_shape=jax.ShapeDtypeStruct((N, D), jnp.float32),
  )(agg, W1, b1.reshape(1, D), g.reshape(1, D), beta.reshape(1, D),
    W2, b2.reshape(1, D))


def _final_kernel(a_ref, W1_ref, b1_ref, g_ref, beta_ref, W2_ref,
                  b2_ref, batch_ref, l1W_ref, l1b_ref, l2W_ref, l2b_ref,
                  out_ref):
  h = _mlp_body(a_ref, W1_ref, b1_ref, g_ref, beta_ref, W2_ref, b2_ref)
  gids = lax.broadcasted_iota(jnp.int32, (G, N), 0)
  onehot = jnp.where(batch_ref[...] == gids, 1.0, 0.0)
  hg = jnp.dot(onehot, h, preferred_element_type=jnp.float32)
  hg = jnp.maximum(
      jnp.dot(hg, l1W_ref[...], preferred_element_type=jnp.float32)
      + l1b_ref[...], 0.0)
  out = jnp.dot(hg, l2W_ref[...], preferred_element_type=jnp.float32) \
      + l2b_ref[...]
  m = jnp.max(out, axis=-1, keepdims=True)
  z = out - m
  out_ref[...] = z - jnp.log(jnp.sum(jnp.exp(z), axis=-1, keepdims=True))


def _final_tc(agg, W1, b1, g, beta, W2, b2, batch, l1W, l1b, l2W, l2b):
  C = l2W.shape[1]
  return pl.pallas_call(
      _final_kernel,
      out_shape=jax.ShapeDtypeStruct((G, C), jnp.float32),
  )(agg, W1, b1.reshape(1, D), g.reshape(1, D), beta.reshape(1, D),
    W2, b2.reshape(1, D), batch.reshape(1, N).astype(jnp.int32),
    l1W, l1b.reshape(1, D), l2W, l2b.reshape(1, C))


def kernel(x, edge_index, batch, c1_W1, c1_b1, c1_g, c1_beta, c1_W2, c1_b2,
           c2_W1, c2_b1, c2_g, c2_beta, c2_W2, c2_b2,
           c3_W1, c3_b1, c3_g, c3_beta, c3_W2, c3_b2,
           lin1_W, lin1_b, lin2_W, lin2_b):
  src = edge_index[0].astype(jnp.int32)
  dst = edge_index[1].astype(jnp.int32)
  zeros = jnp.zeros((N, D), jnp.float32)

  a1 = _seg_sum_sc(x, src, dst, zeros)
  h1 = _mlp_tc(a1, c1_W1, c1_b1, c1_g, c1_beta, c1_W2, c1_b2)
  a2 = _seg_sum_sc(h1, src, dst, zeros)
  h2 = _mlp_tc(a2, c2_W1, c2_b1, c2_g, c2_beta, c2_W2, c2_b2)
  a3 = _seg_sum_sc(h2, src, dst, zeros)
  return _final_tc(a3, c3_W1, c3_b1, c3_g, c3_beta, c3_W2, c3_b2,
                   batch, lin1_W, lin1_b, lin2_W, lin2_b)

# --- scband reference (transcript-rebuilt; emitter-appended) ---
"""Pipeline reference for scband-net-gin-11227044511900 (READ-ONLY COPY).

The authoritative reference and input builder live on the scoring server;
editing this copy changes nothing except your own understanding.
"""

import jax, jax.numpy as jnp
import numpy as np

N = 10000
E = 320000
D = 128
H = 128
C = 10
G = 64

def _glorot(key, shape):
    fan_in, fan_out = shape[0], shape[1]
    lim = (6.0 / (fan_in + fan_out)) ** 0.5
    return jax.random.uniform(key, shape, jnp.float32, -lim, lim)

def setup_inputs(seed: int = 0):
    key = jax.random.key(seed)
    ks = jax.random.split(key, 32)
    inp = {}
    inp["x"] = jax.random.normal(ks[0], (N, D), jnp.float32)
    inp["edge_index"] = jax.random.randint(ks[1], (2, E), 0, N)
    inp["batch"] = jnp.sort(jax.random.randint(ks[2], (N,), 0, G))
    i = 3
    for l, din in [(1, D), (2, H), (3, H)]:
        inp[f"c{l}_W1"] = _glorot(ks[i], (din, H)); i += 1
        inp[f"c{l}_b1"] = jnp.zeros((H,), jnp.float32)
        inp[f"c{l}_g"] = jnp.ones((H,), jnp.float32)
        inp[f"c{l}_beta"] = jnp.zeros((H,), jnp.float32)
        inp[f"c{l}_W2"] = _glorot(ks[i], (H, H)); i += 1
        inp[f"c{l}_b2"] = jnp.zeros((H,), jnp.float32)
    inp["lin1_W"] = _glorot(ks[i], (H, H)); i += 1
    inp["lin1_b"] = jnp.zeros((H,), jnp.float32)
    inp["lin2_W"] = _glorot(ks[i], (H, C)); i += 1
    inp["lin2_b"] = jnp.zeros((C,), jnp.float32)
    return inp

def _gin_conv(x, src, dst, W1, b1, g, beta, W2, b2):
    # GINConv with eps=0: mlp((1+eps)*x + sum_{j in N(i)} x_j)
    agg = jax.ops.segment_sum(x[src], dst, num_segments=x.shape[0])
    h = x + agg
    h = h @ W1 + b1
    # BatchNorm1d (training-mode batch statistics)
    mean = jnp.mean(h, axis=0)
    var = jnp.var(h, axis=0)
    h = (h - mean) / jnp.sqrt(var + 1e-5) * g + beta
    h = jax.nn.relu(h)
    h = h @ W2 + b2
    h = jax.nn.relu(h)
    return h

def reference(x, edge_index, batch, c1_W1, c1_b1, c1_g, c1_beta, c1_W2, c1_b2, c2_W1, c2_b1, c2_g, c2_beta, c2_W2, c2_b2, c3_W1, c3_b1, c3_g, c3_beta, c3_W2, c3_b2, lin1_W, lin1_b, lin2_W, lin2_b):
    src = edge_index[0]
    dst = edge_index[1]
    h = _gin_conv(x, src, dst, c1_W1, c1_b1, c1_g, c1_beta, c1_W2, c1_b2)
    h = _gin_conv(h, src, dst, c2_W1, c2_b1, c2_g, c2_beta, c2_W2, c2_b2)
    h = _gin_conv(h, src, dst, c3_W1, c3_b1, c3_g, c3_beta, c3_W2, c3_b2)
    hg = jax.ops.segment_sum(h, batch, num_segments=G)  # global_add_pool
    hg = jax.nn.relu(hg @ lin1_W + lin1_b)
    # dropout is identity at inference
    out = hg @ lin2_W + lin2_b
    return jax.nn.log_softmax(out, axis=-1)

if __name__ == "__main__":
    import jax
    _d = setup_inputs()
    print(jax.jit(kernel)(*tuple(_d.values())))

</pallas_src>

<mosaic_0001>
#map = affine_map<(d0, d1) -> (0, 0)>
#map1 = affine_map<(d0, d1) -> (0)>
#map2 = affine_map<(d0, d1) -> (0, 0, 0)>
module attributes {stable_mosaic.version = 14 : i64} {
  func.func @seg_sum(%arg0: i32, %arg1: i32, %arg2: memref<10000x128xf32, #tpu.memory_space<hbm>>, %arg3: memref<320000xi32, #tpu.memory_space<hbm>>, %arg4: memref<320000xi32, #tpu.memory_space<hbm>>, %arg5: memref<10000x128xf32, #tpu.memory_space<hbm>>, %arg6: memref<2x10000x128xf32, #tpu.memory_space<hbm>>, %arg7: memref<10000xi32, #tpu.memory_space<vmem>>, %arg8: memref<96xi32, #tpu.memory_space<vmem>>, %arg9: memref<96xi32, #tpu.memory_space<vmem>>, %arg10: memref<96xi32, #tpu.memory_space<vmem>>, %arg11: memref<96x128xf32, #tpu.memory_space<vmem>>, %arg12: memref<96x128xf32, #tpu.memory_space<vmem>>, %arg13: memref<96x128xf32, #tpu.memory_space<vmem>>, %arg14: memref<16xi32, #tpu.memory_space<vmem>>, %arg15: memref<16x128xf32, #tpu.memory_space<vmem>>, %arg16: memref<10000x128xf32, #tpu.memory_space<vmem_shared>>, %arg17: memref<!tpu.dma_semaphore, #tpu.memory_space<semaphore_mem>>, %arg18: memref<!tpu.dma_semaphore, #tpu.memory_space<semaphore_mem>>, %arg19: memref<!tpu.dma_semaphore, #tpu.memory_space<semaphore_mem>>, %arg20: memref<!tpu.dma_semaphore, #tpu.memory_space<semaphore_mem>>, %arg21: memref<!tpu.dma_semaphore, #tpu.memory_space<semaphore_mem>>, %arg22: memref<!tpu.dma_semaphore, #tpu.memory_space<semaphore_mem>>, %arg23: memref<!tpu.dma_semaphore, #tpu.memory_space<semaphore_mem>>) attributes {dimension_semantics = [#tpu.dimension_semantics<core_parallel>, #tpu.dimension_semantics<subcore_parallel>], iteration_bounds = array<i64: 2, 16>, scalar_prefetch = 0 : i64, scratch_operands = 17 : i64, tpu.core_type = #tpu.core_type<sc_vector_subcore>, window_params = [{transform_indices = #map}, {transform_indices = #map1}, {transform_indices = #map1}, {transform_indices = #map}, {transform_indices = #map2}]} {
    %mul3A = arith.constant 16 : i32
    %mul3A_0 = arith.muli %arg0, %mul3A : i32
    %add3A = arith.addi %mul3A_0, %arg1 : i32
    %mul3A_1 = arith.constant 10000 : i32
    %mul3A_2 = arith.muli %add3A, %mul3A_1 : i32
    "tpu.region"() ({
      %run_scoped3A = tpu.sem_alloc : memref<!tpu.dma_semaphore, #tpu.memory_space<semaphore_mem>>
      %dma_start3A_93 = tpu.memref_slice %arg3[%mul3A_2] : memref<320000xi32, #tpu.memory_space<hbm>> -> memref<10000xi32, #tpu.memory_space<hbm>>
      %dma_start3A_94 = tpu.memref_slice %arg3[%mul3A_2] : memref<320000xi32, #tpu.memory_space<hbm>> -> memref<10000xi32, #tpu.memory_space<hbm>>
      tpu.enqueue_dma source(%dma_start3A_94 : memref<10000xi32, #tpu.memory_space<hbm>>) target(%arg7 : memref<10000xi32, #tpu.memory_space<vmem>>) target_semaphore(%run_scoped3A : memref<!tpu.dma_semaphore, #tpu.memory_space<semaphore_mem>>)
      %dma_wait3A_95 = tpu.memref_slice %arg3[%mul3A_2] : memref<320000xi32, #tpu.memory_space<hbm>> -> memref<10000xi32, #tpu.memory_space<hbm>>
      %dma_wait3A_96 = tpu.memref_slice %arg3[%mul3A_2] : memref<320000xi32, #tpu.memory_space<hbm>> -> memref<10000xi32, #tpu.memory_space<hbm>>
      tpu.wait_dma2 semaphore(%run_scoped3A : memref<!tpu.dma_semaphore, #tpu.memory_space<semaphore_mem>>) src(%dma_wait3A_96 : memref<10000xi32, #tpu.memory_space<hbm>>) dst(%arg7 : memref<10000xi32, #tpu.memory_space<vmem>>)
      tpu.yield
    }) : () -> ()
    %add3A_3 = arith.constant 0 : i32
    %add3A_4 = arith.addi %mul3A_2, %add3A_3 : i32
    %dma_start3A = tpu.memref_slice %arg4[%add3A_4] : memref<320000xi32, #tpu.memory_space<hbm>> -> memref<96xi32, #tpu.memory_space<hbm>>
    %dma_start3A_5 = tpu.memref_slice %arg4[%add3A_4] : memref<320000xi32, #tpu.memory_space<hbm>> -> memref<96xi32, #tpu.memory_space<hbm>>
    tpu.enqueue_dma source(%dma_start3A_5 : memref<96xi32, #tpu.memory_space<hbm>>) target(%arg8 : memref<96xi32, #tpu.memory_space<vmem>>) target_semaphore(%arg20 : memref<!tpu.dma_semaphore, #tpu.memory_space<semaphore_mem>>)
    %dma_start3A_6 = arith.constant 0 : i32
    %dma_start3A_7 = tpu.memref_slice %arg7[%dma_start3A_6] : memref<10000xi32, #tpu.memory_space<vmem>> -> memref<96xi32, #tpu.memory_space<vmem>>
    %dma_start3A_8 = arith.constant 0 : i32
    %dma_start3A_9 = arith.constant 0 : i32
    %dma_start3A_10 = tpu.memref_slice %arg2[%dma_start3A_8, %dma_start3A_9] : memref<10000x128xf32, #tpu.memory_space<hbm>> -> memref<10000x128xf32, #tpu.memory_space<hbm>>
    tpu.enqueue_indirect_dma source(%dma_start3A_10 : memref<10000x128xf32, #tpu.memory_space<hbm>>) target(%arg11 : memref<96x128xf32, #tpu.memory_space<vmem>>) offsets(%dma_start3A_7 : memref<96xi32, #tpu.memory_space<vmem>>) semaphore(%arg17 : memref<!tpu.dma_semaphore, #tpu.memory_space<semaphore_mem>>)
    %add3A_11 = arith.constant 96 : i32
    %add3A_12 = arith.addi %mul3A_2, %add3A_11 : i32
    %dma_start3A_13 = tpu.memref_slice %arg4[%add3A_12] : memref<320000xi32, #tpu.memory_space<hbm>> -> memref<96xi32, #tpu.memory_space<hbm>>
    %dma_start3A_14 = tpu.memref_slice %arg4[%add3A_12] : memref<320000xi32, #tpu.memory_space<hbm>> -> memref<96xi32, #tpu.memory_space<hbm>>
    tpu.enqueue_dma source(%dma_start3A_14 : memref<96xi32, #tpu.memory_space<hbm>>) target(%arg9 : memref<96xi32, #tpu.memory_space<vmem>>) target_semaphore(%arg21 : memref<!tpu.dma_semaphore, #tpu.memory_space<semaphore_mem>>)
    %dma_start3A_15 = arith.constant 96 : i32
    %dma_start3A_16 = tpu.memref_slice %arg7[%dma_start3A_15] : memref<10000xi32, #tpu.memory_space<vmem>> -> memref<96xi32, #tpu.memory_space<vmem>>
    %dma_start3A_17 = arith.constant 0 : i32
    %dma_start3A_18 = arith.constant 0 : i32
    %dma_start3A_19 = tpu.memref_slice %arg2[%dma_start3A_17, %dma_start3A_18] : memref<10000x128xf32, #tpu.memory_space<hbm>> -> memref<10000x128xf32, #tpu.memory_space<hbm>>
    tpu.enqueue_indirect_dma source(%dma_start3A_19 : memref<10000x128xf32, #tpu.memory_space<hbm>>) target(%arg12 : memref<96x128xf32, #tpu.memory_space<vmem>>) offsets(%dma_start3A_16 : memref<96xi32, #tpu.memory_space<vmem>>) semaphore(%arg18 : memref<!tpu.dma_semaphore, #tpu.memory_space<semaphore_mem>>)
    %add3A_20 = arith.constant 192 : i32
    %add3A_21 = arith.addi %mul3A_2, %add3A_20 : i32
    %dma_start3A_22 = tpu.memref_slice %arg4[%add3A_21] : memref<320000xi32, #tpu.memory_space<hbm>> -> memref<96xi32, #tpu.memory_space<hbm>>
    %dma_start3A_23 = tpu.memref_slice %arg4[%add3A_21] : memref<320000xi32, #tpu.memory_space<hbm>> -> memref<96xi32, #tpu.memory_space<hbm>>
    tpu.enqueue_dma source(%dma_start3A_23 : memref<96xi32, #tpu.memory_space<hbm>>) target(%arg10 : memref<96xi32, #tpu.memory_space<vmem>>) target_semaphore(%arg22 : memref<!tpu.dma_semaphore, #tpu.memory_space<semaphore_mem>>)
    %dma_start3A_24 = arith.constant 192 : i32
    %dma_start3A_25 = tpu.memref_slice %arg7[%dma_start3A_24] : memref<10000xi32, #tpu.memory_space<vmem>> -> memref<96xi32, #tpu.memory_space<vmem>>
    %dma_start3A_26 = arith.constant 0 : i32
    %dma_start3A_27 = arith.constant 0 : i32
    %dma_start3A_28 = tpu.memref_slice %arg2[%dma_start3A_26, %dma_start3A_27] : memref<10000x128xf32, #tpu.memory_space<hbm>> -> memref<10000x128xf32, #tpu.memory_space<hbm>>
    tpu.enqueue_indirect_dma source(%dma_start3A_28 : memref<10000x128xf32, #tpu.memory_space<hbm>>) target(%arg13 : memref<96x128xf32, #tpu.memory_space<vmem>>) offsets(%dma_start3A_25 : memref<96xi32, #tpu.memory_space<vmem>>) semaphore(%arg19 : memref<!tpu.dma_semaphore, #tpu.memory_space<semaphore_mem>>)
    %add3A_29 = arith.constant 9984 : i32
    %add3A_30 = arith.addi %mul3A_2, %add3A_29 : i32
    %dma_start3A_31 = tpu.memref_slice %arg4[%add3A_30] : memref<320000xi32, #tpu.memory_space<hbm>> -> memref<16xi32, #tpu.memory_space<hbm>>
    %dma_start3A_32 = tpu.memref_slice %arg4[%add3A_30] : memref<320000xi32, #tpu.memory_space<hbm>> -> memref<16xi32, #tpu.memory_space<hbm>>
    tpu.enqueue_dma source(%dma_start3A_32 : memref<16xi32, #tpu.memory_space<hbm>>) target(%arg14 : memref<16xi32, #tpu.memory_space<vmem>>) target_semaphore(%arg23 : memref<!tpu.dma_semaphore, #tpu.memory_space<semaphore_mem>>)
    %dma_start3A_33 = arith.constant 9984 : i32
    %dma_start3A_34 = tpu.memref_slice %arg7[%dma_start3A_33] : memref<10000xi32, #tpu.memory_space<vmem>> -> memref<16xi32, #tpu.memory_space<vmem>>
    %dma_start3A_35 = arith.constant 0 : i32
    %dma_start3A_36 = arith.constant 0 : i32
    %dma_start3A_37 = tpu.memref_slice %arg2[%dma_start3A_35, %dma_start3A_36] : memref<10000x128xf32, #tpu.memory_space<hbm>> -> memref<10000x128xf32, #tpu.memory_space<hbm>>
    tpu.enqueue_indirect_dma source(%dma_start3A_37 : memref<10000x128xf32, #tpu.memory_space<hbm>>) target(%arg15 : memref<16x128xf32, #tpu.memory_space<vmem>>) offsets(%dma_start3A_34 : memref<16xi32, #tpu.memory_space<vmem>>) semaphore(%arg23 : memref<!tpu.dma_semaphore, #tpu.memory_space<semaphore_mem>>)
    %mul3A_38 = arith.constant 624 : i32
    %mul3A_39 = arith.muli %arg1, %mul3A_38 : i32
    %eq3A = arith.constant 0 : i32
    %eq3A_40 = arith.cmpi eq, %arg0, %eq3A : i32
    %convert_element_type3A = arith.extui %eq3A_40 : i1 to i32
    %cond3A = arith.constant 0 : i32
    %cond3A_41 = arith.cmpi ne, %convert_element_type3A, %cond3A : i32
    scf.if %cond3A_41 {
      "tpu.region"() ({
        %run_scoped3A = tpu.sem_alloc : memref<!tpu.dma_semaphore, #tpu.memory_space<semaphore_mem>>
        %dma_start3A_93 = arith.constant 0 : i32
        %dma_start3A_94 = tpu.memref_slice %arg16[%mul3A_39, %dma_start3A_93] : memref<10000x128xf32, #tpu.memory_space<vmem_shared>> -> memref<624x128xf32, #tpu.memory_space<vmem_shared>>
        %dma_start3A_95 = arith.constant 0 : i32
        %dma_start3A_96 = tpu.memref_slice %arg2[%mul3A_39, %dma_start3A_95] : memref<10000x128xf32, #tpu.memory_space<hbm>> -> memref<624x128xf32, #tpu.memory_space<hbm>>
        tpu.enqueue_dma source(%dma_start3A_96 : memref<624x128xf32, #tpu.memory_space<hbm>>) target(%dma_start3A_94 : memref<624x128xf32, #tpu.memory_space<vmem_shared>>) target_semaphore(%run_scoped3A : memref<!tpu.dma_semaphore, #tpu.memory_space<semaphore_mem>>)
        %dma_wait3A_97 = arith.constant 0 : i32
        %dma_wait3A_98 = tpu.memref_slice %arg16[%mul3A_39, %dma_wait3A_97] : memref<10000x128xf32, #tpu.memory_space<vmem_shared>> -> memref<624x128xf32, #tpu.memory_space<vmem_shared>>
        %dma_wait3A_99 = arith.constant 0 : i32
        %dma_wait3A_100 = tpu.memref_slice %arg2[%mul3A_39, %dma_wait3A_99] : memref<10000x128xf32, #tpu.memory_space<hbm>> -> memref<624x128xf32, #tpu.memory_space<hbm>>
        tpu.wait_dma2 semaphore(%run_scoped3A : memref<!tpu.dma_semaphore, #tpu.memory_space<semaphore_mem>>) src(%dma_wait3A_100 : memref<624x128xf32, #tpu.memory_space<hbm>>) dst(%dma_wait3A_98 : memref<624x128xf32, #tpu.memory_space<vmem_shared>>)
        tpu.yield
      }) : () -> ()
    } else {
    }
    %eq3A_42 = arith.constant 1 : i32
    %eq3A_43 = arith.cmpi eq, %arg0, %eq3A_42 : i32
    %convert_element_type3A_44 = arith.extui %eq3A_43 : i1 to i32
    %cond3A_45 = arith.constant 0 : i32
    %cond3A_46 = arith.cmpi ne, %convert_element_type3A_44, %cond3A_45 : i32
    scf.if %cond3A_46 {
      "tpu.region"() ({
        %run_scoped3A = tpu.sem_alloc : memref<!tpu.dma_semaphore, #tpu.memory_space<semaphore_mem>>
        %dma_start3A_93 = arith.constant 0 : i32
        %dma_start3A_94 = tpu.memref_slice %arg16[%mul3A_39, %dma_start3A_93] : memref<10000x128xf32, #tpu.memory_space<vmem_shared>> -> memref<624x128xf32, #tpu.memory_space<vmem_shared>>
        %dma_start3A_95 = arith.constant 0 : i32
        %dma_start3A_96 = tpu.memref_slice %arg5[%mul3A_39, %dma_start3A_95] : memref<10000x128xf32, #tpu.memory_space<hbm>> -> memref<624x128xf32, #tpu.memory_space<hbm>>
        tpu.enqueue_dma source(%dma_start3A_96 : memref<624x128xf32, #tpu.memory_space<hbm>>) target(%dma_start3A_94 : memref<624x128xf32, #tpu.memory_space<vmem_shared>>) target_semaphore(%run_scoped3A : memref<!tpu.dma_semaphore, #tpu.memory_space<semaphore_mem>>)
        %dma_wait3A_97 = arith.constant 0 : i32
        %dma_wait3A_98 = tpu.memref_slice %arg16[%mul3A_39, %dma_wait3A_97] : memref<10000x128xf32, #tpu.memory_space<vmem_shared>> -> memref<624x128xf32, #tpu.memory_space<vmem_shared>>
        %dma_wait3A_99 = arith.constant 0 : i32
        %dma_wait3A_100 = tpu.memref_slice %arg5[%mul3A_39, %dma_wait3A_99] : memref<10000x128xf32, #tpu.memory_space<hbm>> -> memref<624x128xf32, #tpu.memory_space<hbm>>
        tpu.wait_dma2 semaphore(%run_scoped3A : memref<!tpu.dma_semaphore, #tpu.memory_space<semaphore_mem>>) src(%dma_wait3A_100 : memref<624x128xf32, #tpu.memory_space<hbm>>) dst(%dma_wait3A_98 : memref<624x128xf32, #tpu.memory_space<vmem_shared>>)
        tpu.yield
      }) : () -> ()
    } else {
    }
    %eq3A_47 = arith.constant 0 : i32
    %eq3A_48 = arith.cmpi eq, %arg1, %eq3A_47 : i32
    %convert_element_type3A_49 = arith.extui %eq3A_48 : i1 to i32
    %cond3A_50 = arith.constant 0 : i32
    %cond3A_51 = arith.cmpi ne, %convert_element_type3A_49, %cond3A_50 : i32
    scf.if %cond3A_51 {
      %eq3A_93 = arith.constant 0 : i32
      %eq3A_94 = arith.cmpi eq, %arg0, %eq3A_93 : i32
      %convert_element_type3A_95 = arith.extui %eq3A_94 : i1 to i32
      %cond3A_96 = arith.constant 0 : i32
      %cond3A_97 = arith.cmpi ne, %convert_element_type3A_95, %cond3A_96 : i32
      scf.if %cond3A_97 {
        "tpu.region"() ({
          %run_scoped3A = tpu.sem_alloc : memref<!tpu.dma_semaphore, #tpu.memory_space<semaphore_mem>>
          %dma_start3A_103 = arith.constant 9984 : i32
          %dma_start3A_104 = arith.constant 0 : i32
          %dma_start3A_105 = tpu.memref_slice %arg16[%dma_start3A_103, %dma_start3A_104] : memref<10000x128xf32, #tpu.memory_space<vmem_shared>> -> memref<16x128xf32, #tpu.memory_space<vmem_shared>>
          %dma_start3A_106 = arith.constant 9984 : i32
          %dma_start3A_107 = arith.constant 0 : i32
          %dma_start3A_108 = tpu.memref_slice %arg2[%dma_start3A_106, %dma_start3A_107] : memref<10000x128xf32, #tpu.memory_space<hbm>> -> memref<16x128xf32, #tpu.memory_space<hbm>>
          tpu.enqueue_dma source(%dma_start3A_108 : memref<16x128xf32, #tpu.memory_space<hbm>>) target(%dma_start3A_105 : memref<16x128xf32, #tpu.memory_space<vmem_shared>>) target_semaphore(%run_scoped3A : memref<!tpu.dma_semaphore, #tpu.memory_space<semaphore_mem>>)
          %dma_wait3A_109 = arith.constant 9984 : i32
          %dma_wait3A_110 = arith.constant 0 : i32
          %dma_wait3A_111 = tpu.memref_slice %arg16[%dma_wait3A_109, %dma_wait3A_110] : memref<10000x128xf32, #tpu.memory_space<vmem_shared>> -> memref<16x128xf32, #tpu.memory_space<vmem_shared>>
          %dma_wait3A_112 = arith.constant 9984 : i32
          %dma_wait3A_113 = arith.constant 0 : i32
          %dma_wait3A_114 = tpu.memref_slice %arg2[%dma_wait3A_112, %dma_wait3A_113] : memref<10000x128xf32, #tpu.memory_space<hbm>> -> memref<16x128xf32, #tpu.memory_space<hbm>>
          tpu.wait_dma2 semaphore(%run_scoped3A : memref<!tpu.dma_semaphore, #tpu.memory_space<semaphore_mem>>) src(%dma_wait3A_114 : memref<16x128xf32, #tpu.memory_space<hbm>>) dst(%dma_wait3A_111 : memref<16x128xf32, #tpu.memory_space<vmem_shared>>)
          tpu.yield
        }) : () -> ()
      } else {
      }
      %eq3A_98 = arith.constant 1 : i32
      %eq3A_99 = arith.cmpi eq, %arg0, %eq3A_98 : i32
      %convert_element_type3A_100 = arith.extui %eq3A_99 : i1 to i32
      %cond3A_101 = arith.constant 0 : i32
      %cond3A_102 = arith.cmpi ne, %convert_element_type3A_100, %cond3A_101 : i32
      scf.if %cond3A_102 {
        "tpu.region"() ({
          %run_scoped3A = tpu.sem_alloc : memref<!tpu.dma_semaphore, #tpu.memory_space<semaphore_mem>>
          %dma_start3A_103 = arith.constant 9984 : i32
          %dma_start3A_104 = arith.constant 0 : i32
          %dma_start3A_105 = tpu.memref_slice %arg16[%dma_start3A_103, %dma_start3A_104] : memref<10000x128xf32, #tpu.memory_space<vmem_shared>> -> memref<16x128xf32, #tpu.memory_space<vmem_shared>>
          %dma_start3A_106 = arith.constant 9984 : i32
          %dma_start3A_107 = arith.constant 0 : i32
          %dma_start3A_108 = tpu.memref_slice %arg5[%dma_start3A_106, %dma_start3A_107] : memref<10000x128xf32, #tpu.memory_space<hbm>> -> memref<16x128xf32, #tpu.memory_space<hbm>>
          tpu.enqueue_dma source(%dma_start3A_108 : memref<16x128xf32, #tpu.memory_space<hbm>>) target(%dma_start3A_105 : memref<16x128xf32, #tpu.memory_space<vmem_shared>>) target_semaphore(%run_scoped3A : memref<!tpu.dma_semaphore, #tpu.memory_space<semaphore_mem>>)
          %dma_wait3A_109 = arith.constant 9984 : i32
          %dma_wait3A_110 = arith.constant 0 : i32
          %dma_wait3A_111 = tpu.memref_slice %arg16[%dma_wait3A_109, %dma_wait3A_110] : memref<10000x128xf32, #tpu.memory_space<vmem_shared>> -> memref<16x128xf32, #tpu.memory_space<vmem_shared>>
          %dma_wait3A_112 = arith.constant 9984 : i32
          %dma_wait3A_113 = arith.constant 0 : i32
          %dma_wait3A_114 = tpu.memref_slice %arg5[%dma_wait3A_112, %dma_wait3A_113] : memref<10000x128xf32, #tpu.memory_space<hbm>> -> memref<16x128xf32, #tpu.memory_space<hbm>>
          tpu.wait_dma2 semaphore(%run_scoped3A : memref<!tpu.dma_semaphore, #tpu.memory_space<semaphore_mem>>) src(%dma_wait3A_114 : memref<16x128xf32, #tpu.memory_space<hbm>>) dst(%dma_wait3A_111 : memref<16x128xf32, #tpu.memory_space<vmem_shared>>)
          tpu.yield
        }) : () -> ()
      } else {
      }
    } else {
    }
    %barrier3A = arith.constant 0 : index
    tpu.barrier barrier_id(%barrier3A)
    %scan3A = arith.constant 0 : i32
    %scan3A_52 = arith.constant 34 : i32
    %scan3A_53 = arith.addi %scan3A, %scan3A_52 : i32
    %scan3A_54 = arith.constant 1 : i32
    scf.for %scan3A_93 = %scan3A to %scan3A_53 step %scan3A_54  : i32 {
      %mul3A_94 = arith.constant 3 : i32
      %mul3A_95 = arith.muli %scan3A_93, %mul3A_94 : i32
      %add3A_96 = arith.constant 0 : i32
      %add3A_97 = arith.addi %add3A_96, %mul3A_95 : i32
      %add3A_98 = arith.constant 0 : i32
      %add3A_99 = arith.addi %add3A_97, %add3A_98 : i32
      %dma_wait3A_100 = arith.constant 0 : i32
      %dma_wait3A_101 = tpu.memref_slice %arg4[%dma_wait3A_100] : memref<320000xi32, #tpu.memory_space<hbm>> -> memref<96xi32, #tpu.memory_space<hbm>>
      %dma_wait3A_102 = arith.constant 0 : i32
      %dma_wait3A_103 = tpu.memref_slice %arg4[%dma_wait3A_102] : memref<320000xi32, #tpu.memory_space<hbm>> -> memref<96xi32, #tpu.memory_space<hbm>>
      tpu.wait_dma2 semaphore(%arg20 : memref<!tpu.dma_semaphore, #tpu.memory_space<semaphore_mem>>) src(%dma_wait3A_103 : memref<96xi32, #tpu.memory_space<hbm>>) dst(%arg8 : memref<96xi32, #tpu.memory_space<vmem>>)
      %dma_wait3A_104 = arith.constant 0 : i32
      %dma_wait3A_105 = arith.constant 0 : i32
      %dma_wait3A_106 = tpu.memref_slice %arg2[%dma_wait3A_104, %dma_wait3A_105] : memref<10000x128xf32, #tpu.memory_space<hbm>> -> memref<96x128xf32, #tpu.memory_space<hbm>>
      %dma_wait3A_107 = arith.constant 0 : i32
      %dma_wait3A_108 = arith.constant 0 : i32
      %dma_wait3A_109 = tpu.memref_slice %arg2[%dma_wait3A_107, %dma_wait3A_108] : memref<10000x128xf32, #tpu.memory_space<hbm>> -> memref<96x128xf32, #tpu.memory_space<hbm>>
      tpu.wait_dma2 semaphore(%arg17 : memref<!tpu.dma_semaphore, #tpu.memory_space<semaphore_mem>>) src(%dma_wait3A_109 : memref<96x128xf32, #tpu.memory_space<hbm>>) dst(%arg11 : memref<96x128xf32, #tpu.memory_space<vmem>>)
      "tpu.region"() ({
        %run_scoped3A = tpu.sem_alloc : memref<!tpu.dma_semaphore, #tpu.memory_space<semaphore_mem>>
        %dma_start3A_154 = arith.constant 0 : i32
        %dma_start3A_155 = arith.constant 0 : i32
        %dma_start3A_156 = tpu.memref_slice %arg16[%dma_start3A_154, %dma_start3A_155] : memref<10000x128xf32, #tpu.memory_space<vmem_shared>> -> memref<10000x128xf32, #tpu.memory_space<vmem_shared>>
        tpu.enqueue_indirect_dma source(%arg11 : memref<96x128xf32, #tpu.memory_space<vmem>>) target(%dma_start3A_156 : memref<10000x128xf32, #tpu.memory_space<vmem_shared>>) offsets(%arg8 : memref<96xi32, #tpu.memory_space<vmem>>) semaphore(%run_scoped3A : memref<!tpu.dma_semaphore, #tpu.memory_space<semaphore_mem>>) {add = true}
        %dma_wait3A_157 = arith.constant 0 : i32
        %dma_wait3A_158 = arith.constant 0 : i32
        %dma_wait3A_159 = tpu.memref_slice %arg16[%dma_wait3A_157, %dma_wait3A_158] : memref<10000x128xf32, #tpu.memory_space<vmem_shared>> -> memref<10000x128xf32, #tpu.memory_space<vmem_shared>>
        tpu.wait_indirect_dma semaphore(%run_scoped3A : memref<!tpu.dma_semaphore, #tpu.memory_space<semaphore_mem>>) src(%arg11 : memref<96x128xf32, #tpu.memory_space<vmem>>) dst(%dma_wait3A_159 : memref<10000x128xf32, #tpu.memory_space<vmem_shared>>)
        tpu.yield
      }) : () -> ()
      %add3A_110 = arith.constant 3 : i32
      %add3A_111 = arith.addi %add3A_99, %add3A_110 : i32
      %lt3A = arith.constant 104 : i32
      %lt3A_112 = arith.cmpi slt, %add3A_111, %lt3A : i32
      %convert_element_type3A_113 = arith.extui %lt3A_112 : i1 to i32
      %cond3A_114 = arith.constant 0 : i32
      %cond3A_115 = arith.cmpi ne, %convert_element_type3A_113, %cond3A_114 : i32
      scf.if %cond3A_115 {
        %add3A_154 = arith.constant 3 : i32
        %add3A_155 = arith.addi %add3A_99, %add3A_154 : i32
        %mul3A_156 = arith.constant 96 : i32
        %mul3A_157 = arith.muli %add3A_155, %mul3A_156 : i32
        %add3A_158 = arith.addi %mul3A_2, %mul3A_157 : i32
        %dma_start3A_159 = tpu.memref_slice %arg4[%add3A_158] : memref<320000xi32, #tpu.memory_space<hbm>> -> memref<96xi32, #tpu.memory_space<hbm>>
        %dma_start3A_160 = tpu.memref_slice %arg4[%add3A_158] : memref<320000xi32, #tpu.memory_space<hbm>> -> memref<96xi32, #tpu.memory_space<hbm>>
        tpu.enqueue_dma source(%dma_start3A_160 : memref<96xi32, #tpu.memory_space<hbm>>) target(%arg8 : memref<96xi32, #tpu.memory_space<vmem>>) target_semaphore(%arg20 : memref<!tpu.dma_semaphore, #tpu.memory_space<semaphore_mem>>)
        %dma_start3A_161 = tpu.memref_slice %arg7[%mul3A_157] : memref<10000xi32, #tpu.memory_space<vmem>> -> memref<96xi32, #tpu.memory_space<vmem>>
        %dma_start3A_162 = arith.constant 0 : i32
        %dma_start3A_163 = arith.constant 0 : i32
        %dma_start3A_164 = tpu.memref_slice %arg2[%dma_start3A_162, %dma_start3A_163] : memref<10000x128xf32, #tpu.memory_space<hbm>> -> memref<10000x128xf32, #tpu.memory_space<hbm>>
        tpu.enqueue_indirect_dma source(%dma_start3A_164 : memref<10000x128xf32, #tpu.memory_space<hbm>>) target(%arg11 : memref<96x128xf32, #tpu.memory_space<vmem>>) offsets(%dma_start3A_161 : memref<96xi32, #tpu.memory_space<vmem>>) semaphore(%arg17 : memref<!tpu.dma_semaphore, #tpu.memory_space<semaphore_mem>>)
      } else {
      }
      %add3A_116 = arith.constant 1 : i32
      %add3A_117 = arith.addi %add3A_97, %add3A_116 : i32
      %dma_wait3A_118 = arith.constant 0 : i32
      %dma_wait3A_119 = tpu.memref_slice %arg4[%dma_wait3A_118] : memref<320000xi32, #tpu.memory_space<hbm>> -> memref<96xi32, #tpu.memory_space<hbm>>
      %dma_wait3A_120 = arith.constant 0 : i32
      %dma_wait3A_121 = tpu.memref_slice %arg4[%dma_wait3A_120] : memref<320000xi32, #tpu.memory_space<hbm>> -> memref<96xi32, #tpu.memory_space<hbm>>
      tpu.wait_dma2 semaphore(%arg21 : memref<!tpu.dma_semaphore, #tpu.memory_space<semaphore_mem>>) src(%dma_wait3A_121 : memref<96xi32, #tpu.memory_space<hbm>>) dst(%arg9 : memref<96xi32, #tpu.memory_space<vmem>>)
      %dma_wait3A_122 = arith.constant 0 : i32
      %dma_wait3A_123 = arith.constant 0 : i32
      %dma_wait3A_124 = tpu.memref_slice %arg2[%dma_wait3A_122, %dma_wait3A_123] : memref<10000x128xf32, #tpu.memory_space<hbm>> -> memref<96x128xf32, #tpu.memory_space<hbm>>
      %dma_wait3A_125 = arith.constant 0 : i32
      %dma_wait3A_126 = arith.constant 0 : i32
      %dma_wait3A_127 = tpu.memref_slice %arg2[%dma_wait3A_125, %dma_wait3A_126] : memref<10000x128xf32, #tpu.memory_space<hbm>> -> memref<96x128xf32, #tpu.memory_space<hbm>>
      tpu.wait_dma2 semaphore(%arg18 : memref<!tpu.dma_semaphore, #tpu.memory_space<semaphore_mem>>) src(%dma_wait3A_127 : memref<96x128xf32, #tpu.memory_space<hbm>>) dst(%arg12 : memref<96x128xf32, #tpu.memory_space<vmem>>)
      "tpu.region"() ({
        %run_scoped3A = tpu.sem_alloc : memref<!tpu.dma_semaphore, #tpu.memory_space<semaphore_mem>>
        %dma_start3A_154 = arith.constant 0 : i32
        %dma_start3A_155 = arith.constant 0 : i32
        %dma_start3A_156 = tpu.memref_slice %arg16[%dma_start3A_154, %dma_start3A_155] : memref<10000x128xf32, #tpu.memory_space<vmem_shared>> -> memref<10000x128xf32, #tpu.memory_space<vmem_shared>>
        tpu.enqueue_indirect_dma source(%arg12 : memref<96x128xf32, #tpu.memory_space<vmem>>) target(%dma_start3A_156 : memref<10000x128xf32, #tpu.memory_space<vmem_shared>>) offsets(%arg9 : memref<96xi32, #tpu.memory_space<vmem>>) semaphore(%run_scoped3A : memref<!tpu.dma_semaphore, #tpu.memory_space<semaphore_mem>>) {add = true}
        %dma_wait3A_157 = arith.constant 0 : i32
        %dma_wait3A_158 = arith.constant 0 : i32
        %dma_wait3A_159 = tpu.memref_slice %arg16[%dma_wait3A_157, %dma_wait3A_158] : memref<10000x128xf32, #tpu.memory_space<vmem_shared>> -> memref<10000x128xf32, #tpu.memory_space<vmem_shared>>
        tpu.wait_indirect_dma semaphore(%run_scoped3A : memref<!tpu.dma_semaphore, #tpu.memory_space<semaphore_mem>>) src(%arg12 : memref<96x128xf32, #tpu.memory_space<vmem>>) dst(%dma_wait3A_159 : memref<10000x128xf32, #tpu.memory_space<vmem_shared>>)
        tpu.yield
      }) : () -> ()
      %add3A_128 = arith.constant 3 : i32
      %add3A_129 = arith.addi %add3A_117, %add3A_128 : i32
      %lt3A_130 = arith.constant 104 : i32
      %lt3A_131 = arith.cmpi slt, %add3A_129, %lt3A_130 : i32
      %convert_element_type3A_132 = arith.extui %lt3A_131 : i1 to i32
      %cond3A_133 = arith.constant 0 : i32
      %cond3A_134 = arith.cmpi ne, %convert_element_type3A_132, %cond3A_133 : i32
      scf.if %cond3A_134 {
        %add3A_154 = arith.constant 3 : i32
        %add3A_155 = arith.addi %add3A_117, %add3A_154 : i32
        %mul3A_156 = arith.constant 96 : i32
        %mul3A_157 = arith.muli %add3A_155, %mul3A_156 : i32
        %add3A_158 = arith.addi %mul3A_2, %mul3A_157 : i32
        %dma_start3A_159 = tpu.memref_slice %arg4[%add3A_158] : memref<320000xi32, #tpu.memory_space<hbm>> -> memref<96xi32, #tpu.memory_space<hbm>>
        %dma_start3A_160 = tpu.memref_slice %arg4[%add3A_158] : memref<320000xi32, #tpu.memory_space<hbm>> -> memref<96xi32, #tpu.memory_space<hbm>>
        tpu.enqueue_dma source(%dma_start3A_160 : memref<96xi32, #tpu.memory_space<hbm>>) target(%arg9 : memref<96xi32, #tpu.memory_space<vmem>>) target_semaphore(%arg21 : memref<!tpu.dma_semaphore, #tpu.memory_space<semaphore_mem>>)
        %dma_start3A_161 = tpu.memref_slice %arg7[%mul3A_157] : memref<10000xi32, #tpu.memory_space<vmem>> -> memref<96xi32, #tpu.memory_space<vmem>>
        %dma_start3A_162 = arith.constant 0 : i32
        %dma_start3A_163 = arith.constant 0 : i32
        %dma_start3A_164 = tpu.memref_slice %arg2[%dma_start3A_162, %dma_start3A_163] : memref<10000x128xf32, #tpu.memory_space<hbm>> -> memref<10000x128xf32, #tpu.memory_space<hbm>>
        tpu.enqueue_indirect_dma source(%dma_start3A_164 : memref<10000x128xf32, #tpu.memory_space<hbm>>) target(%arg12 : memref<96x128xf32, #tpu.memory_space<vmem>>) offsets(%dma_start3A_161 : memref<96xi32, #tpu.memory_space<vmem>>) semaphore(%arg18 : memref<!tpu.dma_semaphore, #tpu.memory_space<semaphore_mem>>)
      } else {
      }
      %add3A_135 = arith.constant 2 : i32
      %add3A_136 = arith.addi %add3A_97, %add3A_135 : i32
      %dma_wait3A_137 = arith.constant 0 : i32
      %dma_wait3A_138 = tpu.memref_slice %arg4[%dma_wait3A_137] : memref<320000xi32, #tpu.memory_space<hbm>> -> memref<96xi32, #tpu.memory_space<hbm>>
      %dma_wait3A_139 = arith.constant 0 : i32
      %dma_wait3A_140 = tpu.memref_slice %arg4[%dma_wait3A_139] : memref<320000xi32, #tpu.memory_space<hbm>> -> memref<96xi32, #tpu.memory_space<hbm>>
      tpu.wait_dma2 semaphore(%arg22 : memref<!tpu.dma_semaphore, #tpu.memory_space<semaphore_mem>>) src(%dma_wait3A_140 : memref<96xi32, #tpu.memory_space<hbm>>) dst(%arg10 : memref<96xi32, #tpu.memory_space<vmem>>)
      %dma_wait3A_141 = arith.constant 0 : i32
      %dma_wait3A_142 = arith.constant 0 : i32
      %dma_wait3A_143 = tpu.memref_slice %arg2[%dma_wait3A_141, %dma_wait3A_142] : memref<10000x128xf32, #tpu.memory_space<hbm>> -> memref<96x128xf32, #tpu.memory_space<hbm>>
      %dma_wait3A_144 = arith.constant 0 : i32
      %dma_wait3A_145 = arith.constant 0 : i32
      %dma_wait3A_146 = tpu.memref_slice %arg2[%dma_wait3A_144, %dma_wait3A_145] : memref<10000x128xf32, #tpu.memory_space<hbm>> -> memref<96x128xf32, #tpu.memory_space<hbm>>
      tpu.wait_dma2 semaphore(%arg19 : memref<!tpu.dma_semaphore, #tpu.memory_space<semaphore_mem>>) src(%dma_wait3A_146 : memref<96x128xf32, #tpu.memory_space<hbm>>) dst(%arg13 : memref<96x128xf32, #tpu.memory_space<vmem>>)
      "tpu.region"() ({
        %run_scoped3A = tpu.sem_alloc : memref<!tpu.dma_semaphore, #tpu.memory_space<semaphore_mem>>
        %dma_start3A_154 = arith.constant 0 : i32
        %dma_start3A_155 = arith.constant 0 : i32
        %dma_start3A_156 = tpu.memref_slice %arg16[%dma_start3A_154, %dma_start3A_155] : memref<10000x128xf32, #tpu.memory_space<vmem_shared>> -> memref<10000x128xf32, #tpu.memory_space<vmem_shared>>
        tpu.enqueue_indirect_dma source(%arg13 : memref<96x128xf32, #tpu.memory_space<vmem>>) target(%dma_start3A_156 : memref<10000x128xf32, #tpu.memory_space<vmem_shared>>) offsets(%arg10 : memref<96xi32, #tpu.memory_space<vmem>>) semaphore(%run_scoped3A : memref<!tpu.dma_semaphore, #tpu.memory_space<semaphore_mem>>) {add = true}
        %dma_wait3A_157 = arith.constant 0 : i32
        %dma_wait3A_158 = arith.constant 0 : i32
        %dma_wait3A_159 = tpu.memref_slice %arg16[%dma_wait3A_157, %dma_wait3A_158] : memref<10000x128xf32, #tpu.memory_space<vmem_shared>> -> memref<10000x128xf32, #tpu.memory_space<vmem_shared>>
        tpu.wait_indirect_dma semaphore(%run_scoped3A : memref<!tpu.dma_semaphore, #tpu.memory_space<semaphore_mem>>) src(%arg13 : memref<96x128xf32, #tpu.memory_space<vmem>>) dst(%dma_wait3A_159 : memref<10000x128xf32, #tpu.memory_space<vmem_shared>>)
        tpu.yield
      }) : () -> ()
      %add3A_147 = arith.constant 3 : i32
      %add3A_148 = arith.addi %add3A_136, %add3A_147 : i32
      %lt3A_149 = arith.constant 104 : i32
      %lt3A_150 = arith.cmpi slt, %add3A_148, %lt3A_149 : i32
      %convert_element_type3A_151 = arith.extui %lt3A_150 : i1 to i32
      %cond3A_152 = arith.constant 0 : i32
      %cond3A_153 = arith.cmpi ne, %convert_element_type3A_151, %cond3A_152 : i32
      scf.if %cond3A_153 {
        %add3A_154 = arith.constant 3 : i32
        %add3A_155 = arith.addi %add3A_136, %add3A_154 : i32
        %mul3A_156 = arith.constant 96 : i32
        %mul3A_157 = arith.muli %add3A_155, %mul3A_156 : i32
        %add3A_158 = arith.addi %mul3A_2, %mul3A_157 : i32
        %dma_start3A_159 = tpu.memref_slice %arg4[%add3A_158] : memref<320000xi32, #tpu.memory_space<hbm>> -> memref<96xi32, #tpu.memory_space<hbm>>
        %dma_start3A_160 = tpu.memref_slice %arg4[%add3A_158] : memref<320000xi32, #tpu.memory_space<hbm>> -> memref<96xi32, #tpu.memory_space<hbm>>
        tpu.enqueue_dma source(%dma_start3A_160 : memref<96xi32, #tpu.memory_space<hbm>>) target(%arg10 : memref<96xi32, #tpu.memory_space<vmem>>) target_semaphore(%arg22 : memref<!tpu.dma_semaphore, #tpu.memory_space<semaphore_mem>>)
        %dma_start3A_161 = tpu.memref_slice %arg7[%mul3A_157] : memref<10000xi32, #tpu.memory_space<vmem>> -> memref<96xi32, #tpu.memory_space<vmem>>
        %dma_start3A_162 = arith.constant 0 : i32
        %dma_start3A_163 = arith.constant 0 : i32
        %dma_start3A_164 = tpu.memref_slice %arg2[%dma_start3A_162, %dma_start3A_163] : memref<10000x128xf32, #tpu.memory_space<hbm>> -> memref<10000x128xf32, #tpu.memory_space<hbm>>
        tpu.enqueue_indirect_dma source(%dma_start3A_164 : memref<10000x128xf32, #tpu.memory_space<hbm>>) target(%arg13 : memref<96x128xf32, #tpu.memory_space<vmem>>) offsets(%dma_start3A_161 : memref<96xi32, #tpu.memory_space<vmem>>) semaphore(%arg19 : memref<!tpu.dma_semaphore, #tpu.memory_space<semaphore_mem>>)
      } else {
      }
    }
    %scan3A_55 = arith.constant 34 : i32
    %dma_wait3A = arith.constant 0 : i32
    %dma_wait3A_56 = tpu.memref_slice %arg4[%dma_wait3A] : memref<320000xi32, #tpu.memory_space<hbm>> -> memref<96xi32, #tpu.memory_space<hbm>>
    %dma_wait3A_57 = arith.constant 0 : i32
    %dma_wait3A_58 = tpu.memref_slice %arg4[%dma_wait3A_57] : memref<320000xi32, #tpu.memory_space<hbm>> -> memref<96xi32, #tpu.memory_space<hbm>>
    tpu.wait_dma2 semaphore(%arg20 : memref<!tpu.dma_semaphore, #tpu.memory_space<semaphore_mem>>) src(%dma_wait3A_58 : memref<96xi32, #tpu.memory_space<hbm>>) dst(%arg8 : memref<96xi32, #tpu.memory_space<vmem>>)
    %dma_wait3A_59 = arith.constant 0 : i32
    %dma_wait3A_60 = arith.constant 0 : i32
    %dma_wait3A_61 = tpu.memref_slice %arg2[%dma_wait3A_59, %dma_wait3A_60] : memref<10000x128xf32, #tpu.memory_space<hbm>> -> memref<96x128xf32, #tpu.memory_space<hbm>>
    %dma_wait3A_62 = arith.constant 0 : i32
    %dma_wait3A_63 = arith.constant 0 : i32
    %dma_wait3A_64 = tpu.memref_slice %arg2[%dma_wait3A_62, %dma_wait3A_63] : memref<10000x128xf32, #tpu.memory_space<hbm>> -> memref<96x128xf32, #tpu.memory_space<hbm>>
    tpu.wait_dma2 semaphore(%arg17 : memref<!tpu.dma_semaphore, #tpu.memory_space<semaphore_mem>>) src(%dma_wait3A_64 : memref<96x128xf32, #tpu.memory_space<hbm>>) dst(%arg11 : memref<96x128xf32, #tpu.memory_space<vmem>>)
    "tpu.region"() ({
      %run_scoped3A = tpu.sem_alloc : memref<!tpu.dma_semaphore, #tpu.memory_space<semaphore_mem>>
      %dma_start3A_93 = arith.constant 0 : i32
      %dma_start3A_94 = arith.constant 0 : i32
      %dma_start3A_95 = tpu.memref_slice %arg16[%dma_start3A_93, %dma_start3A_94] : memref<10000x128xf32, #tpu.memory_space<vmem_shared>> -> memref<10000x128xf32, #tpu.memory_space<vmem_shared>>
      tpu.enqueue_indirect_dma source(%arg11 : memref<96x128xf32, #tpu.memory_space<vmem>>) target(%dma_start3A_95 : memref<10000x128xf32, #tpu.memory_space<vmem_shared>>) offsets(%arg8 : memref<96xi32, #tpu.memory_space<vmem>>) semaphore(%run_scoped3A : memref<!tpu.dma_semaphore, #tpu.memory_space<semaphore_mem>>) {add = true}
      %dma_wait3A_96 = arith.constant 0 : i32
      %dma_wait3A_97 = arith.constant 0 : i32
      %dma_wait3A_98 = tpu.memref_slice %arg16[%dma_wait3A_96, %dma_wait3A_97] : memref<10000x128xf32, #tpu.memory_space<vmem_shared>> -> memref<10000x128xf32, #tpu.memory_space<vmem_shared>>
      tpu.wait_indirect_dma semaphore(%run_scoped3A : memref<!tpu.dma_semaphore, #tpu.memory_space<semaphore_mem>>) src(%arg11 : memref<96x128xf32, #tpu.memory_space<vmem>>) dst(%dma_wait3A_98 : memref<10000x128xf32, #tpu.memory_space<vmem_shared>>)
      tpu.yield
    }) : () -> ()
    %dma_wait3A_65 = arith.constant 0 : i32
    %dma_wait3A_66 = tpu.memref_slice %arg4[%dma_wait3A_65] : memref<320000xi32, #tpu.memory_space<hbm>> -> memref<96xi32, #tpu.memory_space<hbm>>
    %dma_wait3A_67 = arith.constant 0 : i32
    %dma_wait3A_68 = tpu.memref_slice %arg4[%dma_wait3A_67] : memref<320000xi32, #tpu.memory_space<hbm>> -> memref<96xi32, #tpu.memory_space<hbm>>
    tpu.wait_dma2 semaphore(%arg21 : memref<!tpu.dma_semaphore, #tpu.memory_space<semaphore_mem>>) src(%dma_wait3A_68 : memref<96xi32, #tpu.memory_space<hbm>>) dst(%arg9 : memref<96xi32, #tpu.memory_space<vmem>>)
    %dma_wait3A_69 = arith.constant 0 : i32
    %dma_wait3A_70 = arith.constant 0 : i32
    %dma_wait3A_71 = tpu.memref_slice %arg2[%dma_wait3A_69, %dma_wait3A_70] : memref<10000x128xf32, #tpu.memory_space<hbm>> -> memref<96x128xf32, #tpu.memory_space<hbm>>
    %dma_wait3A_72 = arith.constant 0 : i32
    %dma_wait3A_73 = arith.constant 0 : i32
    %dma_wait3A_74 = tpu.memref_slice %arg2[%dma_wait3A_72, %dma_wait3A_73] : memref<10000x128xf32, #tpu.memory_space<hbm>> -> memref<96x128xf32, #tpu.memory_space<hbm>>
    tpu.wait_dma2 semaphore(%arg18 : memref<!tpu.dma_semaphore, #tpu.memory_space<semaphore_mem>>) src(%dma_wait3A_74 : memref<96x128xf32, #tpu.memory_space<hbm>>) dst(%arg12 : memref<96x128xf32, #tpu.memory_space<vmem>>)
    "tpu.region"() ({
      %run_scoped3A = tpu.sem_alloc : memref<!tpu.dma_semaphore, #tpu.memory_space<semaphore_mem>>
      %dma_start3A_93 = arith.constant 0 : i32
      %dma_start3A_94 = arith.constant 0 : i32
      %dma_start3A_95 = tpu.memref_slice %arg16[%dma_start3A_93, %dma_start3A_94] : memref<10000x128xf32, #tpu.memory_space<vmem_shared>> -> memref<10000x128xf32, #tpu.memory_space<vmem_shared>>
      tpu.enqueue_indirect_dma source(%arg12 : memref<96x128xf32, #tpu.memory_space<vmem>>) target(%dma_start3A_95 : memref<10000x128xf32, #tpu.memory_space<vmem_shared>>) offsets(%arg9 : memref<96xi32, #tpu.memory_space<vmem>>) semaphore(%run_scoped3A : memref<!tpu.dma_semaphore, #tpu.memory_space<semaphore_mem>>) {add = true}
      %dma_wait3A_96 = arith.constant 0 : i32
      %dma_wait3A_97 = arith.constant 0 : i32
      %dma_wait3A_98 = tpu.memref_slice %arg16[%dma_wait3A_96, %dma_wait3A_97] : memref<10000x128xf32, #tpu.memory_space<vmem_shared>> -> memref<10000x128xf32, #tpu.memory_space<vmem_shared>>
      tpu.wait_indirect_dma semaphore(%run_scoped3A : memref<!tpu.dma_semaphore, #tpu.memory_space<semaphore_mem>>) src(%arg12 : memref<96x128xf32, #tpu.memory_space<vmem>>) dst(%dma_wait3A_98 : memref<10000x128xf32, #tpu.memory_space<vmem_shared>>)
      tpu.yield
    }) : () -> ()
    %dma_wait3A_75 = arith.constant 0 : i32
    %dma_wait3A_76 = tpu.memref_slice %arg4[%dma_wait3A_75] : memref<320000xi32, #tpu.memory_space<hbm>> -> memref<16xi32, #tpu.memory_space<hbm>>
    %dma_wait3A_77 = arith.constant 0 : i32
    %dma_wait3A_78 = tpu.memref_slice %arg4[%dma_wait3A_77] : memref<320000xi32, #tpu.memory_space<hbm>> -> memref<16xi32, #tpu.memory_space<hbm>>
    tpu.wait_dma2 semaphore(%arg23 : memref<!tpu.dma_semaphore, #tpu.memory_space<semaphore_mem>>) src(%dma_wait3A_78 : memref<16xi32, #tpu.memory_space<hbm>>) dst(%arg14 : memref<16xi32, #tpu.memory_space<vmem>>)
    %dma_wait3A_79 = arith.constant 0 : i32
    %dma_wait3A_80 = arith.constant 0 : i32
    %dma_wait3A_81 = tpu.memref_slice %arg2[%dma_wait3A_79, %dma_wait3A_80] : memref<10000x128xf32, #tpu.memory_space<hbm>> -> memref<16x128xf32, #tpu.memory_space<hbm>>
    %dma_wait3A_82 = arith.constant 0 : i32
    %dma_wait3A_83 = arith.constant 0 : i32
    %dma_wait3A_84 = tpu.memref_slice %arg2[%dma_wait3A_82, %dma_wait3A_83] : memref<10000x128xf32, #tpu.memory_space<hbm>> -> memref<16x128xf32, #tpu.memory_space<hbm>>
    tpu.wait_dma2 semaphore(%arg23 : memref<!tpu.dma_semaphore, #tpu.memory_space<semaphore_mem>>) src(%dma_wait3A_84 : memref<16x128xf32, #tpu.memory_space<hbm>>) dst(%arg15 : memref<16x128xf32, #tpu.memory_space<vmem>>)
    "tpu.region"() ({
      %run_scoped3A = tpu.sem_alloc : memref<!tpu.dma_semaphore, #tpu.memory_space<semaphore_mem>>
      %dma_start3A_93 = arith.constant 0 : i32
      %dma_start3A_94 = arith.constant 0 : i32
      %dma_start3A_95 = tpu.memref_slice %arg16[%dma_start3A_93, %dma_start3A_94] : memref<10000x128xf32, #tpu.memory_space<vmem_shared>> -> memref<10000x128xf32, #tpu.memory_space<vmem_shared>>
      tpu.enqueue_indirect_dma source(%arg15 : memref<16x128xf32, #tpu.memory_space<vmem>>) target(%dma_start3A_95 : memref<10000x128xf32, #tpu.memory_space<vmem_shared>>) offsets(%arg14 : memref<16xi32, #tpu.memory_space<vmem>>) semaphore(%run_scoped3A : memref<!tpu.dma_semaphore, #tpu.memory_space<semaphore_mem>>) {add = true}
      %dma_wait3A_96 = arith.constant 0 : i32
      %dma_wait3A_97 = arith.constant 0 : i32
      %dma_wait3A_98 = tpu.memref_slice %arg16[%dma_wait3A_96, %dma_wait3A_97] : memref<10000x128xf32, #tpu.memory_space<vmem_shared>> -> memref<10000x128xf32, #tpu.memory_space<vmem_shared>>
      tpu.wait_indirect_dma semaphore(%run_scoped3A : memref<!tpu.dma_semaphore, #tpu.memory_space<semaphore_mem>>) src(%arg15 : memref<16x128xf32, #tpu.memory_space<vmem>>) dst(%dma_wait3A_98 : memref<10000x128xf32, #tpu.memory_space<vmem_shared>>)
      tpu.yield
    }) : () -> ()
    %barrier3A_85 = arith.constant 0 : index
    tpu.barrier barrier_id(%barrier3A_85)
    %mul3A_86 = arith.constant 624 : i32
    %mul3A_87 = arith.muli %arg1, %mul3A_86 : i32
    "tpu.region"() ({
      %run_scoped3A = tpu.sem_alloc : memref<!tpu.dma_semaphore, #tpu.memory_space<semaphore_mem>>
      %dma_start3A_93 = arith.constant 0 : i32
      %dma_start3A_94 = tpu.memref_slice %arg6[%arg0, %mul3A_87, %dma_start3A_93] : memref<2x10000x128xf32, #tpu.memory_space<hbm>> -> memref<1x624x128xf32, #tpu.memory_space<hbm>>
      %dma_start3A_95 = tpu.memref_squeeze %dma_start3A_94 : memref<1x624x128xf32, #tpu.memory_space<hbm>> -> memref<624x128xf32, #tpu.memory_space<hbm>>
      %dma_start3A_96 = arith.constant 0 : i32
      %dma_start3A_97 = tpu.memref_slice %arg16[%mul3A_87, %dma_start3A_96] : memref<10000x128xf32, #tpu.memory_space<vmem_shared>> -> memref<624x128xf32, #tpu.memory_space<vmem_shared>>
      tpu.enqueue_dma source(%dma_start3A_97 : memref<624x128xf32, #tpu.memory_space<vmem_shared>>) target(%dma_start3A_95 : memref<624x128xf32, #tpu.memory_space<hbm>>) target_semaphore(%run_scoped3A : memref<!tpu.dma_semaphore, #tpu.memory_space<semaphore_mem>>)
      %dma_wait3A_98 = arith.constant 0 : i32
      %dma_wait3A_99 = tpu.memref_slice %arg6[%arg0, %mul3A_87, %dma_wait3A_98] : memref<2x10000x128xf32, #tpu.memory_space<hbm>> -> memref<1x624x128xf32, #tpu.memory_space<hbm>>
      %dma_wait3A_100 = tpu.memref_squeeze %dma_wait3A_99 : memref<1x624x128xf32, #tpu.memory_space<hbm>> -> memref<624x128xf32, #tpu.memory_space<hbm>>
      %dma_wait3A_101 = arith.constant 0 : i32
      %dma_wait3A_102 = tpu.memref_slice %arg16[%mul3A_87, %dma_wait3A_101] : memref<10000x128xf32, #tpu.memory_space<vmem_shared>> -> memref<624x128xf32, #tpu.memory_space<vmem_shared>>
      tpu.wait_dma2 semaphore(%run_scoped3A : memref<!tpu.dma_semaphore, #tpu.memory_space<semaphore_mem>>) src(%dma_wait3A_102 : memref<624x128xf32, #tpu.memory_space<vmem_shared>>) dst(%dma_wait3A_100 : memref<624x128xf32, #tpu.memory_space<hbm>>)
      tpu.yield
    }) : () -> ()
    %eq3A_88 = arith.constant 0 : i32
    %eq3A_89 = arith.cmpi eq, %arg1, %eq3A_88 : i32
    %convert_element_type3A_90 = arith.extui %eq3A_89 : i1 to i32
    %cond3A_91 = arith.constant 0 : i32
    %cond3A_92 = arith.cmpi ne, %convert_element_type3A_90, %cond3A_91 : i32
    scf.if %cond3A_92 {
      "tpu.region"() ({
        %run_scoped3A = tpu.sem_alloc : memref<!tpu.dma_semaphore, #tpu.memory_space<semaphore_mem>>
        %dma_start3A_93 = arith.constant 9984 : i32
        %dma_start3A_94 = arith.constant 0 : i32
        %dma_start3A_95 = tpu.memref_slice %arg6[%arg0, %dma_start3A_93, %dma_start3A_94] : memref<2x10000x128xf32, #tpu.memory_space<hbm>> -> memref<1x16x128xf32, #tpu.memory_space<hbm>>
        %dma_start3A_96 = tpu.memref_squeeze %dma_start3A_95 : memref<1x16x128xf32, #tpu.memory_space<hbm>> -> memref<16x128xf32, #tpu.memory_space<hbm>>
        %dma_start3A_97 = arith.constant 9984 : i32
        %dma_start3A_98 = arith.constant 0 : i32
        %dma_start3A_99 = tpu.memref_slice %arg16[%dma_start3A_97, %dma_start3A_98] : memref<10000x128xf32, #tpu.memory_space<vmem_shared>> -> memref<16x128xf32, #tpu.memory_space<vmem_shared>>
        tpu.enqueue_dma source(%dma_start3A_99 : memref<16x128xf32, #tpu.memory_space<vmem_shared>>) target(%dma_start3A_96 : memref<16x128xf32, #tpu.memory_space<hbm>>) target_semaphore(%run_scoped3A : memref<!tpu.dma_semaphore, #tpu.memory_space<semaphore_mem>>)
        %dma_wait3A_100 = arith.constant 9984 : i32
        %dma_wait3A_101 = arith.constant 0 : i32
        %dma_wait3A_102 = tpu.memref_slice %arg6[%arg0, %dma_wait3A_100, %dma_wait3A_101] : memref<2x10000x128xf32, #tpu.memory_space<hbm>> -> memref<1x16x128xf32, #tpu.memory_space<hbm>>
        %dma_wait3A_103 = tpu.memref_squeeze %dma_wait3A_102 : memref<1x16x128xf32, #tpu.memory_space<hbm>> -> memref<16x128xf32, #tpu.memory_space<hbm>>
        %dma_wait3A_104 = arith.constant 9984 : i32
        %dma_wait3A_105 = arith.constant 0 : i32
        %dma_wait3A_106 = tpu.memref_slice %arg16[%dma_wait3A_104, %dma_wait3A_105] : memref<10000x128xf32, #tpu.memory_space<vmem_shared>> -> memref<16x128xf32, #tpu.memory_space<vmem_shared>>
        tpu.wait_dma2 semaphore(%run_scoped3A : memref<!tpu.dma_semaphore, #tpu.memory_space<semaphore_mem>>) src(%dma_wait3A_106 : memref<16x128xf32, #tpu.memory_space<vmem_shared>>) dst(%dma_wait3A_103 : memref<16x128xf32, #tpu.memory_space<hbm>>)
        tpu.yield
      }) : () -> ()
    } else {
    }
    return
  }
}

#map = affine_map<(d0, d1) -> (0, 0)>
#map1 = affine_map<(d0, d1) -> (0)>
#map2 = affine_map<(d0, d1) -> (0, 0, 0)>
module attributes {stable_mosaic.version = 14 : i64} {
  func.func @seg_sum(%arg0: i32, %arg1: i32, %arg2: memref<10000x128xf32, #tpu.memory_space<hbm>>, %arg3: memref<320000xi32, #tpu.memory_space<hbm>>, %arg4: memref<320000xi32, #tpu.memory_space<hbm>>, %arg5: memref<10000x128xf32, #tpu.memory_space<hbm>>, %arg6: memref<2x10000x128xf32, #tpu.memory_space<hbm>>, %arg7: memref<10000xi32, #tpu.memory_space<vmem>>, %arg8: memref<96xi32, #tpu.memory_space<vmem>>, %arg9: memref<96xi32, #tpu.memory_space<vmem>>, %arg10: memref<96xi32, #tpu.memory_space<vmem>>, %arg11: memref<96x128xf32, #tpu.memory_space<vmem>>, %arg12: memref<96x128xf32, #tpu.memory_space<vmem>>, %arg13: memref<96x128xf32, #tpu.memory_space<vmem>>, %arg14: memref<16xi32, #tpu.memory_space<vmem>>, %arg15: memref<16x128xf32, #tpu.memory_space<vmem>>, %arg16: memref<10000x128xf32, #tpu.memory_space<vmem_shared>>, %arg17: memref<!tpu.dma_semaphore, #tpu.memory_space<semaphore_mem>>, %arg18: memref<!tpu.dma_semaphore, #tpu.memory_space<semaphore_mem>>, %arg19: memref<!tpu.dma_semaphore, #tpu.memory_space<semaphore_mem>>, %arg20: memref<!tpu.dma_semaphore, #tpu.memory_space<semaphore_mem>>, %arg21: memref<!tpu.dma_semaphore, #tpu.memory_space<semaphore_mem>>, %arg22: memref<!tpu.dma_semaphore, #tpu.memory_space<semaphore_mem>>, %arg23: memref<!tpu.dma_semaphore, #tpu.memory_space<semaphore_mem>>) attributes {dimension_semantics = [#tpu.dimension_semantics<core_parallel>, #tpu.dimension_semantics<subcore_parallel>], iteration_bounds = array<i64: 2, 16>, scalar_prefetch = 0 : i64, scratch_operands = 17 : i64, tpu.core_type = #tpu.core_type<sc_vector_subcore>, window_params = [{transform_indices = #map}, {transform_indices = #map1}, {transform_indices = #map1}, {transform_indices = #map}, {transform_indices = #map2}]} {
    %mul3A = arith.constant 16 : i32
    %mul3A_0 = arith.muli %arg0, %mul3A : i32
    %add3A = arith.addi %mul3A_0, %arg1 : i32
    %mul3A_1 = arith.constant 10000 : i32
    %mul3A_2 = arith.muli %add3A, %mul3A_1 : i32
    "tpu.region"() ({
      %run_scoped3A = tpu.sem_alloc : memref<!tpu.dma_semaphore, #tpu.memory_space<semaphore_mem>>
      %dma_start3A_93 = tpu.memref_slice %arg3[%mul3A_2] : memref<320000xi32, #tpu.memory_space<hbm>> -> memref<10000xi32, #tpu.memory_space<hbm>>
      %dma_start3A_94 = tpu.memref_slice %arg3[%mul3A_2] : memref<320000xi32, #tpu.memory_space<hbm>> -> memref<10000xi32, #tpu.memory_space<hbm>>
      tpu.enqueue_dma source(%dma_start3A_94 : memref<10000xi32, #tpu.memory_space<hbm>>) target(%arg7 : memref<10000xi32, #tpu.memory_space<vmem>>) target_semaphore(%run_scoped3A : memref<!tpu.dma_semaphore, #tpu.memory_space<semaphore_mem>>)
      %dma_wait3A_95 = tpu.memref_slice %arg3[%mul3A_2] : memref<320000xi32, #tpu.memory_space<hbm>> -> memref<10000xi32, #tpu.memory_space<hbm>>
      %dma_wait3A_96 = tpu.memref_slice %arg3[%mul3A_2] : memref<320000xi32, #tpu.memory_space<hbm>> -> memref<10000xi32, #tpu.memory_space<hbm>>
      tpu.wait_dma2 semaphore(%run_scoped3A : memref<!tpu.dma_semaphore, #tpu.memory_space<semaphore_mem>>) src(%dma_wait3A_96 : memref<10000xi32, #tpu.memory_space<hbm>>) dst(%arg7 : memref<10000xi32, #tpu.memory_space<vmem>>)
      tpu.yield
    }) : () -> ()
    %add3A_3 = arith.constant 0 : i32
    %add3A_4 = arith.addi %mul3A_2, %add3A_3 : i32
    %dma_start3A = tpu.memref_slice %arg4[%add3A_4] : memref<320000xi32, #tpu.memory_space<hbm>> -> memref<96xi32, #tpu.memory_space<hbm>>
    %dma_start3A_5 = tpu.memref_slice %arg4[%add3A_4] : memref<320000xi32, #tpu.memory_space<hbm>> -> memref<96xi32, #tpu.memory_space<hbm>>
    tpu.enqueue_dma source(%dma_start3A_5 : memref<96xi32, #tpu.memory_space<hbm>>) target(%arg8 : memref<96xi32, #tpu.memory_space<vmem>>) target_semaphore(%arg20 : memref<!tpu.dma_semaphore, #tpu.memory_space<semaphore_mem>>)
    %dma_start3A_6 = arith.constant 0 : i32
    %dma_start3A_7 = tpu.memref_slice %arg7[%dma_start3A_6] : memref<10000xi32, #tpu.memory_space<vmem>> -> memref<96xi32, #tpu.memory_space<vmem>>
    %dma_start3A_8 = arith.constant 0 : i32
    %dma_start3A_9 = arith.constant 0 : i32
    %dma_start3A_10 = tpu.memref_slice %arg2[%dma_start3A_8, %dma_start3A_9] : memref<10000x128xf32, #tpu.memory_space<hbm>> -> memref<10000x128xf32, #tpu.memory_space<hbm>>
    tpu.enqueue_indirect_dma source(%dma_start3A_10 : memref<10000x128xf32, #tpu.memory_space<hbm>>) target(%arg11 : memref<96x128xf32, #tpu.memory_space<vmem>>) offsets(%dma_start3A_7 : memref<96xi32, #tpu.memory_space<vmem>>) semaphore(%arg17 : memref<!tpu.dma_semaphore, #tpu.memory_space<semaphore_mem>>)
    %add3A_11 = arith.constant 96 : i32
    %add3A_12 = arith.addi %mul3A_2, %add3A_11 : i32
    %dma_start3A_13 = tpu.memref_slice %arg4[%add3A_12] : memref<320000xi32, #tpu.memory_space<hbm>> -> memref<96xi32, #tpu.memory_space<hbm>>
    %dma_start3A_14 = tpu.memref_slice %arg4[%add3A_12] : memref<320000xi32, #tpu.memory_space<hbm>> -> memref<96xi32, #tpu.memory_space<hbm>>
    tpu.enqueue_dma source(%dma_start3A_14 : memref<96xi32, #tpu.memory_space<hbm>>) target(%arg9 : memref<96xi32, #tpu.memory_space<vmem>>) target_semaphore(%arg21 : memref<!tpu.dma_semaphore, #tpu.memory_space<semaphore_mem>>)
    %dma_start3A_15 = arith.constant 96 : i32
    %dma_start3A_16 = tpu.memref_slice %arg7[%dma_start3A_15] : memref<10000xi32, #tpu.memory_space<vmem>> -> memref<96xi32, #tpu.memory_space<vmem>>
    %dma_start3A_17 = arith.constant 0 : i32
    %dma_start3A_18 = arith.constant 0 : i32
    %dma_start3A_19 = tpu.memref_slice %arg2[%dma_start3A_17, %dma_start3A_18] : memref<10000x128xf32, #tpu.memory_space<hbm>> -> memref<10000x128xf32, #tpu.memory_space<hbm>>
    tpu.enqueue_indirect_dma source(%dma_start3A_19 : memref<10000x128xf32, #tpu.memory_space<hbm>>) target(%arg12 : memref<96x128xf32, #tpu.memory_space<vmem>>) offsets(%dma_start3A_16 : memref<96xi32, #tpu.memory_space<vmem>>) semaphore(%arg18 : memref<!tpu.dma_semaphore, #tpu.memory_space<semaphore_mem>>)
    %add3A_20 = arith.constant 192 : i32
    %add3A_21 = arith.addi %mul3A_2, %add3A_20 : i32
    %dma_start3A_22 = tpu.memref_slice %arg4[%add3A_21] : memref<320000xi32, #tpu.memory_space<hbm>> -> memref<96xi32, #tpu.memory_space<hbm>>
    %dma_start3A_23 = tpu.memref_slice %arg4[%add3A_21] : memref<320000xi32, #tpu.memory_space<hbm>> -> memref<96xi32, #tpu.memory_space<hbm>>
    tpu.enqueue_dma source(%dma_start3A_23 : memref<96xi32, #tpu.memory_space<hbm>>) target(%arg10 : memref<96xi32, #tpu.memory_space<vmem>>) target_semaphore(%arg22 : memref<!tpu.dma_semaphore, #tpu.memory_space<semaphore_mem>>)
    %dma_start3A_24 = arith.constant 192 : i32
    %dma_start3A_25 = tpu.memref_slice %arg7[%dma_start3A_24] : memref<10000xi32, #tpu.memory_space<vmem>> -> memref<96xi32, #tpu.memory_space<vmem>>
    %dma_start3A_26 = arith.constant 0 : i32
    %dma_start3A_27 = arith.constant 0 : i32
    %dma_start3A_28 = tpu.memref_slice %arg2[%dma_start3A_26, %dma_start3A_27] : memref<10000x128xf32, #tpu.memory_space<hbm>> -> memref<10000x128xf32, #tpu.memory_space<hbm>>
    tpu.enqueue_indirect_dma source(%dma_start3A_28 : memref<10000x128xf32, #tpu.memory_space<hbm>>) target(%arg13 : memref<96x128xf32, #tpu.memory_space<vmem>>) offsets(%dma_start3A_25 : memref<96xi32, #tpu.memory_space<vmem>>) semaphore(%arg19 : memref<!tpu.dma_semaphore, #tpu.memory_space<semaphore_mem>>)
    %add3A_29 = arith.constant 9984 : i32
    %add3A_30 = arith.addi %mul3A_2, %add3A_29 : i32
    %dma_start3A_31 = tpu.memref_slice %arg4[%add3A_30] : memref<320000xi32, #tpu.memory_space<hbm>> -> memref<16xi32, #tpu.memory_space<hbm>>
    %dma_start3A_32 = tpu.memref_slice %arg4[%add3A_30] : memref<320000xi32, #tpu.memory_space<hbm>> -> memref<16xi32, #tpu.memory_space<hbm>>
    tpu.enqueue_dma source(%dma_start3A_32 : memref<16xi32, #tpu.memory_space<hbm>>) target(%arg14 : memref<16xi32, #tpu.memory_space<vmem>>) target_semaphore(%arg23 : memref<!tpu.dma_semaphore, #tpu.memory_space<semaphore_mem>>)
    %dma_start3A_33 = arith.constant 9984 : i32
    %dma_start3A_34 = tpu.memref_slice %arg7[%dma_start3A_33] : memref<10000xi32, #tpu.memory_space<vmem>> -> memref<16xi32, #tpu.memory_space<vmem>>
    %dma_start3A_35 = arith.constant 0 : i32
    %dma_start3A_36 = arith.constant 0 : i32
    %dma_start3A_37 = tpu.memref_slice %arg2[%dma_start3A_35, %dma_start3A_36] : memref<10000x128xf32, #tpu.memory_space<hbm>> -> memref<10000x128xf32, #tpu.memory_space<hbm>>
    tpu.enqueue_indirect_dma source(%dma_start3A_37 : memref<10000x128xf32, #tpu.memory_space<hbm>>) target(%arg15 : memref<16x128xf32, #tpu.memory_space<vmem>>) offsets(%dma_start3A_34 : memref<16xi32, #tpu.memory_space<vmem>>) semaphore(%arg23 : memref<!tpu.dma_semaphore, #tpu.memory_space<semaphore_mem>>)
    %mul3A_38 = arith.constant 624 : i32
    %mul3A_39 = arith.muli %arg1, %mul3A_38 : i32
    %eq3A = arith.constant 0 : i32
    %eq3A_40 = arith.cmpi eq, %arg0, %eq3A : i32
    %convert_element_type3A = arith.extui %eq3A_40 : i1 to i32
    %cond3A = arith.constant 0 : i32
    %cond3A_41 = arith.cmpi ne, %convert_element_type3A, %cond3A : i32
    scf.if %cond3A_41 {
      "tpu.region"() ({
        %run_scoped3A = tpu.sem_alloc : memref<!tpu.dma_semaphore, #tpu.memory_space<semaphore_mem>>
        %dma_start3A_93 = arith.constant 0 : i32
        %dma_start3A_94 = tpu.memref_slice %arg16[%mul3A_39, %dma_start3A_93] : memref<10000x128xf32, #tpu.memory_space<vmem_shared>> -> memref<624x128xf32, #tpu.memory_space<vmem_shared>>
        %dma_start3A_95 = arith.constant 0 : i32
        %dma_start3A_96 = tpu.memref_slice %arg2[%mul3A_39, %dma_start3A_95] : memref<10000x128xf32, #tpu.memory_space<hbm>> -> memref<624x128xf32, #tpu.memory_space<hbm>>
        tpu.enqueue_dma source(%dma_start3A_96 : memref<624x128xf32, #tpu.memory_space<hbm>>) target(%dma_start3A_94 : memref<624x128xf32, #tpu.memory_space<vmem_shared>>) target_semaphore(%run_scoped3A : memref<!tpu.dma_semaphore, #tpu.memory_space<semaphore_mem>>)
        %dma_wait3A_97 = arith.constant 0 : i32
        %dma_wait3A_98 = tpu.memref_slice %arg16[%mul3A_39, %dma_wait3A_97] : memref<10000x128xf32, #tpu.memory_space<vmem_shared>> -> memref<624x128xf32, #tpu.memory_space<vmem_shared>>
        %dma_wait3A_99 = arith.constant 0 : i32
        %dma_wait3A_100 = tpu.memref_slice %arg2[%mul3A_39, %dma_wait3A_99] : memref<10000x128xf32, #tpu.memory_space<hbm>> -> memref<624x128xf32, #tpu.memory_space<hbm>>
        tpu.wait_dma2 semaphore(%run_scoped3A : memref<!tpu.dma_semaphore, #tpu.memory_space<semaphore_mem>>) src(%dma_wait3A_100 : memref<624x128xf32, #tpu.memory_space<hbm>>) dst(%dma_wait3A_98 : memref<624x128xf32, #tpu.memory_space<vmem_shared>>)
        tpu.yield
      }) : () -> ()
    } else {
    }
    %eq3A_42 = arith.constant 1 : i32
    %eq3A_43 = arith.cmpi eq, %arg0, %eq3A_42 : i32
    %convert_element_type3A_44 = arith.extui %eq3A_43 : i1 to i32
    %cond3A_45 = arith.constant 0 : i32
    %cond3A_46 = arith.cmpi ne, %convert_element_type3A_44, %cond3A_45 : i32
    scf.if %cond3A_46 {
      "tpu.region"() ({
        %run_scoped3A = tpu.sem_alloc : memref<!tpu.dma_semaphore, #tpu.memory_space<semaphore_mem>>
        %dma_start3A_93 = arith.constant 0 : i32
        %dma_start3A_94 = tpu.memref_slice %arg16[%mul3A_39, %dma_start3A_93] : memref<10000x128xf32, #tpu.memory_space<vmem_shared>> -> memref<624x128xf32, #tpu.memory_space<vmem_shared>>
        %dma_start3A_95 = arith.constant 0 : i32
        %dma_start3A_96 = tpu.memref_slice %arg5[%mul3A_39, %dma_start3A_95] : memref<10000x128xf32, #tpu.memory_space<hbm>> -> memref<624x128xf32, #tpu.memory_space<hbm>>
        tpu.enqueue_dma source(%dma_start3A_96 : memref<624x128xf32, #tpu.memory_space<hbm>>) target(%dma_start3A_94 : memref<624x128xf32, #tpu.memory_space<vmem_shared>>) target_semaphore(%run_scoped3A : memref<!tpu.dma_semaphore, #tpu.memory_space<semaphore_mem>>)
        %dma_wait3A_97 = arith.constant 0 : i32
        %dma_wait3A_98 = tpu.memref_slice %arg16[%mul3A_39, %dma_wait3A_97] : memref<10000x128xf32, #tpu.memory_space<vmem_shared>> -> memref<624x128xf32, #tpu.memory_space<vmem_shared>>
        %dma_wait3A_99 = arith.constant 0 : i32
        %dma_wait3A_100 = tpu.memref_slice %arg5[%mul3A_39, %dma_wait3A_99] : memref<10000x128xf32, #tpu.memory_space<hbm>> -> memref<624x128xf32, #tpu.memory_space<hbm>>
        tpu.wait_dma2 semaphore(%run_scoped3A : memref<!tpu.dma_semaphore, #tpu.memory_space<semaphore_mem>>) src(%dma_wait3A_100 : memref<624x128xf32, #tpu.memory_space<hbm>>) dst(%dma_wait3A_98 : memref<624x128xf32, #tpu.memory_space<vmem_shared>>)
        tpu.yield
      }) : () -> ()
    } else {
    }
    %eq3A_47 = arith.constant 0 : i32
    %eq3A_48 = arith.cmpi eq, %arg1, %eq3A_47 : i32
    %convert_element_type3A_49 = arith.extui %eq3A_48 : i1 to i32
    %cond3A_50 = arith.constant 0 : i32
    %cond3A_51 = arith.cmpi ne, %convert_element_type3A_49, %cond3A_50 : i32
    scf.if %cond3A_51 {
      %eq3A_93 = arith.constant 0 : i32
      %eq3A_94 = arith.cmpi eq, %arg0, %eq3A_93 : i32
      %convert_element_type3A_95 = arith.extui %eq3A_94 : i1 to i32
      %cond3A_96 = arith.constant 0 : i32
      %cond3A_97 = arith.cmpi ne, %convert_element_type3A_95, %cond3A_96 : i32
      scf.if %cond3A_97 {
        "tpu.region"() ({
          %run_scoped3A = tpu.sem_alloc : memref<!tpu.dma_semaphore, #tpu.memory_space<semaphore_mem>>
          %dma_start3A_103 = arith.constant 9984 : i32
          %dma_start3A_104 = arith.constant 0 : i32
          %dma_start3A_105 = tpu.memref_slice %arg16[%dma_start3A_103, %dma_start3A_104] : memref<10000x128xf32, #tpu.memory_space<vmem_shared>> -> memref<16x128xf32, #tpu.memory_space<vmem_shared>>
          %dma_start3A_106 = arith.constant 9984 : i32
          %dma_start3A_107 = arith.constant 0 : i32
          %dma_start3A_108 = tpu.memref_slice %arg2[%dma_start3A_106, %dma_start3A_107] : memref<10000x128xf32, #tpu.memory_space<hbm>> -> memref<16x128xf32, #tpu.memory_space<hbm>>
          tpu.enqueue_dma source(%dma_start3A_108 : memref<16x128xf32, #tpu.memory_space<hbm>>) target(%dma_start3A_105 : memref<16x128xf32, #tpu.memory_space<vmem_shared>>) target_semaphore(%run_scoped3A : memref<!tpu.dma_semaphore, #tpu.memory_space<semaphore_mem>>)
          %dma_wait3A_109 = arith.constant 9984 : i32
          %dma_wait3A_110 = arith.constant 0 : i32
          %dma_wait3A_111 = tpu.memref_slice %arg16[%dma_wait3A_109, %dma_wait3A_110] : memref<10000x128xf32, #tpu.memory_space<vmem_shared>> -> memref<16x128xf32, #tpu.memory_space<vmem_shared>>
          %dma_wait3A_112 = arith.constant 9984 : i32
          %dma_wait3A_113 = arith.constant 0 : i32
          %dma_wait3A_114 = tpu.memref_slice %arg2[%dma_wait3A_112, %dma_wait3A_113] : memref<10000x128xf32, #tpu.memory_space<hbm>> -> memref<16x128xf32, #tpu.memory_space<hbm>>
          tpu.wait_dma2 semaphore(%run_scoped3A : memref<!tpu.dma_semaphore, #tpu.memory_space<semaphore_mem>>) src(%dma_wait3A_114 : memref<16x128xf32, #tpu.memory_space<hbm>>) dst(%dma_wait3A_111 : memref<16x128xf32, #tpu.memory_space<vmem_shared>>)
          tpu.yield
        }) : () -> ()
      } else {
      }
      %eq3A_98 = arith.constant 1 : i32
      %eq3A_99 = arith.cmpi eq, %arg0, %eq3A_98 : i32
      %convert_element_type3A_100 = arith.extui %eq3A_99 : i1 to i32
      %cond3A_101 = arith.constant 0 : i32
      %cond3A_102 = arith.cmpi ne, %convert_element_type3A_100, %cond3A_101 : i32
      scf.if %cond3A_102 {
        "tpu.region"() ({
          %run_scoped3A = tpu.sem_alloc : memref<!tpu.dma_semaphore, #tpu.memory_space<semaphore_mem>>
          %dma_start3A_103 = arith.constant 9984 : i32
          %dma_start3A_104 = arith.constant 0 : i32
          %dma_start3A_105 = tpu.memref_slice %arg16[%dma_start3A_103, %dma_start3A_104] : memref<10000x128xf32, #tpu.memory_space<vmem_shared>> -> memref<16x128xf32, #tpu.memory_space<vmem_shared>>
          %dma_start3A_106 = arith.constant 9984 : i32
          %dma_start3A_107 = arith.constant 0 : i32
          %dma_start3A_108 = tpu.memref_slice %arg5[%dma_start3A_106, %dma_start3A_107] : memref<10000x128xf32, #tpu.memory_space<hbm>> -> memref<16x128xf32, #tpu.memory_space<hbm>>
          tpu.enqueue_dma source(%dma_start3A_108 : memref<16x128xf32, #tpu.memory_space<hbm>>) target(%dma_start3A_105 : memref<16x128xf32, #tpu.memory_space<vmem_shared>>) target_semaphore(%run_scoped3A : memref<!tpu.dma_semaphore, #tpu.memory_space<semaphore_mem>>)
          %dma_wait3A_109 = arith.constant 9984 : i32
          %dma_wait3A_110 = arith.constant 0 : i32
          %dma_wait3A_111 = tpu.memref_slice %arg16[%dma_wait3A_109, %dma_wait3A_110] : memref<10000x128xf32, #tpu.memory_space<vmem_shared>> -> memref<16x128xf32, #tpu.memory_space<vmem_shared>>
          %dma_wait3A_112 = arith.constant 9984 : i32
          %dma_wait3A_113 = arith.constant 0 : i32
          %dma_wait3A_114 = tpu.memref_slice %arg5[%dma_wait3A_112, %dma_wait3A_113] : memref<10000x128xf32, #tpu.memory_space<hbm>> -> memref<16x128xf32, #tpu.memory_space<hbm>>
          tpu.wait_dma2 semaphore(%run_scoped3A : memref<!tpu.dma_semaphore, #tpu.memory_space<semaphore_mem>>) src(%dma_wait3A_114 : memref<16x128xf32, #tpu.memory_space<hbm>>) dst(%dma_wait3A_111 : memref<16x128xf32, #tpu.memory_space<vmem_shared>>)
          tpu.yield
        }) : () -> ()
      } else {
      }
    } else {
    }
    %barrier3A = arith.constant 0 : index
    tpu.barrier barrier_id(%barrier3A)
    %scan3A = arith.constant 0 : i32
    %scan3A_52 = arith.constant 34 : i32
    %scan3A_53 = arith.addi %scan3A, %scan3A_52 : i32
    %scan3A_54 = arith.constant 1 : i32
    scf.for %scan3A_93 = %scan3A to %scan3A_53 step %scan3A_54  : i32 {
      %mul3A_94 = arith.constant 3 : i32
      %mul3A_95 = arith.muli %scan3A_93, %mul3A_94 : i32
      %add3A_96 = arith.constant 0 : i32
      %add3A_97 = arith.addi %add3A_96, %mul3A_95 : i32
      %add3A_98 = arith.constant 0 : i32
      %add3A_99 = arith.addi %add3A_97, %add3A_98 : i32
      %dma_wait3A_100 = arith.constant 0 : i32
      %dma_wait3A_101 = tpu.memref_slice %arg4[%dma_wait3A_100] : memref<320000xi32, #tpu.memory_space<hbm>> -> memref<96xi32, #tpu.memory_space<hbm>>
      %dma_wait3A_102 = arith.constant 0 : i32
      %dma_wait3A_103 = tpu.memref_slice %arg4[%dma_wait3A_102] : memref<320000xi32, #tpu.memory_space<hbm>> -> memref<96xi32, #tpu.memory_space<hbm>>
      tpu.wait_dma2 semaphore(%arg20 : memref<!tpu.dma_semaphore, #tpu.memory_space<semaphore_mem>>) src(%dma_wait3A_103 : memref<96xi32, #tpu.memory_space<hbm>>) dst(%arg8 : memref<96xi32, #tpu.memory_space<vmem>>)
      %dma_wait3A_104 = arith.constant 0 : i32
      %dma_wait3A_105 = arith.constant 0 : i32
      %dma_wait3A_106 = tpu.memref_slice %arg2[%dma_wait3A_104, %dma_wait3A_105] : memref<10000x128xf32, #tpu.memory_space<hbm>> -> memref<96x128xf32, #tpu.memory_space<hbm>>
      %dma_wait3A_107 = arith.constant 0 : i32
      %dma_wait3A_108 = arith.constant 0 : i32
      %dma_wait3A_109 = tpu.memref_slice %arg2[%dma_wait3A_107, %dma_wait3A_108] : memref<10000x128xf32, #tpu.memory_space<hbm>> -> memref<96x128xf32, #tpu.memory_space<hbm>>
      tpu.wait_dma2 semaphore(%arg17 : memref<!tpu.dma_semaphore, #tpu.memory_space<semaphore_mem>>) src(%dma_wait3A_109 : memref<96x128xf32, #tpu.memory_space<hbm>>) dst(%arg11 : memref<96x128xf32, #tpu.memory_space<vmem>>)
      "tpu.region"() ({
        %run_scoped3A = tpu.sem_alloc : memref<!tpu.dma_semaphore, #tpu.memory_space<semaphore_mem>>
        %dma_start3A_154 = arith.constant 0 : i32
        %dma_start3A_155 = arith.constant 0 : i32
        %dma_start3A_156 = tpu.memref_slice %arg16[%dma_start3A_154, %dma_start3A_155] : memref<10000x128xf32, #tpu.memory_space<vmem_shared>> -> memref<10000x128xf32, #tpu.memory_space<vmem_shared>>
        tpu.enqueue_indirect_dma source(%arg11 : memref<96x128xf32, #tpu.memory_space<vmem>>) target(%dma_start3A_156 : memref<10000x128xf32, #tpu.memory_space<vmem_shared>>) offsets(%arg8 : memref<96xi32, #tpu.memory_space<vmem>>) semaphore(%run_scoped3A : memref<!tpu.dma_semaphore, #tpu.memory_space<semaphore_mem>>) {add = true}
        %dma_wait3A_157 = arith.constant 0 : i32
        %dma_wait3A_158 = arith.constant 0 : i32
        %dma_wait3A_159 = tpu.memref_slice %arg16[%dma_wait3A_157, %dma_wait3A_158] : memref<10000x128xf32, #tpu.memory_space<vmem_shared>> -> memref<10000x128xf32, #tpu.memory_space<vmem_shared>>
        tpu.wait_indirect_dma semaphore(%run_scoped3A : memref<!tpu.dma_semaphore, #tpu.memory_space<semaphore_mem>>) src(%arg11 : memref<96x128xf32, #tpu.memory_space<vmem>>) dst(%dma_wait3A_159 : memref<10000x128xf32, #tpu.memory_space<vmem_shared>>)
        tpu.yield
      }) : () -> ()
      %add3A_110 = arith.constant 3 : i32
      %add3A_111 = arith.addi %add3A_99, %add3A_110 : i32
      %lt3A = arith.constant 104 : i32
      %lt3A_112 = arith.cmpi slt, %add3A_111, %lt3A : i32
      %convert_element_type3A_113 = arith.extui %lt3A_112 : i1 to i32
      %cond3A_114 = arith.constant 0 : i32
      %cond3A_115 = arith.cmpi ne, %convert_element_type3A_113, %cond3A_114 : i32
      scf.if %cond3A_115 {
        %add3A_154 = arith.constant 3 : i32
        %add3A_155 = arith.addi %add3A_99, %add3A_154 : i32
        %mul3A_156 = arith.constant 96 : i32
        %mul3A_157 = arith.muli %add3A_155, %mul3A_156 : i32
        %add3A_158 = arith.addi %mul3A_2, %mul3A_157 : i32
        %dma_start3A_159 = tpu.memref_slice %arg4[%add3A_158] : memref<320000xi32, #tpu.memory_space<hbm>> -> memref<96xi32, #tpu.memory_space<hbm>>
        %dma_start3A_160 = tpu.memref_slice %arg4[%add3A_158] : memref<320000xi32, #tpu.memory_space<hbm>> -> memref<96xi32, #tpu.memory_space<hbm>>
        tpu.enqueue_dma source(%dma_start3A_160 : memref<96xi32, #tpu.memory_space<hbm>>) target(%arg8 : memref<96xi32, #tpu.memory_space<vmem>>) target_semaphore(%arg20 : memref<!tpu.dma_semaphore, #tpu.memory_space<semaphore_mem>>)
        %dma_start3A_161 = tpu.memref_slice %arg7[%mul3A_157] : memref<10000xi32, #tpu.memory_space<vmem>> -> memref<96xi32, #tpu.memory_space<vmem>>
        %dma_start3A_162 = arith.constant 0 : i32
        %dma_start3A_163 = arith.constant 0 : i32
        %dma_start3A_164 = tpu.memref_slice %arg2[%dma_start3A_162, %dma_start3A_163] : memref<10000x128xf32, #tpu.memory_space<hbm>> -> memref<10000x128xf32, #tpu.memory_space<hbm>>
        tpu.enqueue_indirect_dma source(%dma_start3A_164 : memref<10000x128xf32, #tpu.memory_space<hbm>>) target(%arg11 : memref<96x128xf32, #tpu.memory_space<vmem>>) offsets(%dma_start3A_161 : memref<96xi32, #tpu.memory_space<vmem>>) semaphore(%arg17 : memref<!tpu.dma_semaphore, #tpu.memory_space<semaphore_mem>>)
      } else {
      }
      %add3A_116 = arith.constant 1 : i32
      %add3A_117 = arith.addi %add3A_97, %add3A_116 : i32
      %dma_wait3A_118 = arith.constant 0 : i32
      %dma_wait3A_119 = tpu.memref_slice %arg4[%dma_wait3A_118] : memref<320000xi32, #tpu.memory_space<hbm>> -> memref<96xi32, #tpu.memory_space<hbm>>
      %dma_wait3A_120 = arith.constant 0 : i32
      %dma_wait3A_121 = tpu.memref_slice %arg4[%dma_wait3A_120] : memref<320000xi32, #tpu.memory_space<hbm>> -> memref<96xi32, #tpu.memory_space<hbm>>
      tpu.wait_dma2 semaphore(%arg21 : memref<!tpu.dma_semaphore, #tpu.memory_space<semaphore_mem>>) src(%dma_wait3A_121 : memref<96xi32, #tpu.memory_space<hbm>>) dst(%arg9 : memref<96xi32, #tpu.memory_space<vmem>>)
      %dma_wait3A_122 = arith.constant 0 : i32
      %dma_wait3A_123 = arith.constant 0 : i32
      %dma_wait3A_124 = tpu.memref_slice %arg2[%dma_wait3A_122, %dma_wait3A_123] : memref<10000x128xf32, #tpu.memory_space<hbm>> -> memref<96x128xf32, #tpu.memory_space<hbm>>
      %dma_wait3A_125 = arith.constant 0 : i32
      %dma_wait3A_126 = arith.constant 0 : i32
      %dma_wait3A_127 = tpu.memref_slice %arg2[%dma_wait3A_125, %dma_wait3A_126] : memref<10000x128xf32, #tpu.memory_space<hbm>> -> memref<96x128xf32, #tpu.memory_space<hbm>>
      tpu.wait_dma2 semaphore(%arg18 : memref<!tpu.dma_semaphore, #tpu.memory_space<semaphore_mem>>) src(%dma_wait3A_127 : memref<96x128xf32, #tpu.memory_space<hbm>>) dst(%arg12 : memref<96x128xf32, #tpu.memory_space<vmem>>)
      "tpu.region"() ({
        %run_scoped3A = tpu.sem_alloc : memref<!tpu.dma_semaphore, #tpu.memory_space<semaphore_mem>>
        %dma_start3A_154 = arith.constant 0 : i32
        %dma_start3A_155 = arith.constant 0 : i32
        %dma_start3A_156 = tpu.memref_slice %arg16[%dma_start3A_154, %dma_start3A_155] : memref<10000x128xf32, #tpu.memory_space<vmem_shared>> -> memref<10000x128xf32, #tpu.memory_space<vmem_shared>>
        tpu.enqueue_indirect_dma source(%arg12 : memref<96x128xf32, #tpu.memory_space<vmem>>) target(%dma_start3A_156 : memref<10000x128xf32, #tpu.memory_space<vmem_shared>>) offsets(%arg9 : memref<96xi32, #tpu.memory_space<vmem>>) semaphore(%run_scoped3A : memref<!tpu.dma_semaphore, #tpu.memory_space<semaphore_mem>>) {add = true}
        %dma_wait3A_157 = arith.constant 0 : i32
        %dma_wait3A_158 = arith.constant 0 : i32
        %dma_wait3A_159 = tpu.memref_slice %arg16[%dma_wait3A_157, %dma_wait3A_158] : memref<10000x128xf32, #tpu.memory_space<vmem_shared>> -> memref<10000x128xf32, #tpu.memory_space<vmem_shared>>
        tpu.wait_indirect_dma semaphore(%run_scoped3A : memref<!tpu.dma_semaphore, #tpu.memory_space<semaphore_mem>>) src(%arg12 : memref<96x128xf32, #tpu.memory_space<vmem>>) dst(%dma_wait3A_159 : memref<10000x128xf32, #tpu.memory_space<vmem_shared>>)
        tpu.yield
      }) : () -> ()
      %add3A_128 = arith.constant 3 : i32
      %add3A_129 = arith.addi %add3A_117, %add3A_128 : i32
      %lt3A_130 = arith.constant 104 : i32
      %lt3A_131 = arith.cmpi slt, %add3A_129, %lt3A_130 : i32
      %convert_element_type3A_132 = arith.extui %lt3A_131 : i1 to i32
      %cond3A_133 = arith.constant 0 : i32
      %cond3A_134 = arith.cmpi ne, %convert_element_type3A_132, %cond3A_133 : i32
      scf.if %cond3A_134 {
        %add3A_154 = arith.constant 3 : i32
        %add3A_155 = arith.addi %add3A_117, %add3A_154 : i32
        %mul3A_156 = arith.constant 96 : i32
        %mul3A_157 = arith.muli %add3A_155, %mul3A_156 : i32
        %add3A_158 = arith.addi %mul3A_2, %mul3A_157 : i32
        %dma_start3A_159 = tpu.memref_slice %arg4[%add3A_158] : memref<320000xi32, #tpu.memory_space<hbm>> -> memref<96xi32, #tpu.memory_space<hbm>>
        %dma_start3A_160 = tpu.memref_slice %arg4[%add3A_158] : memref<320000xi32, #tpu.memory_space<hbm>> -> memref<96xi32, #tpu.memory_space<hbm>>
        tpu.enqueue_dma source(%dma_start3A_160 : memref<96xi32, #tpu.memory_space<hbm>>) target(%arg9 : memref<96xi32, #tpu.memory_space<vmem>>) target_semaphore(%arg21 : memref<!tpu.dma_semaphore, #tpu.memory_space<semaphore_mem>>)
        %dma_start3A_161 = tpu.memref_slice %arg7[%mul3A_157] : memref<10000xi32, #tpu.memory_space<vmem>> -> memref<96xi32, #tpu.memory_space<vmem>>
        %dma_start3A_162 = arith.constant 0 : i32
        %dma_start3A_163 = arith.constant 0 : i32
        %dma_start3A_164 = tpu.memref_slice %arg2[%dma_start3A_162, %dma_start3A_163] : memref<10000x128xf32, #tpu.memory_space<hbm>> -> memref<10000x128xf32, #tpu.memory_space<hbm>>
        tpu.enqueue_indirect_dma source(%dma_start3A_164 : memref<10000x128xf32, #tpu.memory_space<hbm>>) target(%arg12 : memref<96x128xf32, #tpu.memory_space<vmem>>) offsets(%dma_start3A_161 : memref<96xi32, #tpu.memory_space<vmem>>) semaphore(%arg18 : memref<!tpu.dma_semaphore, #tpu.memory_space<semaphore_mem>>)
      } else {
      }
      %add3A_135 = arith.constant 2 : i32
      %add3A_136 = arith.addi %add3A_97, %add3A_135 : i32
      %dma_wait3A_137 = arith.constant 0 : i32
      %dma_wait3A_138 = tpu.memref_slice %arg4[%dma_wait3A_137] : memref<320000xi32, #tpu.memory_space<hbm>> -> memref<96xi32, #tpu.memory_space<hbm>>
      %dma_wait3A_139 = arith.constant 0 : i32
      %dma_wait3A_140 = tpu.memref_slice %arg4[%dma_wait3A_139] : memref<320000xi32, #tpu.memory_space<hbm>> -> memref<96xi32, #tpu.memory_space<hbm>>
      tpu.wait_dma2 semaphore(%arg22 : memref<!tpu.dma_semaphore, #tpu.memory_space<semaphore_mem>>) src(%dma_wait3A_140 : memref<96xi32, #tpu.memory_space<hbm>>) dst(%arg10 : memref<96xi32, #tpu.memory_space<vmem>>)
      %dma_wait3A_141 = arith.constant 0 : i32
      %dma_wait3A_142 = arith.constant 0 : i32
      %dma_wait3A_143 = tpu.memref_slice %arg2[%dma_wait3A_141, %dma_wait3A_142] : memref<10000x128xf32, #tpu.memory_space<hbm>> -> memref<96x128xf32, #tpu.memory_space<hbm>>
      %dma_wait3A_144 = arith.constant 0 : i32
      %dma_wait3A_145 = arith.constant 0 : i32
      %dma_wait3A_146 = tpu.memref_slice %arg2[%dma_wait3A_144, %dma_wait3A_145] : memref<10000x128xf32, #tpu.memory_space<hbm>> -> memref<96x128xf32, #tpu.memory_space<hbm>>
      tpu.wait_dma2 semaphore(%arg19 : memref<!tpu.dma_semaphore, #tpu.memory_space<semaphore_mem>>) src(%dma_wait3A_146 : memref<96x128xf32, #tpu.memory_space<hbm>>) dst(%arg13 : memref<96x128xf32, #tpu.memory_space<vmem>>)
      "tpu.region"() ({
        %run_scoped3A = tpu.sem_alloc : memref<!tpu.dma_semaphore, #tpu.memory_space<semaphore_mem>>
        %dma_start3A_154 = arith.constant 0 : i32
        %dma_start3A_155 = arith.constant 0 : i32
        %dma_start3A_156 = tpu.memref_slice %arg16[%dma_start3A_154, %dma_start3A_155] : memref<10000x128xf32, #tpu.memory_space<vmem_shared>> -> memref<10000x128xf32, #tpu.memory_space<vmem_shared>>
        tpu.enqueue_indirect_dma source(%arg13 : memref<96x128xf32, #tpu.memory_space<vmem>>) target(%dma_start3A_156 : memref<10000x128xf32, #tpu.memory_space<vmem_shared>>) offsets(%arg10 : memref<96xi32, #tpu.memory_space<vmem>>) semaphore(%run_scoped3A : memref<!tpu.dma_semaphore, #tpu.memory_space<semaphore_mem>>) {add = true}
        %dma_wait3A_157 = arith.constant 0 : i32
        %dma_wait3A_158 = arith.constant 0 : i32
        %dma_wait3A_159 = tpu.memref_slice %arg16[%dma_wait3A_157, %dma_wait3A_158] : memref<10000x128xf32, #tpu.memory_space<vmem_shared>> -> memref<10000x128xf32, #tpu.memory_space<vmem_shared>>
        tpu.wait_indirect_dma semaphore(%run_scoped3A : memref<!tpu.dma_semaphore, #tpu.memory_space<semaphore_mem>>) src(%arg13 : memref<96x128xf32, #tpu.memory_space<vmem>>) dst(%dma_wait3A_159 : memref<10000x128xf32, #tpu.memory_space<vmem_shared>>)
        tpu.yield
      }) : () -> ()
      %add3A_147 = arith.constant 3 : i32
      %add3A_148 = arith.addi %add3A_136, %add3A_147 : i32
      %lt3A_149 = arith.constant 104 : i32
      %lt3A_150 = arith.cmpi slt, %add3A_148, %lt3A_149 : i32
      %convert_element_type3A_151 = arith.extui %lt3A_150 : i1 to i32
      %cond3A_152 = arith.constant 0 : i32
      %cond3A_153 = arith.cmpi ne, %convert_element_type3A_151, %cond3A_152 : i32
      scf.if %cond3A_153 {
        %add3A_154 = arith.constant 3 : i32
        %add3A_155 = arith.addi %add3A_136, %add3A_154 : i32
        %mul3A_156 = arith.constant 96 : i32
        %mul3A_157 = arith.muli %add3A_155, %mul3A_156 : i32
        %add3A_158 = arith.addi %mul3A_2, %mul3A_157 : i32
        %dma_start3A_159 = tpu.memref_slice %arg4[%add3A_158] : memref<320000xi32, #tpu.memory_space<hbm>> -> memref<96xi32, #tpu.memory_space<hbm>>
        %dma_start3A_160 = tpu.memref_slice %arg4[%add3A_158] : memref<320000xi32, #tpu.memory_space<hbm>> -> memref<96xi32, #tpu.memory_space<hbm>>
        tpu.enqueue_dma source(%dma_start3A_160 : memref<96xi32, #tpu.memory_space<hbm>>) target(%arg10 : memref<96xi32, #tpu.memory_space<vmem>>) target_semaphore(%arg22 : memref<!tpu.dma_semaphore, #tpu.memory_space<semaphore_mem>>)
        %dma_start3A_161 = tpu.memref_slice %arg7[%mul3A_157] : memref<10000xi32, #tpu.memory_space<vmem>> -> memref<96xi32, #tpu.memory_space<vmem>>
        %dma_start3A_162 = arith.constant 0 : i32
        %dma_start3A_163 = arith.constant 0 : i32
        %dma_start3A_164 = tpu.memref_slice %arg2[%dma_start3A_162, %dma_start3A_163] : memref<10000x128xf32, #tpu.memory_space<hbm>> -> memref<10000x128xf32, #tpu.memory_space<hbm>>
        tpu.enqueue_indirect_dma source(%dma_start3A_164 : memref<10000x128xf32, #tpu.memory_space<hbm>>) target(%arg13 : memref<96x128xf32, #tpu.memory_space<vmem>>) offsets(%dma_start3A_161 : memref<96xi32, #tpu.memory_space<vmem>>) semaphore(%arg19 : memref<!tpu.dma_semaphore, #tpu.memory_space<semaphore_mem>>)
      } else {
      }
    }
    %scan3A_55 = arith.constant 34 : i32
    %dma_wait3A = arith.constant 0 : i32
    %dma_wait3A_56 = tpu.memref_slice %arg4[%dma_wait3A] : memref<320000xi32, #tpu.memory_space<hbm>> -> memref<96xi32, #tpu.memory_space<hbm>>
    %dma_wait3A_57 = arith.constant 0 : i32
    %dma_wait3A_58 = tpu.memref_slice %arg4[%dma_wait3A_57] : memref<320000xi32, #tpu.memory_space<hbm>> -> memref<96xi32, #tpu.memory_space<hbm>>
    tpu.wait_dma2 semaphore(%arg20 : memref<!tpu.dma_semaphore, #tpu.memory_space<semaphore_mem>>) src(%dma_wait3A_58 : memref<96xi32, #tpu.memory_space<hbm>>) dst(%arg8 : memref<96xi32, #tpu.memory_space<vmem>>)
    %dma_wait3A_59 = arith.constant 0 : i32
    %dma_wait3A_60 = arith.constant 0 : i32
    %dma_wait3A_61 = tpu.memref_slice %arg2[%dma_wait3A_59, %dma_wait3A_60] : memref<10000x128xf32, #tpu.memory_space<hbm>> -> memref<96x128xf32, #tpu.memory_space<hbm>>
    %dma_wait3A_62 = arith.constant 0 : i32
    %dma_wait3A_63 = arith.constant 0 : i32
    %dma_wait3A_64 = tpu.memref_slice %arg2[%dma_wait3A_62, %dma_wait3A_63] : memref<10000x128xf32, #tpu.memory_space<hbm>> -> memref<96x128xf32, #tpu.memory_space<hbm>>
    tpu.wait_dma2 semaphore(%arg17 : memref<!tpu.dma_semaphore, #tpu.memory_space<semaphore_mem>>) src(%dma_wait3A_64 : memref<96x128xf32, #tpu.memory_space<hbm>>) dst(%arg11 : memref<96x128xf32, #tpu.memory_space<vmem>>)
    "tpu.region"() ({
      %run_scoped3A = tpu.sem_alloc : memref<!tpu.dma_semaphore, #tpu.memory_space<semaphore_mem>>
      %dma_start3A_93 = arith.constant 0 : i32
      %dma_start3A_94 = arith.constant 0 : i32
      %dma_start3A_95 = tpu.memref_slice %arg16[%dma_start3A_93, %dma_start3A_94] : memref<10000x128xf32, #tpu.memory_space<vmem_shared>> -> memref<10000x128xf32, #tpu.memory_space<vmem_shared>>
      tpu.enqueue_indirect_dma source(%arg11 : memref<96x128xf32, #tpu.memory_space<vmem>>) target(%dma_start3A_95 : memref<10000x128xf32, #tpu.memory_space<vmem_shared>>) offsets(%arg8 : memref<96xi32, #tpu.memory_space<vmem>>) semaphore(%run_scoped3A : memref<!tpu.dma_semaphore, #tpu.memory_space<semaphore_mem>>) {add = true}
      %dma_wait3A_96 = arith.constant 0 : i32
      %dma_wait3A_97 = arith.constant 0 : i32
      %dma_wait3A_98 = tpu.memref_slice %arg16[%dma_wait3A_96, %dma_wait3A_97] : memref<10000x128xf32, #tpu.memory_space<vmem_shared>> -> memref<10000x128xf32, #tpu.memory_space<vmem_shared>>
      tpu.wait_indirect_dma semaphore(%run_scoped3A : memref<!tpu.dma_semaphore, #tpu.memory_space<semaphore_mem>>) src(%arg11 : memref<96x128xf32, #tpu.memory_space<vmem>>) dst(%dma_wait3A_98 : memref<10000x128xf32, #tpu.memory_space<vmem_shared>>)
      tpu.yield
    }) : () -> ()
    %dma_wait3A_65 = arith.constant 0 : i32
    %dma_wait3A_66 = tpu.memref_slice %arg4[%dma_wait3A_65] : memref<320000xi32, #tpu.memory_space<hbm>> -> memref<96xi32, #tpu.memory_space<hbm>>
    %dma_wait3A_67 = arith.constant 0 : i32
    %dma_wait3A_68 = tpu.memref_slice %arg4[%dma_wait3A_67] : memref<320000xi32, #tpu.memory_space<hbm>> -> memref<96xi32, #tpu.memory_space<hbm>>
    tpu.wait_dma2 semaphore(%arg21 : memref<!tpu.dma_semaphore, #tpu.memory_space<semaphore_mem>>) src(%dma_wait3A_68 : memref<96xi32, #tpu.memory_space<hbm>>) dst(%arg9 : memref<96xi32, #tpu.memory_space<vmem>>)
    %dma_wait3A_69 = arith.constant 0 : i32
    %dma_wait3A_70 = arith.constant 0 : i32
    %dma_wait3A_71 = tpu.memref_slice %arg2[%dma_wait3A_69, %dma_wait3A_70] : memref<10000x128xf32, #tpu.memory_space<hbm>> -> memref<96x128xf32, #tpu.memory_space<hbm>>
    %dma_wait3A_72 = arith.constant 0 : i32
    %dma_wait3A_73 = arith.constant 0 : i32
    %dma_wait3A_74 = tpu.memref_slice %arg2[%dma_wait3A_72, %dma_wait3A_73] : memref<10000x128xf32, #tpu.memory_space<hbm>> -> memref<96x128xf32, #tpu.memory_space<hbm>>
    tpu.wait_dma2 semaphore(%arg18 : memref<!tpu.dma_semaphore, #tpu.memory_space<semaphore_mem>>) src(%dma_wait3A_74 : memref<96x128xf32, #tpu.memory_space<hbm>>) dst(%arg12 : memref<96x128xf32, #tpu.memory_space<vmem>>)
    "tpu.region"() ({
      %run_scoped3A = tpu.sem_alloc : memref<!tpu.dma_semaphore, #tpu.memory_space<semaphore_mem>>
      %dma_start3A_93 = arith.constant 0 : i32
      %dma_start3A_94 = arith.constant 0 : i32
      %dma_start3A_95 = tpu.memref_slice %arg16[%dma_start3A_93, %dma_start3A_94] : memref<10000x128xf32, #tpu.memory_space<vmem_shared>> -> memref<10000x128xf32, #tpu.memory_space<vmem_shared>>
      tpu.enqueue_indirect_dma source(%arg12 : memref<96x128xf32, #tpu.memory_space<vmem>>) target(%dma_start3A_95 : memref<10000x128xf32, #tpu.memory_space<vmem_shared>>) offsets(%arg9 : memref<96xi32, #tpu.memory_space<vmem>>) semaphore(%run_scoped3A : memref<!tpu.dma_semaphore, #tpu.memory_space<semaphore_mem>>) {add = true}
      %dma_wait3A_96 = arith.constant 0 : i32
      %dma_wait3A_97 = arith.constant 0 : i32
      %dma_wait3A_98 = tpu.memref_slice %arg16[%dma_wait3A_96, %dma_wait3A_97] : memref<10000x128xf32, #tpu.memory_space<vmem_shared>> -> memref<10000x128xf32, #tpu.memory_space<vmem_shared>>
      tpu.wait_indirect_dma semaphore(%run_scoped3A : memref<!tpu.dma_semaphore, #tpu.memory_space<semaphore_mem>>) src(%arg12 : memref<96x128xf32, #tpu.memory_space<vmem>>) dst(%dma_wait3A_98 : memref<10000x128xf32, #tpu.memory_space<vmem_shared>>)
      tpu.yield
    }) : () -> ()
    %dma_wait3A_75 = arith.constant 0 : i32
    %dma_wait3A_76 = tpu.memref_slice %arg4[%dma_wait3A_75] : memref<320000xi32, #tpu.memory_space<hbm>> -> memref<16xi32, #tpu.memory_space<hbm>>
    %dma_wait3A_77 = arith.constant 0 : i32
    %dma_wait3A_78 = tpu.memref_slice %arg4[%dma_wait3A_77] : memref<320000xi32, #tpu.memory_space<hbm>> -> memref<16xi32, #tpu.memory_space<hbm>>
    tpu.wait_dma2 semaphore(%arg23 : memref<!tpu.dma_semaphore, #tpu.memory_space<semaphore_mem>>) src(%dma_wait3A_78 : memref<16xi32, #tpu.memory_space<hbm>>) dst(%arg14 : memref<16xi32, #tpu.memory_space<vmem>>)
    %dma_wait3A_79 = arith.constant 0 : i32
    %dma_wait3A_80 = arith.constant 0 : i32
    %dma_wait3A_81 = tpu.memref_slice %arg2[%dma_wait3A_79, %dma_wait3A_80] : memref<10000x128xf32, #tpu.memory_space<hbm>> -> memref<16x128xf32, #tpu.memory_space<hbm>>
    %dma_wait3A_82 = arith.constant 0 : i32
    %dma_wait3A_83 = arith.constant 0 : i32
    %dma_wait3A_84 = tpu.memref_slice %arg2[%dma_wait3A_82, %dma_wait3A_83] : memref<10000x128xf32, #tpu.memory_space<hbm>> -> memref<16x128xf32, #tpu.memory_space<hbm>>
    tpu.wait_dma2 semaphore(%arg23 : memref<!tpu.dma_semaphore, #tpu.memory_space<semaphore_mem>>) src(%dma_wait3A_84 : memref<16x128xf32, #tpu.memory_space<hbm>>) dst(%arg15 : memref<16x128xf32, #tpu.memory_space<vmem>>)
    "tpu.region"() ({
      %run_scoped3A = tpu.sem_alloc : memref<!tpu.dma_semaphore, #tpu.memory_space<semaphore_mem>>
      %dma_start3A_93 = arith.constant 0 : i32
      %dma_start3A_94 = arith.constant 0 : i32
      %dma_start3A_95 = tpu.memref_slice %arg16[%dma_start3A_93, %dma_start3A_94] : memref<10000x128xf32, #tpu.memory_space<vmem_shared>> -> memref<10000x128xf32, #tpu.memory_space<vmem_shared>>
      tpu.enqueue_indirect_dma source(%arg15 : memref<16x128xf32, #tpu.memory_space<vmem>>) target(%dma_start3A_95 : memref<10000x128xf32, #tpu.memory_space<vmem_shared>>) offsets(%arg14 : memref<16xi32, #tpu.memory_space<vmem>>) semaphore(%run_scoped3A : memref<!tpu.dma_semaphore, #tpu.memory_space<semaphore_mem>>) {add = true}
      %dma_wait3A_96 = arith.constant 0 : i32
      %dma_wait3A_97 = arith.constant 0 : i32
      %dma_wait3A_98 = tpu.memref_slice %arg16[%dma_wait3A_96, %dma_wait3A_97] : memref<10000x128xf32, #tpu.memory_space<vmem_shared>> -> memref<10000x128xf32, #tpu.memory_space<vmem_shared>>
      tpu.wait_indirect_dma semaphore(%run_scoped3A : memref<!tpu.dma_semaphore, #tpu.memory_space<semaphore_mem>>) src(%arg15 : memref<16x128xf32, #tpu.memory_space<vmem>>) dst(%dma_wait3A_98 : memref<10000x128xf32, #tpu.memory_space<vmem_shared>>)
      tpu.yield
    }) : () -> ()
    %barrier3A_85 = arith.constant 0 : index
    tpu.barrier barrier_id(%barrier3A_85)
    %mul3A_86 = arith.constant 624 : i32
    %mul3A_87 = arith.muli %arg1, %mul3A_86 : i32
    "tpu.region"() ({
      %run_scoped3A = tpu.sem_alloc : memref<!tpu.dma_semaphore, #tpu.memory_space<semaphore_mem>>
      %dma_start3A_93 = arith.constant 0 : i32
      %dma_start3A_94 = tpu.memref_slice %arg6[%arg0, %mul3A_87, %dma_start3A_93] : memref<2x10000x128xf32, #tpu.memory_space<hbm>> -> memref<1x624x128xf32, #tpu.memory_space<hbm>>
      %dma_start3A_95 = tpu.memref_squeeze %dma_start3A_94 : memref<1x624x128xf32, #tpu.memory_space<hbm>> -> memref<624x128xf32, #tpu.memory_space<hbm>>
      %dma_start3A_96 = arith.constant 0 : i32
      %dma_start3A_97 = tpu.memref_slice %arg16[%mul3A_87, %dma_start3A_96] : memref<10000x128xf32, #tpu.memory_space<vmem_shared>> -> memref<624x128xf32, #tpu.memory_space<vmem_shared>>
      tpu.enqueue_dma source(%dma_start3A_97 : memref<624x128xf32, #tpu.memory_space<vmem_shared>>) target(%dma_start3A_95 : memref<624x128xf32, #tpu.memory_space<hbm>>) target_semaphore(%run_scoped3A : memref<!tpu.dma_semaphore, #tpu.memory_space<semaphore_mem>>)
      %dma_wait3A_98 = arith.constant 0 : i32
      %dma_wait3A_99 = tpu.memref_slice %arg6[%arg0, %mul3A_87, %dma_wait3A_98] : memref<2x10000x128xf32, #tpu.memory_space<hbm>> -> memref<1x624x128xf32, #tpu.memory_space<hbm>>
      %dma_wait3A_100 = tpu.memref_squeeze %dma_wait3A_99 : memref<1x624x128xf32, #tpu.memory_space<hbm>> -> memref<624x128xf32, #tpu.memory_space<hbm>>
      %dma_wait3A_101 = arith.constant 0 : i32
      %dma_wait3A_102 = tpu.memref_slice %arg16[%mul3A_87, %dma_wait3A_101] : memref<10000x128xf32, #tpu.memory_space<vmem_shared>> -> memref<624x128xf32, #tpu.memory_space<vmem_shared>>
      tpu.wait_dma2 semaphore(%run_scoped3A : memref<!tpu.dma_semaphore, #tpu.memory_space<semaphore_mem>>) src(%dma_wait3A_102 : memref<624x128xf32, #tpu.memory_space<vmem_shared>>) dst(%dma_wait3A_100 : memref<624x128xf32, #tpu.memory_space<hbm>>)
      tpu.yield
    }) : () -> ()
    %eq3A_88 = arith.constant 0 : i32
    %eq3A_89 = arith.cmpi eq, %arg1, %eq3A_88 : i32
    %convert_element_type3A_90 = arith.extui %eq3A_89 : i1 to i32
    %cond3A_91 = arith.constant 0 : i32
    %cond3A_92 = arith.cmpi ne, %convert_element_type3A_90, %cond3A_91 : i32
    scf.if %cond3A_92 {
      "tpu.region"() ({
        %run_scoped3A = tpu.sem_alloc : memref<!tpu.dma_semaphore, #tpu.memory_space<semaphore_mem>>
        %dma_start3A_93 = arith.constant 9984 : i32
        %dma_start3A_94 = arith.constant 0 : i32
        %dma_start3A_95 = tpu.memref_slice %arg6[%arg0, %dma_start3A_93, %dma_start3A_94] : memref<2x10000x128xf32, #tpu.memory_space<hbm>> -> memref<1x16x128xf32, #tpu.memory_space<hbm>>
        %dma_start3A_96 = tpu.memref_squeeze %dma_start3A_95 : memref<1x16x128xf32, #tpu.memory_space<hbm>> -> memref<16x128xf32, #tpu.memory_space<hbm>>
        %dma_start3A_97 = arith.constant 9984 : i32
        %dma_start3A_98 = arith.constant 0 : i32
        %dma_start3A_99 = tpu.memref_slice %arg16[%dma_start3A_97, %dma_start3A_98] : memref<10000x128xf32, #tpu.memory_space<vmem_shared>> -> memref<16x128xf32, #tpu.memory_space<vmem_shared>>
        tpu.enqueue_dma source(%dma_start3A_99 : memref<16x128xf32, #tpu.memory_space<vmem_shared>>) target(%dma_start3A_96 : memref<16x128xf32, #tpu.memory_space<hbm>>) target_semaphore(%run_scoped3A : memref<!tpu.dma_semaphore, #tpu.memory_space<semaphore_mem>>)
        %dma_wait3A_100 = arith.constant 9984 : i32
        %dma_wait3A_101 = arith.constant 0 : i32
        %dma_wait3A_102 = tpu.memref_slice %arg6[%arg0, %dma_wait3A_100, %dma_wait3A_101] : memref<2x10000x128xf32, #tpu.memory_space<hbm>> -> memref<1x16x128xf32, #tpu.memory_space<hbm>>
        %dma_wait3A_103 = tpu.memref_squeeze %dma_wait3A_102 : memref<1x16x128xf32, #tpu.memory_space<hbm>> -> memref<16x128xf32, #tpu.memory_space<hbm>>
        %dma_wait3A_104 = arith.constant 9984 : i32
        %dma_wait3A_105 = arith.constant 0 : i32
        %dma_wait3A_106 = tpu.memref_slice %arg16[%dma_wait3A_104, %dma_wait3A_105] : memref<10000x128xf32, #tpu.memory_space<vmem_shared>> -> memref<16x128xf32, #tpu.memory_space<vmem_shared>>
        tpu.wait_dma2 semaphore(%run_scoped3A : memref<!tpu.dma_semaphore, #tpu.memory_space<semaphore_mem>>) src(%dma_wait3A_106 : memref<16x128xf32, #tpu.memory_space<vmem_shared>>) dst(%dma_wait3A_103 : memref<16x128xf32, #tpu.memory_space<hbm>>)
        tpu.yield
      }) : () -> ()
    } else {
    }
    return
  }
}

#map = affine_map<(d0, d1) -> (0, 0)>
#map1 = affine_map<(d0, d1) -> (0)>
#map2 = affine_map<(d0, d1) -> (0, 0, 0)>
module attributes {stable_mosaic.version = 14 : i64} {
  func.func @seg_sum(%arg0: i32, %arg1: i32, %arg2: memref<10000x128xf32, #tpu.memory_space<hbm>>, %arg3: memref<320000xi32, #tpu.memory_space<hbm>>, %arg4: memref<320000xi32, #tpu.memory_space<hbm>>, %arg5: memref<10000x128xf32, #tpu.memory_space<hbm>>, %arg6: memref<2x10000x128xf32, #tpu.memory_space<hbm>>, %arg7: memref<10000xi32, #tpu.memory_space<vmem>>, %arg8: memref<96xi32, #tpu.memory_space<vmem>>, %arg9: memref<96xi32, #tpu.memory_space<vmem>>, %arg10: memref<96xi32, #tpu.memory_space<vmem>>, %arg11: memref<96x128xf32, #tpu.memory_space<vmem>>, %arg12: memref<96x128xf32, #tpu.memory_space<vmem>>, %arg13: memref<96x128xf32, #tpu.memory_space<vmem>>, %arg14: memref<16xi32, #tpu.memory_space<vmem>>, %arg15: memref<16x128xf32, #tpu.memory_space<vmem>>, %arg16: memref<10000x128xf32, #tpu.memory_space<vmem_shared>>, %arg17: memref<!tpu.dma_semaphore, #tpu.memory_space<semaphore_mem>>, %arg18: memref<!tpu.dma_semaphore, #tpu.memory_space<semaphore_mem>>, %arg19: memref<!tpu.dma_semaphore, #tpu.memory_space<semaphore_mem>>, %arg20: memref<!tpu.dma_semaphore, #tpu.memory_space<semaphore_mem>>, %arg21: memref<!tpu.dma_semaphore, #tpu.memory_space<semaphore_mem>>, %arg22: memref<!tpu.dma_semaphore, #tpu.memory_space<semaphore_mem>>, %arg23: memref<!tpu.dma_semaphore, #tpu.memory_space<semaphore_mem>>) attributes {dimension_semantics = [#tpu.dimension_semantics<core_parallel>, #tpu.dimension_semantics<subcore_parallel>], iteration_bounds = array<i64: 2, 16>, scalar_prefetch = 0 : i64, scratch_operands = 17 : i64, tpu.core_type = #tpu.core_type<sc_vector_subcore>, window_params = [{transform_indices = #map}, {transform_indices = #map1}, {transform_indices = #map1}, {transform_indices = #map}, {transform_indices = #map2}]} {
    %mul3A = arith.constant 16 : i32
    %mul3A_0 = arith.muli %arg0, %mul3A : i32
    %add3A = arith.addi %mul3A_0, %arg1 : i32
    %mul3A_1 = arith.constant 10000 : i32
    %mul3A_2 = arith.muli %add3A, %mul3A_1 : i32
    "tpu.region"() ({
      %run_scoped3A = tpu.sem_alloc : memref<!tpu.dma_semaphore, #tpu.memory_space<semaphore_mem>>
      %dma_start3A_93 = tpu.memref_slice %arg3[%mul3A_2] : memref<320000xi32, #tpu.memory_space<hbm>> -> memref<10000xi32, #tpu.memory_space<hbm>>
      %dma_start3A_94 = tpu.memref_slice %arg3[%mul3A_2] : memref<320000xi32, #tpu.memory_space<hbm>> -> memref<10000xi32, #tpu.memory_space<hbm>>
      tpu.enqueue_dma source(%dma_start3A_94 : memref<10000xi32, #tpu.memory_space<hbm>>) target(%arg7 : memref<10000xi32, #tpu.memory_space<vmem>>) target_semaphore(%run_scoped3A : memref<!tpu.dma_semaphore, #tpu.memory_space<semaphore_mem>>)
      %dma_wait3A_95 = tpu.memref_slice %arg3[%mul3A_2] : memref<320000xi32, #tpu.memory_space<hbm>> -> memref<10000xi32, #tpu.memory_space<hbm>>
      %dma_wait3A_96 = tpu.memref_slice %arg3[%mul3A_2] : memref<320000xi32, #tpu.memory_space<hbm>> -> memref<10000xi32, #tpu.memory_space<hbm>>
      tpu.wait_dma2 semaphore(%run_scoped3A : memref<!tpu.dma_semaphore, #tpu.memory_space<semaphore_mem>>) src(%dma_wait3A_96 : memref<10000xi32, #tpu.memory_space<hbm>>) dst(%arg7 : memref<10000xi32, #tpu.memory_space<vmem>>)
      tpu.yield
    }) : () -> ()
    %add3A_3 = arith.constant 0 : i32
    %add3A_4 = arith.addi %mul3A_2, %add3A_3 : i32
    %dma_start3A = tpu.memref_slice %arg4[%add3A_4] : memref<320000xi32, #tpu.memory_space<hbm>> -> memref<96xi32, #tpu.memory_space<hbm>>
    %dma_start3A_5 = tpu.memref_slice %arg4[%add3A_4] : memref<320000xi32, #tpu.memory_space<hbm>> -> memref<96xi32, #tpu.memory_space<hbm>>
    tpu.enqueue_dma source(%dma_start3A_5 : memref<96xi32, #tpu.memory_space<hbm>>) target(%arg8 : memref<96xi32, #tpu.memory_space<vmem>>) target_semaphore(%arg20 : memref<!tpu.dma_semaphore, #tpu.memory_space<semaphore_mem>>)
    %dma_start3A_6 = arith.constant 0 : i32
    %dma_start3A_7 = tpu.memref_slice %arg7[%dma_start3A_6] : memref<10000xi32, #tpu.memory_space<vmem>> -> memref<96xi32, #tpu.memory_space<vmem>>
    %dma_start3A_8 = arith.constant 0 : i32
    %dma_start3A_9 = arith.constant 0 : i32
    %dma_start3A_10 = tpu.memref_slice %arg2[%dma_start3A_8, %dma_start3A_9] : memref<10000x128xf32, #tpu.memory_space<hbm>> -> memref<10000x128xf32, #tpu.memory_space<hbm>>
    tpu.enqueue_indirect_dma source(%dma_start3A_10 : memref<10000x128xf32, #tpu.memory_space<hbm>>) target(%arg11 : memref<96x128xf32, #tpu.memory_space<vmem>>) offsets(%dma_start3A_7 : memref<96xi32, #tpu.memory_space<vmem>>) semaphore(%arg17 : memref<!tpu.dma_semaphore, #tpu.memory_space<semaphore_mem>>)
    %add3A_11 = arith.constant 96 : i32
    %add3A_12 = arith.addi %mul3A_2, %add3A_11 : i32
    %dma_start3A_13 = tpu.memref_slice %arg4[%add3A_12] : memref<320000xi32, #tpu.memory_space<hbm>> -> memref<96xi32, #tpu.memory_space<hbm>>
    %dma_start3A_14 = tpu.memref_slice %arg4[%add3A_12] : memref<320000xi32, #tpu.memory_space<hbm>> -> memref<96xi32, #tpu.memory_space<hbm>>
    tpu.enqueue_dma source(%dma_start3A_14 : memref<96xi32, #tpu.memory_space<hbm>>) target(%arg9 : memref<96xi32, #tpu.memory_space<vmem>>) target_semaphore(%arg21 : memref<!tpu.dma_semaphore, #tpu.memory_space<semaphore_mem>>)
    %dma_start3A_15 = arith.constant 96 : i32
    %dma_start3A_16 = tpu.memref_slice %arg7[%dma_start3A_15] : memref<10000xi32, #tpu.memory_space<vmem>> -> memref<96xi32, #tpu.memory_space<vmem>>
    %dma_start3A_17 = arith.constant 0 : i32
    %dma_start3A_18 = arith.constant 0 : i32
    %dma_start3A_19 = tpu.memref_slice %arg2[%dma_start3A_17, %dma_start3A_18] : memref<10000x128xf32, #tpu.memory_space<hbm>> -> memref<10000x128xf32, #tpu.memory_space<hbm>>
    tpu.enqueue_indirect_dma source(%dma_start3A_19 : memref<10000x128xf32, #tpu.memory_space<hbm>>) target(%arg12 : memref<96x128xf32, #tpu.memory_space<vmem>>) offsets(%dma_start3A_16 : memref<96xi32, #tpu.memory_space<vmem>>) semaphore(%arg18 : memref<!tpu.dma_semaphore, #tpu.memory_space<semaphore_mem>>)
    %add3A_20 = arith.constant 192 : i32
    %add3A_21 = arith.addi %mul3A_2, %add3A_20 : i32
    %dma_start3A_22 = tpu.memref_slice %arg4[%add3A_21] : memref<320000xi32, #tpu.memory_space<hbm>> -> memref<96xi32, #tpu.memory_space<hbm>>
    %dma_start3A_23 = tpu.memref_slice %arg4[%add3A_21] : memref<320000xi32, #tpu.memory_space<hbm>> -> memref<96xi32, #tpu.memory_space<hbm>>
    tpu.enqueue_dma source(%dma_start3A_23 : memref<96xi32, #tpu.memory_space<hbm>>) target(%arg10 : memref<96xi32, #tpu.memory_space<vmem>>) target_semaphore(%arg22 : memref<!tpu.dma_semaphore, #tpu.memory_space<semaphore_mem>>)
    %dma_start3A_24 = arith.constant 192 : i32
    %dma_start3A_25 = tpu.memref_slice %arg7[%dma_start3A_24] : memref<10000xi32, #tpu.memory_space<vmem>> -> memref<96xi32, #tpu.memory_space<vmem>>
    %dma_start3A_26 = arith.constant 0 : i32
    %dma_start3A_27 = arith.constant 0 : i32
    %dma_start3A_28 = tpu.memref_slice %arg2[%dma_start3A_26, %dma_start3A_27] : memref<10000x128xf32, #tpu.memory_space<hbm>> -> memref<10000x128xf32, #tpu.memory_space<hbm>>
    tpu.enqueue_indirect_dma source(%dma_start3A_28 : memref<10000x128xf32, #tpu.memory_space<hbm>>) target(%arg13 : memref<96x128xf32, #tpu.memory_space<vmem>>) offsets(%dma_start3A_25 : memref<96xi32, #tpu.memory_space<vmem>>) semaphore(%arg19 : memref<!tpu.dma_semaphore, #tpu.memory_space<semaphore_mem>>)
    %add3A_29 = arith.constant 9984 : i32
    %add3A_30 = arith.addi %mul3A_2, %add3A_29 : i32
    %dma_start3A_31 = tpu.memref_slice %arg4[%add3A_30] : memref<320000xi32, #tpu.memory_space<hbm>> -> memref<16xi32, #tpu.memory_space<hbm>>
    %dma_start3A_32 = tpu.memref_slice %arg4[%add3A_30] : memref<320000xi32, #tpu.memory_space<hbm>> -> memref<16xi32, #tpu.memory_space<hbm>>
    tpu.enqueue_dma source(%dma_start3A_32 : memref<16xi32, #tpu.memory_space<hbm>>) target(%arg14 : memref<16xi32, #tpu.memory_space<vmem>>) target_semaphore(%arg23 : memref<!tpu.dma_semaphore, #tpu.memory_space<semaphore_mem>>)
    %dma_start3A_33 = arith.constant 9984 : i32
    %dma_start3A_34 = tpu.memref_slice %arg7[%dma_start3A_33] : memref<10000xi32, #tpu.memory_space<vmem>> -> memref<16xi32, #tpu.memory_space<vmem>>
    %dma_start3A_35 = arith.constant 0 : i32
    %dma_start3A_36 = arith.constant 0 : i32
    %dma_start3A_37 = tpu.memref_slice %arg2[%dma_start3A_35, %dma_start3A_36] : memref<10000x128xf32, #tpu.memory_space<hbm>> -> memref<10000x128xf32, #tpu.memory_space<hbm>>
    tpu.enqueue_indirect_dma source(%dma_start3A_37 : memref<10000x128xf32, #tpu.memory_space<hbm>>) target(%arg15 : memref<16x128xf32, #tpu.memory_space<vmem>>) offsets(%dma_start3A_34 : memref<16xi32, #tpu.memory_space<vmem>>) semaphore(%arg23 : memref<!tpu.dma_semaphore, #tpu.memory_space<semaphore_mem>>)
    %mul3A_38 = arith.constant 624 : i32
    %mul3A_39 = arith.muli %arg1, %mul3A_38 : i32
    %eq3A = arith.constant 0 : i32
    %eq3A_40 = arith.cmpi eq, %arg0, %eq3A : i32
    %convert_element_type3A = arith.extui %eq3A_40 : i1 to i32
    %cond3A = arith.constant 0 : i32
    %cond3A_41 = arith.cmpi ne, %convert_element_type3A, %cond3A : i32
    scf.if %cond3A_41 {
      "tpu.region"() ({
        %run_scoped3A = tpu.sem_alloc : memref<!tpu.dma_semaphore, #tpu.memory_space<semaphore_mem>>
        %dma_start3A_93 = arith.constant 0 : i32
        %dma_start3A_94 = tpu.memref_slice %arg16[%mul3A_39, %dma_start3A_93] : memref<10000x128xf32, #tpu.memory_space<vmem_shared>> -> memref<624x128xf32, #tpu.memory_space<vmem_shared>>
        %dma_start3A_95 = arith.constant 0 : i32
        %dma_start3A_96 = tpu.memref_slice %arg2[%mul3A_39, %dma_start3A_95] : memref<10000x128xf32, #tpu.memory_space<hbm>> -> memref<624x128xf32, #tpu.memory_space<hbm>>
        tpu.enqueue_dma source(%dma_start3A_96 : memref<624x128xf32, #tpu.memory_space<hbm>>) target(%dma_start3A_94 : memref<624x128xf32, #tpu.memory_space<vmem_shared>>) target_semaphore(%run_scoped3A : memref<!tpu.dma_semaphore, #tpu.memory_space<semaphore_mem>>)
        %dma_wait3A_97 = arith.constant 0 : i32
        %dma_wait3A_98 = tpu.memref_slice %arg16[%mul3A_39, %dma_wait3A_97] : memref<10000x128xf32, #tpu.memory_space<vmem_shared>> -> memref<624x128xf32, #tpu.memory_space<vmem_shared>>
        %dma_wait3A_99 = arith.constant 0 : i32
        %dma_wait3A_100 = tpu.memref_slice %arg2[%mul3A_39, %dma_wait3A_99] : memref<10000x128xf32, #tpu.memory_space<hbm>> -> memref<624x128xf32, #tpu.memory_space<hbm>>
        tpu.wait_dma2 semaphore(%run_scoped3A : memref<!tpu.dma_semaphore, #tpu.memory_space<semaphore_mem>>) src(%dma_wait3A_100 : memref<624x128xf32, #tpu.memory_space<hbm>>) dst(%dma_wait3A_98 : memref<624x128xf32, #tpu.memory_space<vmem_shared>>)
        tpu.yield
      }) : () -> ()
    } else {
    }
    %eq3A_42 = arith.constant 1 : i32
    %eq3A_43 = arith.cmpi eq, %arg0, %eq3A_42 : i32
    %convert_element_type3A_44 = arith.extui %eq3A_43 : i1 to i32
    %cond3A_45 = arith.constant 0 : i32
    %cond3A_46 = arith.cmpi ne, %convert_element_type3A_44, %cond3A_45 : i32
    scf.if %cond3A_46 {
      "tpu.region"() ({
        %run_scoped3A = tpu.sem_alloc : memref<!tpu.dma_semaphore, #tpu.memory_space<semaphore_mem>>
        %dma_start3A_93 = arith.constant 0 : i32
        %dma_start3A_94 = tpu.memref_slice %arg16[%mul3A_39, %dma_start3A_93] : memref<10000x128xf32, #tpu.memory_space<vmem_shared>> -> memref<624x128xf32, #tpu.memory_space<vmem_shared>>
        %dma_start3A_95 = arith.constant 0 : i32
        %dma_start3A_96 = tpu.memref_slice %arg5[%mul3A_39, %dma_start3A_95] : memref<10000x128xf32, #tpu.memory_space<hbm>> -> memref<624x128xf32, #tpu.memory_space<hbm>>
        tpu.enqueue_dma source(%dma_start3A_96 : memref<624x128xf32, #tpu.memory_space<hbm>>) target(%dma_start3A_94 : memref<624x128xf32, #tpu.memory_space<vmem_shared>>) target_semaphore(%run_scoped3A : memref<!tpu.dma_semaphore, #tpu.memory_space<semaphore_mem>>)
        %dma_wait3A_97 = arith.constant 0 : i32
        %dma_wait3A_98 = tpu.memref_slice %arg16[%mul3A_39, %dma_wait3A_97] : memref<10000x128xf32, #tpu.memory_space<vmem_shared>> -> memref<624x128xf32, #tpu.memory_space<vmem_shared>>
        %dma_wait3A_99 = arith.constant 0 : i32
        %dma_wait3A_100 = tpu.memref_slice %arg5[%mul3A_39, %dma_wait3A_99] : memref<10000x128xf32, #tpu.memory_space<hbm>> -> memref<624x128xf32, #tpu.memory_space<hbm>>
        tpu.wait_dma2 semaphore(%run_scoped3A : memref<!tpu.dma_semaphore, #tpu.memory_space<semaphore_mem>>) src(%dma_wait3A_100 : memref<624x128xf32, #tpu.memory_space<hbm>>) dst(%dma_wait3A_98 : memref<624x128xf32, #tpu.memory_space<vmem_shared>>)
        tpu.yield
      }) : () -> ()
    } else {
    }
    %eq3A_47 = arith.constant 0 : i32
    %eq3A_48 = arith.cmpi eq, %arg1, %eq3A_47 : i32
    %convert_element_type3A_49 = arith.extui %eq3A_48 : i1 to i32
    %cond3A_50 = arith.constant 0 : i32
    %cond3A_51 = arith.cmpi ne, %convert_element_type3A_49, %cond3A_50 : i32
    scf.if %cond3A_51 {
      %eq3A_93 = arith.constant 0 : i32
      %eq3A_94 = arith.cmpi eq, %arg0, %eq3A_93 : i32
      %convert_element_type3A_95 = arith.extui %eq3A_94 : i1 to i32
      %cond3A_96 = arith.constant 0 : i32
      %cond3A_97 = arith.cmpi ne, %convert_element_type3A_95, %cond3A_96 : i32
      scf.if %cond3A_97 {
        "tpu.region"() ({
          %run_scoped3A = tpu.sem_alloc : memref<!tpu.dma_semaphore, #tpu.memory_space<semaphore_mem>>
          %dma_start3A_103 = arith.constant 9984 : i32
          %dma_start3A_104 = arith.constant 0 : i32
          %dma_start3A_105 = tpu.memref_slice %arg16[%dma_start3A_103, %dma_start3A_104] : memref<10000x128xf32, #tpu.memory_space<vmem_shared>> -> memref<16x128xf32, #tpu.memory_space<vmem_shared>>
          %dma_start3A_106 = arith.constant 9984 : i32
          %dma_start3A_107 = arith.constant 0 : i32
          %dma_start3A_108 = tpu.memref_slice %arg2[%dma_start3A_106, %dma_start3A_107] : memref<10000x128xf32, #tpu.memory_space<hbm>> -> memref<16x128xf32, #tpu.memory_space<hbm>>
          tpu.enqueue_dma source(%dma_start3A_108 : memref<16x128xf32, #tpu.memory_space<hbm>>) target(%dma_start3A_105 : memref<16x128xf32, #tpu.memory_space<vmem_shared>>) target_semaphore(%run_scoped3A : memref<!tpu.dma_semaphore, #tpu.memory_space<semaphore_mem>>)
          %dma_wait3A_109 = arith.constant 9984 : i32
          %dma_wait3A_110 = arith.constant 0 : i32
          %dma_wait3A_111 = tpu.memref_slice %arg16[%dma_wait3A_109, %dma_wait3A_110] : memref<10000x128xf32, #tpu.memory_space<vmem_shared>> -> memref<16x128xf32, #tpu.memory_space<vmem_shared>>
          %dma_wait3A_112 = arith.constant 9984 : i32
          %dma_wait3A_113 = arith.constant 0 : i32
          %dma_wait3A_114 = tpu.memref_slice %arg2[%dma_wait3A_112, %dma_wait3A_113] : memref<10000x128xf32, #tpu.memory_space<hbm>> -> memref<16x128xf32, #tpu.memory_space<hbm>>
          tpu.wait_dma2 semaphore(%run_scoped3A : memref<!tpu.dma_semaphore, #tpu.memory_space<semaphore_mem>>) src(%dma_wait3A_114 : memref<16x128xf32, #tpu.memory_space<hbm>>) dst(%dma_wait3A_111 : memref<16x128xf32, #tpu.memory_space<vmem_shared>>)
          tpu.yield
        }) : () -> ()
      } else {
      }
      %eq3A_98 = arith.constant 1 : i32
      %eq3A_99 = arith.cmpi eq, %arg0, %eq3A_98 : i32
      %convert_element_type3A_100 = arith.extui %eq3A_99 : i1 to i32
      %cond3A_101 = arith.constant 0 : i32
      %cond3A_102 = arith.cmpi ne, %convert_element_type3A_100, %cond3A_101 : i32
      scf.if %cond3A_102 {
        "tpu.region"() ({
          %run_scoped3A = tpu.sem_alloc : memref<!tpu.dma_semaphore, #tpu.memory_space<semaphore_mem>>
          %dma_start3A_103 = arith.constant 9984 : i32
          %dma_start3A_104 = arith.constant 0 : i32
          %dma_start3A_105 = tpu.memref_slice %arg16[%dma_start3A_103, %dma_start3A_104] : memref<10000x128xf32, #tpu.memory_space<vmem_shared>> -> memref<16x128xf32, #tpu.memory_space<vmem_shared>>
          %dma_start3A_106 = arith.constant 9984 : i32
          %dma_start3A_107 = arith.constant 0 : i32
          %dma_start3A_108 = tpu.memref_slice %arg5[%dma_start3A_106, %dma_start3A_107] : memref<10000x128xf32, #tpu.memory_space<hbm>> -> memref<16x128xf32, #tpu.memory_space<hbm>>
          tpu.enqueue_dma source(%dma_start3A_108 : memref<16x128xf32, #tpu.memory_space<hbm>>) target(%dma_start3A_105 : memref<16x128xf32, #tpu.memory_space<vmem_shared>>) target_semaphore(%run_scoped3A : memref<!tpu.dma_semaphore, #tpu.memory_space<semaphore_mem>>)
          %dma_wait3A_109 = arith.constant 9984 : i32
          %dma_wait3A_110 = arith.constant 0 : i32
          %dma_wait3A_111 = tpu.memref_slice %arg16[%dma_wait3A_109, %dma_wait3A_110] : memref<10000x128xf32, #tpu.memory_space<vmem_shared>> -> memref<16x128xf32, #tpu.memory_space<vmem_shared>>
          %dma_wait3A_112 = arith.constant 9984 : i32
          %dma_wait3A_113 = arith.constant 0 : i32
          %dma_wait3A_114 = tpu.memref_slice %arg5[%dma_wait3A_112, %dma_wait3A_113] : memref<10000x128xf32, #tpu.memory_space<hbm>> -> memref<16x128xf32, #tpu.memory_space<hbm>>
          tpu.wait_dma2 semaphore(%run_scoped3A : memref<!tpu.dma_semaphore, #tpu.memory_space<semaphore_mem>>) src(%dma_wait3A_114 : memref<16x128xf32, #tpu.memory_space<hbm>>) dst(%dma_wait3A_111 : memref<16x128xf32, #tpu.memory_space<vmem_shared>>)
          tpu.yield
        }) : () -> ()
      } else {
      }
    } else {
    }
    %barrier3A = arith.constant 0 : index
    tpu.barrier barrier_id(%barrier3A)
    %scan3A = arith.constant 0 : i32
    %scan3A_52 = arith.constant 34 : i32
    %scan3A_53 = arith.addi %scan3A, %scan3A_52 : i32
    %scan3A_54 = arith.constant 1 : i32
    scf.for %scan3A_93 = %scan3A to %scan3A_53 step %scan3A_54  : i32 {
      %mul3A_94 = arith.constant 3 : i32
      %mul3A_95 = arith.muli %scan3A_93, %mul3A_94 : i32
      %add3A_96 = arith.constant 0 : i32
      %add3A_97 = arith.addi %add3A_96, %mul3A_95 : i32
      %add3A_98 = arith.constant 0 : i32
      %add3A_99 = arith.addi %add3A_97, %add3A_98 : i32
      %dma_wait3A_100 = arith.constant 0 : i32
      %dma_wait3A_101 = tpu.memref_slice %arg4[%dma_wait3A_100] : memref<320000xi32, #tpu.memory_space<hbm>> -> memref<96xi32, #tpu.memory_space<hbm>>
      %dma_wait3A_102 = arith.constant 0 : i32
      %dma_wait3A_103 = tpu.memref_slice %arg4[%dma_wait3A_102] : memref<320000xi32, #tpu.memory_space<hbm>> -> memref<96xi32, #tpu.memory_space<hbm>>
      tpu.wait_dma2 semaphore(%arg20 : memref<!tpu.dma_semaphore, #tpu.memory_space<semaphore_mem>>) src(%dma_wait3A_103 : memref<96xi32, #tpu.memory_space<hbm>>) dst(%arg8 : memref<96xi32, #tpu.memory_space<vmem>>)
      %dma_wait3A_104 = arith.constant 0 : i32
      %dma_wait3A_105 = arith.constant 0 : i32
      %dma_wait3A_106 = tpu.memref_slice %arg2[%dma_wait3A_104, %dma_wait3A_105] : memref<10000x128xf32, #tpu.memory_space<hbm>> -> memref<96x128xf32, #tpu.memory_space<hbm>>
      %dma_wait3A_107 = arith.constant 0 : i32
      %dma_wait3A_108 = arith.constant 0 : i32
      %dma_wait3A_109 = tpu.memref_slice %arg2[%dma_wait3A_107, %dma_wait3A_108] : memref<10000x128xf32, #tpu.memory_space<hbm>> -> memref<96x128xf32, #tpu.memory_space<hbm>>
      tpu.wait_dma2 semaphore(%arg17 : memref<!tpu.dma_semaphore, #tpu.memory_space<semaphore_mem>>) src(%dma_wait3A_109 : memref<96x128xf32, #tpu.memory_space<hbm>>) dst(%arg11 : memref<96x128xf32, #tpu.memory_space<vmem>>)
      "tpu.region"() ({
        %run_scoped3A = tpu.sem_alloc : memref<!tpu.dma_semaphore, #tpu.memory_space<semaphore_mem>>
        %dma_start3A_154 = arith.constant 0 : i32
        %dma_start3A_155 = arith.constant 0 : i32
        %dma_start3A_156 = tpu.memref_slice %arg16[%dma_start3A_154, %dma_start3A_155] : memref<10000x128xf32, #tpu.memory_space<vmem_shared>> -> memref<10000x128xf32, #tpu.memory_space<vmem_shared>>
        tpu.enqueue_indirect_dma source(%arg11 : memref<96x128xf32, #tpu.memory_space<vmem>>) target(%dma_start3A_156 : memref<10000x128xf32, #tpu.memory_space<vmem_shared>>) offsets(%arg8 : memref<96xi32, #tpu.memory_space<vmem>>) semaphore(%run_scoped3A : memref<!tpu.dma_semaphore, #tpu.memory_space<semaphore_mem>>) {add = true}
        %dma_wait3A_157 = arith.constant 0 : i32
        %dma_wait3A_158 = arith.constant 0 : i32
        %dma_wait3A_159 = tpu.memref_slice %arg16[%dma_wait3A_157, %dma_wait3A_158] : memref<10000x128xf32, #tpu.memory_space<vmem_shared>> -> memref<10000x128xf32, #tpu.memory_space<vmem_shared>>
        tpu.wait_indirect_dma semaphore(%run_scoped3A : memref<!tpu.dma_semaphore, #tpu.memory_space<semaphore_mem>>) src(%arg11 : memref<96x128xf32, #tpu.memory_space<vmem>>) dst(%dma_wait3A_159 : memref<10000x128xf32, #tpu.memory_space<vmem_shared>>)
        tpu.yield
      }) : () -> ()
      %add3A_110 = arith.constant 3 : i32
      %add3A_111 = arith.addi %add3A_99, %add3A_110 : i32
      %lt3A = arith.constant 104 : i32
      %lt3A_112 = arith.cmpi slt, %add3A_111, %lt3A : i32
      %convert_element_type3A_113 = arith.extui %lt3A_112 : i1 to i32
      %cond3A_114 = arith.constant 0 : i32
      %cond3A_115 = arith.cmpi ne, %convert_element_type3A_113, %cond3A_114 : i32
      scf.if %cond3A_115 {
        %add3A_154 = arith.constant 3 : i32
        %add3A_155 = arith.addi %add3A_99, %add3A_154 : i32
        %mul3A_156 = arith.constant 96 : i32
        %mul3A_157 = arith.muli %add3A_155, %mul3A_156 : i32
        %add3A_158 = arith.addi %mul3A_2, %mul3A_157 : i32
        %dma_start3A_159 = tpu.memref_slice %arg4[%add3A_158] : memref<320000xi32, #tpu.memory_space<hbm>> -> memref<96xi32, #tpu.memory_space<hbm>>
        %dma_start3A_160 = tpu.memref_slice %arg4[%add3A_158] : memref<320000xi32, #tpu.memory_space<hbm>> -> memref<96xi32, #tpu.memory_space<hbm>>
        tpu.enqueue_dma source(%dma_start3A_160 : memref<96xi32, #tpu.memory_space<hbm>>) target(%arg8 : memref<96xi32, #tpu.memory_space<vmem>>) target_semaphore(%arg20 : memref<!tpu.dma_semaphore, #tpu.memory_space<semaphore_mem>>)
        %dma_start3A_161 = tpu.memref_slice %arg7[%mul3A_157] : memref<10000xi32, #tpu.memory_space<vmem>> -> memref<96xi32, #tpu.memory_space<vmem>>
        %dma_start3A_162 = arith.constant 0 : i32
        %dma_start3A_163 = arith.constant 0 : i32
        %dma_start3A_164 = tpu.memref_slice %arg2[%dma_start3A_162, %dma_start3A_163] : memref<10000x128xf32, #tpu.memory_space<hbm>> -> memref<10000x128xf32, #tpu.memory_space<hbm>>
        tpu.enqueue_indirect_dma source(%dma_start3A_164 : memref<10000x128xf32, #tpu.memory_space<hbm>>) target(%arg11 : memref<96x128xf32, #tpu.memory_space<vmem>>) offsets(%dma_start3A_161 : memref<96xi32, #tpu.memory_space<vmem>>) semaphore(%arg17 : memref<!tpu.dma_semaphore, #tpu.memory_space<semaphore_mem>>)
      } else {
      }
      %add3A_116 = arith.constant 1 : i32
      %add3A_117 = arith.addi %add3A_97, %add3A_116 : i32
      %dma_wait3A_118 = arith.constant 0 : i32
      %dma_wait3A_119 = tpu.memref_slice %arg4[%dma_wait3A_118] : memref<320000xi32, #tpu.memory_space<hbm>> -> memref<96xi32, #tpu.memory_space<hbm>>
      %dma_wait3A_120 = arith.constant 0 : i32
      %dma_wait3A_121 = tpu.memref_slice %arg4[%dma_wait3A_120] : memref<320000xi32, #tpu.memory_space<hbm>> -> memref<96xi32, #tpu.memory_space<hbm>>
      tpu.wait_dma2 semaphore(%arg21 : memref<!tpu.dma_semaphore, #tpu.memory_space<semaphore_mem>>) src(%dma_wait3A_121 : memref<96xi32, #tpu.memory_space<hbm>>) dst(%arg9 : memref<96xi32, #tpu.memory_space<vmem>>)
      %dma_wait3A_122 = arith.constant 0 : i32
      %dma_wait3A_123 = arith.constant 0 : i32
      %dma_wait3A_124 = tpu.memref_slice %arg2[%dma_wait3A_122, %dma_wait3A_123] : memref<10000x128xf32, #tpu.memory_space<hbm>> -> memref<96x128xf32, #tpu.memory_space<hbm>>
      %dma_wait3A_125 = arith.constant 0 : i32
      %dma_wait3A_126 = arith.constant 0 : i32
      %dma_wait3A_127 = tpu.memref_slice %arg2[%dma_wait3A_125, %dma_wait3A_126] : memref<10000x128xf32, #tpu.memory_space<hbm>> -> memref<96x128xf32, #tpu.memory_space<hbm>>
      tpu.wait_dma2 semaphore(%arg18 : memref<!tpu.dma_semaphore, #tpu.memory_space<semaphore_mem>>) src(%dma_wait3A_127 : memref<96x128xf32, #tpu.memory_space<hbm>>) dst(%arg12 : memref<96x128xf32, #tpu.memory_space<vmem>>)
      "tpu.region"() ({
        %run_scoped3A = tpu.sem_alloc : memref<!tpu.dma_semaphore, #tpu.memory_space<semaphore_mem>>
        %dma_start3A_154 = arith.constant 0 : i32
        %dma_start3A_155 = arith.constant 0 : i32
        %dma_start3A_156 = tpu.memref_slice %arg16[%dma_start3A_154, %dma_start3A_155] : memref<10000x128xf32, #tpu.memory_space<vmem_shared>> -> memref<10000x128xf32, #tpu.memory_space<vmem_shared>>
        tpu.enqueue_indirect_dma source(%arg12 : memref<96x128xf32, #tpu.memory_space<vmem>>) target(%dma_start3A_156 : memref<10000x128xf32, #tpu.memory_space<vmem_shared>>) offsets(%arg9 : memref<96xi32, #tpu.memory_space<vmem>>) semaphore(%run_scoped3A : memref<!tpu.dma_semaphore, #tpu.memory_space<semaphore_mem>>) {add = true}
        %dma_wait3A_157 = arith.constant 0 : i32
        %dma_wait3A_158 = arith.constant 0 : i32
        %dma_wait3A_159 = tpu.memref_slice %arg16[%dma_wait3A_157, %dma_wait3A_158] : memref<10000x128xf32, #tpu.memory_space<vmem_shared>> -> memref<10000x128xf32, #tpu.memory_space<vmem_shared>>
        tpu.wait_indirect_dma semaphore(%run_scoped3A : memref<!tpu.dma_semaphore, #tpu.memory_space<semaphore_mem>>) src(%arg12 : memref<96x128xf32, #tpu.memory_space<vmem>>) dst(%dma_wait3A_159 : memref<10000x128xf32, #tpu.memory_space<vmem_shared>>)
        tpu.yield
      }) : () -> ()
      %add3A_128 = arith.constant 3 : i32
      %add3A_129 = arith.addi %add3A_117, %add3A_128 : i32
      %lt3A_130 = arith.constant 104 : i32
      %lt3A_131 = arith.cmpi slt, %add3A_129, %lt3A_130 : i32
      %convert_element_type3A_132 = arith.extui %lt3A_131 : i1 to i32
      %cond3A_133 = arith.constant 0 : i32
      %cond3A_134 = arith.cmpi ne, %convert_element_type3A_132, %cond3A_133 : i32
      scf.if %cond3A_134 {
        %add3A_154 = arith.constant 3 : i32
        %add3A_155 = arith.addi %add3A_117, %add3A_154 : i32
        %mul3A_156 = arith.constant 96 : i32
        %mul3A_157 = arith.muli %add3A_155, %mul3A_156 : i32
        %add3A_158 = arith.addi %mul3A_2, %mul3A_157 : i32
        %dma_start3A_159 = tpu.memref_slice %arg4[%add3A_158] : memref<320000xi32, #tpu.memory_space<hbm>> -> memref<96xi32, #tpu.memory_space<hbm>>
        %dma_start3A_160 = tpu.memref_slice %arg4[%add3A_158] : memref<320000xi32, #tpu.memory_space<hbm>> -> memref<96xi32, #tpu.memory_space<hbm>>
        tpu.enqueue_dma source(%dma_start3A_160 : memref<96xi32, #tpu.memory_space<hbm>>) target(%arg9 : memref<96xi32, #tpu.memory_space<vmem>>) target_semaphore(%arg21 : memref<!tpu.dma_semaphore, #tpu.memory_space<semaphore_mem>>)
        %dma_start3A_161 = tpu.memref_slice %arg7[%mul3A_157] : memref<10000xi32, #tpu.memory_space<vmem>> -> memref<96xi32, #tpu.memory_space<vmem>>
        %dma_start3A_162 = arith.constant 0 : i32
        %dma_start3A_163 = arith.constant 0 : i32
        %dma_start3A_164 = tpu.memref_slice %arg2[%dma_start3A_162, %dma_start3A_163] : memref<10000x128xf32, #tpu.memory_space<hbm>> -> memref<10000x128xf32, #tpu.memory_space<hbm>>
        tpu.enqueue_indirect_dma source(%dma_start3A_164 : memref<10000x128xf32, #tpu.memory_space<hbm>>) target(%arg12 : memref<96x128xf32, #tpu.memory_space<vmem>>) offsets(%dma_start3A_161 : memref<96xi32, #tpu.memory_space<vmem>>) semaphore(%arg18 : memref<!tpu.dma_semaphore, #tpu.memory_space<semaphore_mem>>)
      } else {
      }
      %add3A_135 = arith.constant 2 : i32
      %add3A_136 = arith.addi %add3A_97, %add3A_135 : i32
      %dma_wait3A_137 = arith.constant 0 : i32
      %dma_wait3A_138 = tpu.memref_slice %arg4[%dma_wait3A_137] : memref<320000xi32, #tpu.memory_space<hbm>> -> memref<96xi32, #tpu.memory_space<hbm>>
      %dma_wait3A_139 = arith.constant 0 : i32
      %dma_wait3A_140 = tpu.memref_slice %arg4[%dma_wait3A_139] : memref<320000xi32, #tpu.memory_space<hbm>> -> memref<96xi32, #tpu.memory_space<hbm>>
      tpu.wait_dma2 semaphore(%arg22 : memref<!tpu.dma_semaphore, #tpu.memory_space<semaphore_mem>>) src(%dma_wait3A_140 : memref<96xi32, #tpu.memory_space<hbm>>) dst(%arg10 : memref<96xi32, #tpu.memory_space<vmem>>)
      %dma_wait3A_141 = arith.constant 0 : i32
      %dma_wait3A_142 = arith.constant 0 : i32
      %dma_wait3A_143 = tpu.memref_slice %arg2[%dma_wait3A_141, %dma_wait3A_142] : memref<10000x128xf32, #tpu.memory_space<hbm>> -> memref<96x128xf32, #tpu.memory_space<hbm>>
      %dma_wait3A_144 = arith.constant 0 : i32
      %dma_wait3A_145 = arith.constant 0 : i32
      %dma_wait3A_146 = tpu.memref_slice %arg2[%dma_wait3A_144, %dma_wait3A_145] : memref<10000x128xf32, #tpu.memory_space<hbm>> -> memref<96x128xf32, #tpu.memory_space<hbm>>
      tpu.wait_dma2 semaphore(%arg19 : memref<!tpu.dma_semaphore, #tpu.memory_space<semaphore_mem>>) src(%dma_wait3A_146 : memref<96x128xf32, #tpu.memory_space<hbm>>) dst(%arg13 : memref<96x128xf32, #tpu.memory_space<vmem>>)
      "tpu.region"() ({
        %run_scoped3A = tpu.sem_alloc : memref<!tpu.dma_semaphore, #tpu.memory_space<semaphore_mem>>
        %dma_start3A_154 = arith.constant 0 : i32
        %dma_start3A_155 = arith.constant 0 : i32
        %dma_start3A_156 = tpu.memref_slice %arg16[%dma_start3A_154, %dma_start3A_155] : memref<10000x128xf32, #tpu.memory_space<vmem_shared>> -> memref<10000x128xf32, #tpu.memory_space<vmem_shared>>
        tpu.enqueue_indirect_dma source(%arg13 : memref<96x128xf32, #tpu.memory_space<vmem>>) target(%dma_start3A_156 : memref<10000x128xf32, #tpu.memory_space<vmem_shared>>) offsets(%arg10 : memref<96xi32, #tpu.memory_space<vmem>>) semaphore(%run_scoped3A : memref<!tpu.dma_semaphore, #tpu.memory_space<semaphore_mem>>) {add = true}
        %dma_wait3A_157 = arith.constant 0 : i32
        %dma_wait3A_158 = arith.constant 0 : i32
        %dma_wait3A_159 = tpu.memref_slice %arg16[%dma_wait3A_157, %dma_wait3A_158] : memref<10000x128xf32, #tpu.memory_space<vmem_shared>> -> memref<10000x128xf32, #tpu.memory_space<vmem_shared>>
        tpu.wait_indirect_dma semaphore(%run_scoped3A : memref<!tpu.dma_semaphore, #tpu.memory_space<semaphore_mem>>) src(%arg13 : memref<96x128xf32, #tpu.memory_space<vmem>>) dst(%dma_wait3A_159 : memref<10000x128xf32, #tpu.memory_space<vmem_shared>>)
        tpu.yield
      }) : () -> ()
      %add3A_147 = arith.constant 3 : i32
      %add3A_148 = arith.addi %add3A_136, %add3A_147 : i32
      %lt3A_149 = arith.constant 104 : i32
      %lt3A_150 = arith.cmpi slt, %add3A_148, %lt3A_149 : i32
      %convert_element_type3A_151 = arith.extui %lt3A_150 : i1 to i32
      %cond3A_152 = arith.constant 0 : i32
      %cond3A_153 = arith.cmpi ne, %convert_element_type3A_151, %cond3A_152 : i32
      scf.if %cond3A_153 {
        %add3A_154 = arith.constant 3 : i32
        %add3A_155 = arith.addi %add3A_136, %add3A_154 : i32
        %mul3A_156 = arith.constant 96 : i32
        %mul3A_157 = arith.muli %add3A_155, %mul3A_156 : i32
        %add3A_158 = arith.addi %mul3A_2, %mul3A_157 : i32
        %dma_start3A_159 = tpu.memref_slice %arg4[%add3A_158] : memref<320000xi32, #tpu.memory_space<hbm>> -> memref<96xi32, #tpu.memory_space<hbm>>
        %dma_start3A_160 = tpu.memref_slice %arg4[%add3A_158] : memref<320000xi32, #tpu.memory_space<hbm>> -> memref<96xi32, #tpu.memory_space<hbm>>
        tpu.enqueue_dma source(%dma_start3A_160 : memref<96xi32, #tpu.memory_space<hbm>>) target(%arg10 : memref<96xi32, #tpu.memory_space<vmem>>) target_semaphore(%arg22 : memref<!tpu.dma_semaphore, #tpu.memory_space<semaphore_mem>>)
        %dma_start3A_161 = tpu.memref_slice %arg7[%mul3A_157] : memref<10000xi32, #tpu.memory_space<vmem>> -> memref<96xi32, #tpu.memory_space<vmem>>
        %dma_start3A_162 = arith.constant 0 : i32
        %dma_start3A_163 = arith.constant 0 : i32
        %dma_start3A_164 = tpu.memref_slice %arg2[%dma_start3A_162, %dma_start3A_163] : memref<10000x128xf32, #tpu.memory_space<hbm>> -> memref<10000x128xf32, #tpu.memory_space<hbm>>
        tpu.enqueue_indirect_dma source(%dma_start3A_164 : memref<10000x128xf32, #tpu.memory_space<hbm>>) target(%arg13 : memref<96x128xf32, #tpu.memory_space<vmem>>) offsets(%dma_start3A_161 : memref<96xi32, #tpu.memory_space<vmem>>) semaphore(%arg19 : memref<!tpu.dma_semaphore, #tpu.memory_space<semaphore_mem>>)
      } else {
      }
    }
    %scan3A_55 = arith.constant 34 : i32
    %dma_wait3A = arith.constant 0 : i32
    %dma_wait3A_56 = tpu.memref_slice %arg4[%dma_wait3A] : memref<320000xi32, #tpu.memory_space<hbm>> -> memref<96xi32, #tpu.memory_space<hbm>>
    %dma_wait3A_57 = arith.constant 0 : i32
    %dma_wait3A_58 = tpu.memref_slice %arg4[%dma_wait3A_57] : memref<320000xi32, #tpu.memory_space<hbm>> -> memref<96xi32, #tpu.memory_space<hbm>>
    tpu.wait_dma2 semaphore(%arg20 : memref<!tpu.dma_semaphore, #tpu.memory_space<semaphore_mem>>) src(%dma_wait3A_58 : memref<96xi32, #tpu.memory_space<hbm>>) dst(%arg8 : memref<96xi32, #tpu.memory_space<vmem>>)
    %dma_wait3A_59 = arith.constant 0 : i32
    %dma_wait3A_60 = arith.constant 0 : i32
    %dma_wait3A_61 = tpu.memref_slice %arg2[%dma_wait3A_59, %dma_wait3A_60] : memref<10000x128xf32, #tpu.memory_space<hbm>> -> memref<96x128xf32, #tpu.memory_space<hbm>>
    %dma_wait3A_62 = arith.constant 0 : i32
    %dma_wait3A_63 = arith.constant 0 : i32
    %dma_wait3A_64 = tpu.memref_slice %arg2[%dma_wait3A_62, %dma_wait3A_63] : memref<10000x128xf32, #tpu.memory_space<hbm>> -> memref<96x128xf32, #tpu.memory_space<hbm>>
    tpu.wait_dma2 semaphore(%arg17 : memref<!tpu.dma_semaphore, #tpu.memory_space<semaphore_mem>>) src(%dma_wait3A_64 : memref<96x128xf32, #tpu.memory_space<hbm>>) dst(%arg11 : memref<96x128xf32, #tpu.memory_space<vmem>>)
    "tpu.region"() ({
      %run_scoped3A = tpu.sem_alloc : memref<!tpu.dma_semaphore, #tpu.memory_space<semaphore_mem>>
      %dma_start3A_93 = arith.constant 0 : i32
      %dma_start3A_94 = arith.constant 0 : i32
      %dma_start3A_95 = tpu.memref_slice %arg16[%dma_start3A_93, %dma_start3A_94] : memref<10000x128xf32, #tpu.memory_space<vmem_shared>> -> memref<10000x128xf32, #tpu.memory_space<vmem_shared>>
      tpu.enqueue_indirect_dma source(%arg11 : memref<96x128xf32, #tpu.memory_space<vmem>>) target(%dma_start3A_95 : memref<10000x128xf32, #tpu.memory_space<vmem_shared>>) offsets(%arg8 : memref<96xi32, #tpu.memory_space<vmem>>) semaphore(%run_scoped3A : memref<!tpu.dma_semaphore, #tpu.memory_space<semaphore_mem>>) {add = true}
      %dma_wait3A_96 = arith.constant 0 : i32
      %dma_wait3A_97 = arith.constant 0 : i32
      %dma_wait3A_98 = tpu.memref_slice %arg16[%dma_wait3A_96, %dma_wait3A_97] : memref<10000x128xf32, #tpu.memory_space<vmem_shared>> -> memref<10000x128xf32, #tpu.memory_space<vmem_shared>>
      tpu.wait_indirect_dma semaphore(%run_scoped3A : memref<!tpu.dma_semaphore, #tpu.memory_space<semaphore_mem>>) src(%arg11 : memref<96x128xf32, #tpu.memory_space<vmem>>) dst(%dma_wait3A_98 : memref<10000x128xf32, #tpu.memory_space<vmem_shared>>)
      tpu.yield
    }) : () -> ()
    %dma_wait3A_65 = arith.constant 0 : i32
    %dma_wait3A_66 = tpu.memref_slice %arg4[%dma_wait3A_65] : memref<320000xi32, #tpu.memory_space<hbm>> -> memref<96xi32, #tpu.memory_space<hbm>>
    %dma_wait3A_67 = arith.constant 0 : i32
    %dma_wait3A_68 = tpu.memref_slice %arg4[%dma_wait3A_67] : memref<320000xi32, #tpu.memory_space<hbm>> -> memref<96xi32, #tpu.memory_space<hbm>>
    tpu.wait_dma2 semaphore(%arg21 : memref<!tpu.dma_semaphore, #tpu.memory_space<semaphore_mem>>) src(%dma_wait3A_68 : memref<96xi32, #tpu.memory_space<hbm>>) dst(%arg9 : memref<96xi32, #tpu.memory_space<vmem>>)
    %dma_wait3A_69 = arith.constant 0 : i32
    %dma_wait3A_70 = arith.constant 0 : i32
    %dma_wait3A_71 = tpu.memref_slice %arg2[%dma_wait3A_69, %dma_wait3A_70] : memref<10000x128xf32, #tpu.memory_space<hbm>> -> memref<96x128xf32, #tpu.memory_space<hbm>>
    %dma_wait3A_72 = arith.constant 0 : i32
    %dma_wait3A_73 = arith.constant 0 : i32
    %dma_wait3A_74 = tpu.memref_slice %arg2[%dma_wait3A_72, %dma_wait3A_73] : memref<10000x128xf32, #tpu.memory_space<hbm>> -> memref<96x128xf32, #tpu.memory_space<hbm>>
    tpu.wait_dma2 semaphore(%arg18 : memref<!tpu.dma_semaphore, #tpu.memory_space<semaphore_mem>>) src(%dma_wait3A_74 : memref<96x128xf32, #tpu.memory_space<hbm>>) dst(%arg12 : memref<96x128xf32, #tpu.memory_space<vmem>>)
    "tpu.region"() ({
      %run_scoped3A = tpu.sem_alloc : memref<!tpu.dma_semaphore, #tpu.memory_space<semaphore_mem>>
      %dma_start3A_93 = arith.constant 0 : i32
      %dma_start3A_94 = arith.constant 0 : i32
      %dma_start3A_95 = tpu.memref_slice %arg16[%dma_start3A_93, %dma_start3A_94] : memref<10000x128xf32, #tpu.memory_space<vmem_shared>> -> memref<10000x128xf32, #tpu.memory_space<vmem_shared>>
      tpu.enqueue_indirect_dma source(%arg12 : memref<96x128xf32, #tpu.memory_space<vmem>>) target(%dma_start3A_95 : memref<10000x128xf32, #tpu.memory_space<vmem_shared>>) offsets(%arg9 : memref<96xi32, #tpu.memory_space<vmem>>) semaphore(%run_scoped3A : memref<!tpu.dma_semaphore, #tpu.memory_space<semaphore_mem>>) {add = true}
      %dma_wait3A_96 = arith.constant 0 : i32
      %dma_wait3A_97 = arith.constant 0 : i32
      %dma_wait3A_98 = tpu.memref_slice %arg16[%dma_wait3A_96, %dma_wait3A_97] : memref<10000x128xf32, #tpu.memory_space<vmem_shared>> -> memref<10000x128xf32, #tpu.memory_space<vmem_shared>>
      tpu.wait_indirect_dma semaphore(%run_scoped3A : memref<!tpu.dma_semaphore, #tpu.memory_space<semaphore_mem>>) src(%arg12 : memref<96x128xf32, #tpu.memory_space<vmem>>) dst(%dma_wait3A_98 : memref<10000x128xf32, #tpu.memory_space<vmem_shared>>)
      tpu.yield
    }) : () -> ()
    %dma_wait3A_75 = arith.constant 0 : i32
    %dma_wait3A_76 = tpu.memref_slice %arg4[%dma_wait3A_75] : memref<320000xi32, #tpu.memory_space<hbm>> -> memref<16xi32, #tpu.memory_space<hbm>>
    %dma_wait3A_77 = arith.constant 0 : i32
    %dma_wait3A_78 = tpu.memref_slice %arg4[%dma_wait3A_77] : memref<320000xi32, #tpu.memory_space<hbm>> -> memref<16xi32, #tpu.memory_space<hbm>>
    tpu.wait_dma2 semaphore(%arg23 : memref<!tpu.dma_semaphore, #tpu.memory_space<semaphore_mem>>) src(%dma_wait3A_78 : memref<16xi32, #tpu.memory_space<hbm>>) dst(%arg14 : memref<16xi32, #tpu.memory_space<vmem>>)
    %dma_wait3A_79 = arith.constant 0 : i32
    %dma_wait3A_80 = arith.constant 0 : i32
    %dma_wait3A_81 = tpu.memref_slice %arg2[%dma_wait3A_79, %dma_wait3A_80] : memref<10000x128xf32, #tpu.memory_space<hbm>> -> memref<16x128xf32, #tpu.memory_space<hbm>>
    %dma_wait3A_82 = arith.constant 0 : i32
    %dma_wait3A_83 = arith.constant 0 : i32
    %dma_wait3A_84 = tpu.memref_slice %arg2[%dma_wait3A_82, %dma_wait3A_83] : memref<10000x128xf32, #tpu.memory_space<hbm>> -> memref<16x128xf32, #tpu.memory_space<hbm>>
    tpu.wait_dma2 semaphore(%arg23 : memref<!tpu.dma_semaphore, #tpu.memory_space<semaphore_mem>>) src(%dma_wait3A_84 : memref<16x128xf32, #tpu.memory_space<hbm>>) dst(%arg15 : memref<16x128xf32, #tpu.memory_space<vmem>>)
    "tpu.region"() ({
      %run_scoped3A = tpu.sem_alloc : memref<!tpu.dma_semaphore, #tpu.memory_space<semaphore_mem>>
      %dma_start3A_93 = arith.constant 0 : i32
      %dma_start3A_94 = arith.constant 0 : i32
      %dma_start3A_95 = tpu.memref_slice %arg16[%dma_start3A_93, %dma_start3A_94] : memref<10000x128xf32, #tpu.memory_space<vmem_shared>> -> memref<10000x128xf32, #tpu.memory_space<vmem_shared>>
      tpu.enqueue_indirect_dma source(%arg15 : memref<16x128xf32, #tpu.memory_space<vmem>>) target(%dma_start3A_95 : memref<10000x128xf32, #tpu.memory_space<vmem_shared>>) offsets(%arg14 : memref<16xi32, #tpu.memory_space<vmem>>) semaphore(%run_scoped3A : memref<!tpu.dma_semaphore, #tpu.memory_space<semaphore_mem>>) {add = true}
      %dma_wait3A_96 = arith.constant 0 : i32
      %dma_wait3A_97 = arith.constant 0 : i32
      %dma_wait3A_98 = tpu.memref_slice %arg16[%dma_wait3A_96, %dma_wait3A_97] : memref<10000x128xf32, #tpu.memory_space<vmem_shared>> -> memref<10000x128xf32, #tpu.memory_space<vmem_shared>>
      tpu.wait_indirect_dma semaphore(%run_scoped3A : memref<!tpu.dma_semaphore, #tpu.memory_space<semaphore_mem>>) src(%arg15 : memref<16x128xf32, #tpu.memory_space<vmem>>) dst(%dma_wait3A_98 : memref<10000x128xf32, #tpu.memory_space<vmem_shared>>)
      tpu.yield
    }) : () -> ()
    %barrier3A_85 = arith.constant 0 : index
    tpu.barrier barrier_id(%barrier3A_85)
    %mul3A_86 = arith.constant 624 : i32
    %mul3A_87 = arith.muli %arg1, %mul3A_86 : i32
    "tpu.region"() ({
      %run_scoped3A = tpu.sem_alloc : memref<!tpu.dma_semaphore, #tpu.memory_space<semaphore_mem>>
      %dma_start3A_93 = arith.constant 0 : i32
      %dma_start3A_94 = tpu.memref_slice %arg6[%arg0, %mul3A_87, %dma_start3A_93] : memref<2x10000x128xf32, #tpu.memory_space<hbm>> -> memref<1x624x128xf32, #tpu.memory_space<hbm>>
      %dma_start3A_95 = tpu.memref_squeeze %dma_start3A_94 : memref<1x624x128xf32, #tpu.memory_space<hbm>> -> memref<624x128xf32, #tpu.memory_space<hbm>>
      %dma_start3A_96 = arith.constant 0 : i32
      %dma_start3A_97 = tpu.memref_slice %arg16[%mul3A_87, %dma_start3A_96] : memref<10000x128xf32, #tpu.memory_space<vmem_shared>> -> memref<624x128xf32, #tpu.memory_space<vmem_shared>>
      tpu.enqueue_dma source(%dma_start3A_97 : memref<624x128xf32, #tpu.memory_space<vmem_shared>>) target(%dma_start3A_95 : memref<624x128xf32, #tpu.memory_space<hbm>>) target_semaphore(%run_scoped3A : memref<!tpu.dma_semaphore, #tpu.memory_space<semaphore_mem>>)
      %dma_wait3A_98 = arith.constant 0 : i32
      %dma_wait3A_99 = tpu.memref_slice %arg6[%arg0, %mul3A_87, %dma_wait3A_98] : memref<2x10000x128xf32, #tpu.memory_space<hbm>> -> memref<1x624x128xf32, #tpu.memory_space<hbm>>
      %dma_wait3A_100 = tpu.memref_squeeze %dma_wait3A_99 : memref<1x624x128xf32, #tpu.memory_space<hbm>> -> memref<624x128xf32, #tpu.memory_space<hbm>>
      %dma_wait3A_101 = arith.constant 0 : i32
      %dma_wait3A_102 = tpu.memref_slice %arg16[%mul3A_87, %dma_wait3A_101] : memref<10000x128xf32, #tpu.memory_space<vmem_shared>> -> memref<624x128xf32, #tpu.memory_space<vmem_shared>>
      tpu.wait_dma2 semaphore(%run_scoped3A : memref<!tpu.dma_semaphore, #tpu.memory_space<semaphore_mem>>) src(%dma_wait3A_102 : memref<624x128xf32, #tpu.memory_space<vmem_shared>>) dst(%dma_wait3A_100 : memref<624x128xf32, #tpu.memory_space<hbm>>)
      tpu.yield
    }) : () -> ()
    %eq3A_88 = arith.constant 0 : i32
    %eq3A_89 = arith.cmpi eq, %arg1, %eq3A_88 : i32
    %convert_element_type3A_90 = arith.extui %eq3A_89 : i1 to i32
    %cond3A_91 = arith.constant 0 : i32
    %cond3A_92 = arith.cmpi ne, %convert_element_type3A_90, %cond3A_91 : i32
    scf.if %cond3A_92 {
      "tpu.region"() ({
        %run_scoped3A = tpu.sem_alloc : memref<!tpu.dma_semaphore, #tpu.memory_space<semaphore_mem>>
        %dma_start3A_93 = arith.constant 9984 : i32
        %dma_start3A_94 = arith.constant 0 : i32
        %dma_start3A_95 = tpu.memref_slice %arg6[%arg0, %dma_start3A_93, %dma_start3A_94] : memref<2x10000x128xf32, #tpu.memory_space<hbm>> -> memref<1x16x128xf32, #tpu.memory_space<hbm>>
        %dma_start3A_96 = tpu.memref_squeeze %dma_start3A_95 : memref<1x16x128xf32, #tpu.memory_space<hbm>> -> memref<16x128xf32, #tpu.memory_space<hbm>>
        %dma_start3A_97 = arith.constant 9984 : i32
        %dma_start3A_98 = arith.constant 0 : i32
        %dma_start3A_99 = tpu.memref_slice %arg16[%dma_start3A_97, %dma_start3A_98] : memref<10000x128xf32, #tpu.memory_space<vmem_shared>> -> memref<16x128xf32, #tpu.memory_space<vmem_shared>>
        tpu.enqueue_dma source(%dma_start3A_99 : memref<16x128xf32, #tpu.memory_space<vmem_shared>>) target(%dma_start3A_96 : memref<16x128xf32, #tpu.memory_space<hbm>>) target_semaphore(%run_scoped3A : memref<!tpu.dma_semaphore, #tpu.memory_space<semaphore_mem>>)
        %dma_wait3A_100 = arith.constant 9984 : i32
        %dma_wait3A_101 = arith.constant 0 : i32
        %dma_wait3A_102 = tpu.memref_slice %arg6[%arg0, %dma_wait3A_100, %dma_wait3A_101] : memref<2x10000x128xf32, #tpu.memory_space<hbm>> -> memref<1x16x128xf32, #tpu.memory_space<hbm>>
        %dma_wait3A_103 = tpu.memref_squeeze %dma_wait3A_102 : memref<1x16x128xf32, #tpu.memory_space<hbm>> -> memref<16x128xf32, #tpu.memory_space<hbm>>
        %dma_wait3A_104 = arith.constant 9984 : i32
        %dma_wait3A_105 = arith.constant 0 : i32
        %dma_wait3A_106 = tpu.memref_slice %arg16[%dma_wait3A_104, %dma_wait3A_105] : memref<10000x128xf32, #tpu.memory_space<vmem_shared>> -> memref<16x128xf32, #tpu.memory_space<vmem_shared>>
        tpu.wait_dma2 semaphore(%run_scoped3A : memref<!tpu.dma_semaphore, #tpu.memory_space<semaphore_mem>>) src(%dma_wait3A_106 : memref<16x128xf32, #tpu.memory_space<vmem_shared>>) dst(%dma_wait3A_103 : memref<16x128xf32, #tpu.memory_space<hbm>>)
        tpu.yield
      }) : () -> ()
    } else {
    }
    return
  }
}

module attributes {stable_mosaic.version = 14 : i64} {
  func.func @_mlp_kernel(%arg0: memref<2x10000x128xf32, #tpu.memory_space<vmem>>, %arg1: memref<128x128xf32, #tpu.memory_space<vmem>>, %arg2: memref<1x128xf32, #tpu.memory_space<vmem>>, %arg3: memref<1x128xf32, #tpu.memory_space<vmem>>, %arg4: memref<1x128xf32, #tpu.memory_space<vmem>>, %arg5: memref<128x128xf32, #tpu.memory_space<vmem>>, %arg6: memref<1x128xf32, #tpu.memory_space<vmem>>, %arg7: memref<10000x128xf32, #tpu.memory_space<vmem>>) attributes {dimension_semantics = [], scalar_prefetch = 0 : i64, scratch_operands = 0 : i64, tpu.core_type = #tpu.core_type<tc>} {
    %get3A = arith.constant 0 : index
    %get3A_0 = arith.constant 0 : index
    %get3A_1 = arith.constant 0 : index
    %get3A_2 = vector.load %arg0[%get3A, %get3A_0, %get3A_1] : memref<2x10000x128xf32, #tpu.memory_space<vmem>>, vector<1x10000x128xf32>
    %get3A_3 = vector.shape_cast %get3A_2 : vector<1x10000x128xf32> to vector<10000x128xf32>
    %get3A_4 = arith.constant 1 : index
    %get3A_5 = arith.constant 0 : index
    %get3A_6 = arith.constant 0 : index
    %get3A_7 = vector.load %arg0[%get3A_4, %get3A_5, %get3A_6] : memref<2x10000x128xf32, #tpu.memory_space<vmem>>, vector<1x10000x128xf32>
    %get3A_8 = vector.shape_cast %get3A_7 : vector<1x10000x128xf32> to vector<10000x128xf32>
    %add3A = arith.addf %get3A_3, %get3A_8 : vector<10000x128xf32>
    %get3A_9 = arith.constant 0 : index
    %get3A_10 = arith.constant 0 : index
    %get3A_11 = vector.load %arg1[%get3A_9, %get3A_10] : memref<128x128xf32, #tpu.memory_space<vmem>>, vector<128x128xf32>
    %dot_general3A = arith.constant dense<0.000000e+00> : vector<10000x128xf32>
    %dot_general3A_12 = tpu.matmul %add3A, %get3A_11, %dot_general3A {dimension_numbers = #tpu.dot_dimension_numbers<[1], [0], [0], [1], [0, 0, 1, 1], [], []>, transpose_lhs_hint = false} : vector<10000x128xf32>, vector<128x128xf32>, vector<10000x128xf32> -> vector<10000x128xf32>
    %get3A_13 = arith.constant 0 : index
    %get3A_14 = arith.constant 0 : index
    %get3A_15 = vector.load %arg2[%get3A_13, %get3A_14] : memref<1x128xf32, #tpu.memory_space<vmem>>, vector<1x128xf32>
    %add3A_16 = vector.broadcast %get3A_15 : vector<1x128xf32> to vector<10000x128xf32>
    %add3A_17 = arith.addf %dot_general3A_12, %add3A_16 : vector<10000x128xf32>
    %reduce_sum3A = arith.constant dense<0.000000e+00> : vector<128xf32>
    %reduce_sum3A_18 = vector.multi_reduction <add>, %add3A_17, %reduce_sum3A [0] : vector<10000x128xf32> to vector<128xf32>
    %broadcast_in_dim3A = vector.shape_cast %reduce_sum3A_18 : vector<128xf32> to vector<1x128xf32>
    %div3A = arith.constant 1.000000e+04 : f32
    %div3A_19 = vector.broadcast %div3A : f32 to vector<1x128xf32>
    %div3A_20 = arith.divf %broadcast_in_dim3A, %div3A_19 : vector<1x128xf32>
    %sub3A = vector.broadcast %div3A_20 : vector<1x128xf32> to vector<10000x128xf32>
    %sub3A_21 = arith.subf %add3A_17, %sub3A : vector<10000x128xf32>
    %integer_pow3A = arith.mulf %sub3A_21, %sub3A_21 : vector<10000x128xf32>
    %reduce_sum3A_22 = arith.constant dense<0.000000e+00> : vector<128xf32>
    %reduce_sum3A_23 = vector.multi_reduction <add>, %integer_pow3A, %reduce_sum3A_22 [0] : vector<10000x128xf32> to vector<128xf32>
    %broadcast_in_dim3A_24 = vector.shape_cast %reduce_sum3A_23 : vector<128xf32> to vector<1x128xf32>
    %div3A_25 = arith.constant 1.000000e+04 : f32
    %div3A_26 = vector.broadcast %div3A_25 : f32 to vector<1x128xf32>
    %div3A_27 = arith.divf %broadcast_in_dim3A_24, %div3A_26 : vector<1x128xf32>
    %sub3A_28 = vector.broadcast %div3A_20 : vector<1x128xf32> to vector<10000x128xf32>
    %sub3A_29 = arith.subf %add3A_17, %sub3A_28 : vector<10000x128xf32>
    %add3A_30 = arith.constant 9.99999974E-6 : f32
    %add3A_31 = vector.broadcast %add3A_30 : f32 to vector<1x128xf32>
    %add3A_32 = arith.addf %div3A_27, %add3A_31 : vector<1x128xf32>
    %sqrt3A = math.sqrt %add3A_32 : vector<1x128xf32>
    %div3A_33 = vector.broadcast %sqrt3A : vector<1x128xf32> to vector<10000x128xf32>
    %div3A_34 = arith.divf %sub3A_29, %div3A_33 : vector<10000x128xf32>
    %get3A_35 = arith.constant 0 : index
    %get3A_36 = arith.constant 0 : index
    %get3A_37 = vector.load %arg3[%get3A_35, %get3A_36] : memref<1x128xf32, #tpu.memory_space<vmem>>, vector<1x128xf32>
    %mul3A = vector.broadcast %get3A_37 : vector<1x128xf32> to vector<10000x128xf32>
    %mul3A_38 = arith.mulf %div3A_34, %mul3A : vector<10000x128xf32>
    %get3A_39 = arith.constant 0 : index
    %get3A_40 = arith.constant 0 : index
    %get3A_41 = vector.load %arg4[%get3A_39, %get3A_40] : memref<1x128xf32, #tpu.memory_space<vmem>>, vector<1x128xf32>
    %add3A_42 = vector.broadcast %get3A_41 : vector<1x128xf32> to vector<10000x128xf32>
    %add3A_43 = arith.addf %mul3A_38, %add3A_42 : vector<10000x128xf32>
    %max3A = arith.constant 0.000000e+00 : f32
    %max3A_44 = vector.broadcast %max3A : f32 to vector<10000x128xf32>
    %max3A_45 = arith.maximumf %add3A_43, %max3A_44 : vector<10000x128xf32>
    %get3A_46 = arith.constant 0 : index
    %get3A_47 = arith.constant 0 : index
    %get3A_48 = vector.load %arg5[%get3A_46, %get3A_47] : memref<128x128xf32, #tpu.memory_space<vmem>>, vector<128x128xf32>
    %dot_general3A_49 = arith.constant dense<0.000000e+00> : vector<10000x128xf32>
    %dot_general3A_50 = tpu.matmul %max3A_45, %get3A_48, %dot_general3A_49 {dimension_numbers = #tpu.dot_dimension_numbers<[1], [0], [0], [1], [0, 0, 1, 1], [], []>, transpose_lhs_hint = false} : vector<10000x128xf32>, vector<128x128xf32>, vector<10000x128xf32> -> vector<10000x128xf32>
    %get3A_51 = arith.constant 0 : index
    %get3A_52 = arith.constant 0 : index
    %get3A_53 = vector.load %arg6[%get3A_51, %get3A_52] : memref<1x128xf32, #tpu.memory_space<vmem>>, vector<1x128xf32>
    %add3A_54 = vector.broadcast %get3A_53 : vector<1x128xf32> to vector<10000x128xf32>
    %add3A_55 = arith.addf %dot_general3A_50, %add3A_54 : vector<10000x128xf32>
    %max3A_56 = arith.constant 0.000000e+00 : f32
    %max3A_57 = vector.broadcast %max3A_56 : f32 to vector<10000x128xf32>
    %max3A_58 = arith.maximumf %add3A_55, %max3A_57 : vector<10000x128xf32>
    %swap3A = arith.constant 0 : index
    %swap3A_59 = arith.constant 0 : index
    %swap3A_60 = vector.load %arg7[%swap3A, %swap3A_59] : memref<10000x128xf32, #tpu.memory_space<vmem>>, vector<10000x128xf32>
    tpu.vector_store %arg7[%swap3A, %swap3A_59], %max3A_58 {strides = array<i32>} : memref<10000x128xf32, #tpu.memory_space<vmem>>, vector<10000x128xf32>,
    return
  }
}

module attributes {stable_mosaic.version = 14 : i64} {
  func.func @_final_kernel(%arg0: memref<2x10000x128xf32, #tpu.memory_space<vmem>>, %arg1: memref<128x128xf32, #tpu.memory_space<vmem>>, %arg2: memref<1x128xf32, #tpu.memory_space<vmem>>, %arg3: memref<1x128xf32, #tpu.memory_space<vmem>>, %arg4: memref<1x128xf32, #tpu.memory_space<vmem>>, %arg5: memref<128x128xf32, #tpu.memory_space<vmem>>, %arg6: memref<1x128xf32, #tpu.memory_space<vmem>>, %arg7: memref<1x10000xi32, #tpu.memory_space<vmem>>, %arg8: memref<128x128xf32, #tpu.memory_space<vmem>>, %arg9: memref<1x128xf32, #tpu.memory_space<vmem>>, %arg10: memref<128x10xf32, #tpu.memory_space<vmem>>, %arg11: memref<1x10xf32, #tpu.memory_space<vmem>>, %arg12: memref<64x10xf32, #tpu.memory_space<vmem>>) attributes {dimension_semantics = [], scalar_prefetch = 0 : i64, scratch_operands = 0 : i64, tpu.core_type = #tpu.core_type<tc>} {
    %get3A = arith.constant 0 : index
    %get3A_0 = arith.constant 0 : index
    %get3A_1 = arith.constant 0 : index
    %get3A_2 = vector.load %arg0[%get3A, %get3A_0, %get3A_1] : memref<2x10000x128xf32, #tpu.memory_space<vmem>>, vector<1x10000x128xf32>
    %get3A_3 = vector.shape_cast %get3A_2 : vector<1x10000x128xf32> to vector<10000x128xf32>
    %get3A_4 = arith.constant 1 : index
    %get3A_5 = arith.constant 0 : index
    %get3A_6 = arith.constant 0 : index
    %get3A_7 = vector.load %arg0[%get3A_4, %get3A_5, %get3A_6] : memref<2x10000x128xf32, #tpu.memory_space<vmem>>, vector<1x10000x128xf32>
    %get3A_8 = vector.shape_cast %get3A_7 : vector<1x10000x128xf32> to vector<10000x128xf32>
    %add3A = arith.addf %get3A_3, %get3A_8 : vector<10000x128xf32>
    %get3A_9 = arith.constant 0 : index
    %get3A_10 = arith.constant 0 : index
    %get3A_11 = vector.load %arg1[%get3A_9, %get3A_10] : memref<128x128xf32, #tpu.memory_space<vmem>>, vector<128x128xf32>
    %dot_general3A = arith.constant dense<0.000000e+00> : vector<10000x128xf32>
    %dot_general3A_12 = tpu.matmul %add3A, %get3A_11, %dot_general3A {dimension_numbers = #tpu.dot_dimension_numbers<[1], [0], [0], [1], [0, 0, 1, 1], [], []>, transpose_lhs_hint = false} : vector<10000x128xf32>, vector<128x128xf32>, vector<10000x128xf32> -> vector<10000x128xf32>
    %get3A_13 = arith.constant 0 : index
    %get3A_14 = arith.constant 0 : index
    %get3A_15 = vector.load %arg2[%get3A_13, %get3A_14] : memref<1x128xf32, #tpu.memory_space<vmem>>, vector<1x128xf32>
    %add3A_16 = vector.broadcast %get3A_15 : vector<1x128xf32> to vector<10000x128xf32>
    %add3A_17 = arith.addf %dot_general3A_12, %add3A_16 : vector<10000x128xf32>
    %reduce_sum3A = arith.constant dense<0.000000e+00> : vector<128xf32>
    %reduce_sum3A_18 = vector.multi_reduction <add>, %add3A_17, %reduce_sum3A [0] : vector<10000x128xf32> to vector<128xf32>
    %broadcast_in_dim3A = vector.shape_cast %reduce_sum3A_18 : vector<128xf32> to vector<1x128xf32>
    %div3A = arith.constant 1.000000e+04 : f32
    %div3A_19 = vector.broadcast %div3A : f32 to vector<1x128xf32>
    %div3A_20 = arith.divf %broadcast_in_dim3A, %div3A_19 : vector<1x128xf32>
    %sub3A = vector.broadcast %div3A_20 : vector<1x128xf32> to vector<10000x128xf32>
    %sub3A_21 = arith.subf %add3A_17, %sub3A : vector<10000x128xf32>
    %integer_pow3A = arith.mulf %sub3A_21, %sub3A_21 : vector<10000x128xf32>
    %reduce_sum3A_22 = arith.constant dense<0.000000e+00> : vector<128xf32>
    %reduce_sum3A_23 = vector.multi_reduction <add>, %integer_pow3A, %reduce_sum3A_22 [0] : vector<10000x128xf32> to vector<128xf32>
    %broadcast_in_dim3A_24 = vector.shape_cast %reduce_sum3A_23 : vector<128xf32> to vector<1x128xf32>
    %div3A_25 = arith.constant 1.000000e+04 : f32
    %div3A_26 = vector.broadcast %div3A_25 : f32 to vector<1x128xf32>
    %div3A_27 = arith.divf %broadcast_in_dim3A_24, %div3A_26 : vector<1x128xf32>
    %sub3A_28 = vector.broadcast %div3A_20 : vector<1x128xf32> to vector<10000x128xf32>
    %sub3A_29 = arith.subf %add3A_17, %sub3A_28 : vector<10000x128xf32>
    %add3A_30 = arith.constant 9.99999974E-6 : f32
    %add3A_31 = vector.broadcast %add3A_30 : f32 to vector<1x128xf32>
    %add3A_32 = arith.addf %div3A_27, %add3A_31 : vector<1x128xf32>
    %sqrt3A = math.sqrt %add3A_32 : vector<1x128xf32>
    %div3A_33 = vector.broadcast %sqrt3A : vector<1x128xf32> to vector<10000x128xf32>
    %div3A_34 = arith.divf %sub3A_29, %div3A_33 : vector<10000x128xf32>
    %get3A_35 = arith.constant 0 : index
    %get3A_36 = arith.constant 0 : index
    %get3A_37 = vector.load %arg3[%get3A_35, %get3A_36] : memref<1x128xf32, #tpu.memory_space<vmem>>, vector<1x128xf32>
    %mul3A = vector.broadcast %get3A_37 : vector<1x128xf32> to vector<10000x128xf32>
    %mul3A_38 = arith.mulf %div3A_34, %mul3A : vector<10000x128xf32>
    %get3A_39 = arith.constant 0 : index
    %get3A_40 = arith.constant 0 : index
    %get3A_41 = vector.load %arg4[%get3A_39, %get3A_40] : memref<1x128xf32, #tpu.memory_space<vmem>>, vector<1x128xf32>
    %add3A_42 = vector.broadcast %get3A_41 : vector<1x128xf32> to vector<10000x128xf32>
    %add3A_43 = arith.addf %mul3A_38, %add3A_42 : vector<10000x128xf32>
    %max3A = arith.constant 0.000000e+00 : f32
    %max3A_44 = vector.broadcast %max3A : f32 to vector<10000x128xf32>
    %max3A_45 = arith.maximumf %add3A_43, %max3A_44 : vector<10000x128xf32>
    %get3A_46 = arith.constant 0 : index
    %get3A_47 = arith.constant 0 : index
    %get3A_48 = vector.load %arg5[%get3A_46, %get3A_47] : memref<128x128xf32, #tpu.memory_space<vmem>>, vector<128x128xf32>
    %dot_general3A_49 = arith.constant dense<0.000000e+00> : vector<10000x128xf32>
    %dot_general3A_50 = tpu.matmul %max3A_45, %get3A_48, %dot_general3A_49 {dimension_numbers = #tpu.dot_dimension_numbers<[1], [0], [0], [1], [0, 0, 1, 1], [], []>, transpose_lhs_hint = false} : vector<10000x128xf32>, vector<128x128xf32>, vector<10000x128xf32> -> vector<10000x128xf32>
    %get3A_51 = arith.constant 0 : index
    %get3A_52 = arith.constant 0 : index
    %get3A_53 = vector.load %arg6[%get3A_51, %get3A_52] : memref<1x128xf32, #tpu.memory_space<vmem>>, vector<1x128xf32>
    %add3A_54 = vector.broadcast %get3A_53 : vector<1x128xf32> to vector<10000x128xf32>
    %add3A_55 = arith.addf %dot_general3A_50, %add3A_54 : vector<10000x128xf32>
    %max3A_56 = arith.constant 0.000000e+00 : f32
    %max3A_57 = vector.broadcast %max3A_56 : f32 to vector<10000x128xf32>
    %max3A_58 = arith.maximumf %add3A_55, %max3A_57 : vector<10000x128xf32>
    %iota3A = tpu.iota {dimensions = array<i32: 0>} : vector<64x10000xi32>
    %get3A_59 = arith.constant 0 : index
    %get3A_60 = arith.constant 0 : index
    %get3A_61 = vector.load %arg7[%get3A_59, %get3A_60] : memref<1x10000xi32, #tpu.memory_space<vmem>>, vector<1x10000xi32>
    %eq3A = vector.broadcast %get3A_61 : vector<1x10000xi32> to vector<64x10000xi32>
    %eq3A_62 = arith.cmpi eq, %eq3A, %iota3A : vector<64x10000xi32>
    %jit3A = arith.constant 1.000000e+00 : f32
    %jit3A_63 = arith.constant 0.000000e+00 : f32
    %broadcast_in_dim3A_64 = vector.broadcast %jit3A : f32 to vector<64x10000xf32>
    %broadcast_in_dim3A_65 = vector.broadcast %jit3A_63 : f32 to vector<64x10000xf32>
    %select_n3A = arith.select %eq3A_62, %broadcast_in_dim3A_64, %broadcast_in_dim3A_65 : vector<64x10000xi1>, vector<64x10000xf32>
    %dot_general3A_66 = arith.constant dense<0.000000e+00> : vector<64x128xf32>
    %dot_general3A_67 = tpu.matmul %select_n3A, %max3A_58, %dot_general3A_66 {dimension_numbers = #tpu.dot_dimension_numbers<[1], [0], [0], [1], [0, 0, 1, 1], [], []>, transpose_lhs_hint = false} : vector<64x10000xf32>, vector<10000x128xf32>, vector<64x128xf32> -> vector<64x128xf32>
    %get3A_68 = arith.constant 0 : index
    %get3A_69 = arith.constant 0 : index
    %get3A_70 = vector.load %arg8[%get3A_68, %get3A_69] : memref<128x128xf32, #tpu.memory_space<vmem>>, vector<128x128xf32>
    %dot_general3A_71 = arith.constant dense<0.000000e+00> : vector<64x128xf32>
    %dot_general3A_72 = tpu.matmul %dot_general3A_67, %get3A_70, %dot_general3A_71 {dimension_numbers = #tpu.dot_dimension_numbers<[1], [0], [0], [1], [0, 0, 1, 1], [], []>, transpose_lhs_hint = false} : vector<64x128xf32>, vector<128x128xf32>, vector<64x128xf32> -> vector<64x128xf32>
    %get3A_73 = arith.constant 0 : index
    %get3A_74 = arith.constant 0 : index
    %get3A_75 = vector.load %arg9[%get3A_73, %get3A_74] : memref<1x128xf32, #tpu.memory_space<vmem>>, vector<1x128xf32>
    %add3A_76 = vector.broadcast %get3A_75 : vector<1x128xf32> to vector<64x128xf32>
    %add3A_77 = arith.addf %dot_general3A_72, %add3A_76 : vector<64x128xf32>
    %max3A_78 = arith.constant 0.000000e+00 : f32
    %max3A_79 = vector.broadcast %max3A_78 : f32 to vector<64x128xf32>
    %max3A_80 = arith.maximumf %add3A_77, %max3A_79 : vector<64x128xf32>
    %get3A_81 = arith.constant 0 : index
    %get3A_82 = arith.constant 0 : index
    %get3A_83 = vector.load %arg10[%get3A_81, %get3A_82] : memref<128x10xf32, #tpu.memory_space<vmem>>, vector<128x10xf32>
    %dot_general3A_84 = arith.constant dense<0.000000e+00> : vector<64x10xf32>
    %dot_general3A_85 = tpu.matmul %max3A_80, %get3A_83, %dot_general3A_84 {dimension_numbers = #tpu.dot_dimension_numbers<[1], [0], [0], [1], [0, 0, 1, 1], [], []>, transpose_lhs_hint = false} : vector<64x128xf32>, vector<128x10xf32>, vector<64x10xf32> -> vector<64x10xf32>
    %get3A_86 = arith.constant 0 : index
    %get3A_87 = arith.constant 0 : index
    %get3A_88 = vector.load %arg11[%get3A_86, %get3A_87] : memref<1x10xf32, #tpu.memory_space<vmem>>, vector<1x10xf32>
    %add3A_89 = vector.broadcast %get3A_88 : vector<1x10xf32> to vector<64x10xf32>
    %add3A_90 = arith.addf %dot_general3A_85, %add3A_89 : vector<64x10xf32>
    %reduce_max3A = arith.constant dense<0xFF800000> : vector<64xf32>
    %reduce_max3A_91 = vector.multi_reduction <maximumf>, %add3A_90, %reduce_max3A [1] : vector<64x10xf32> to vector<64xf32>
    %broadcast_in_dim3A_92 = vector.shape_cast %reduce_max3A_91 : vector<64xf32> to vector<64x1xf32>
    %sub3A_93 = vector.broadcast %broadcast_in_dim3A_92 : vector<64x1xf32> to vector<64x10xf32>
    %sub3A_94 = arith.subf %add3A_90, %sub3A_93 : vector<64x10xf32>
    %exp3A = math.exp %sub3A_94 : vector<64x10xf32>
    %reduce_sum3A_95 = arith.constant dense<0.000000e+00> : vector<64xf32>
    %reduce_sum3A_96 = vector.multi_reduction <add>, %exp3A, %reduce_sum3A_95 [1] : vector<64x10xf32> to vector<64xf32>
    %broadcast_in_dim3A_97 = vector.shape_cast %reduce_sum3A_96 : vector<64xf32> to vector<64x1xf32>
    %log3A = math.log %broadcast_in_dim3A_97 : vector<64x1xf32>
    %sub3A_98 = vector.broadcast %log3A : vector<64x1xf32> to vector<64x10xf32>
    %sub3A_99 = arith.subf %sub3A_94, %sub3A_98 : vector<64x10xf32>
    %swap3A = arith.constant 0 : index
    %swap3A_100 = arith.constant 0 : index
    %swap3A_101 = vector.load %arg12[%swap3A, %swap3A_100] : memref<64x10xf32, #tpu.memory_space<vmem>>, vector<64x10xf32>
    tpu.vector_store %arg12[%swap3A, %swap3A_100], %sub3A_99 {strides = array<i32>} : memref<64x10xf32, #tpu.memory_space<vmem>>, vector<64x10xf32>,
    return
  }
}

</mosaic_0001>

<sc_bundles>
// kernel: kernel.11.cloned.1.call-start
scs
__scs_entry_jumppad:
0x0: {  	(pc) =	sbr.rel $0x88, $3  }
0x1: {  	(tag) =	ssettag $0x0;
	lr =	simm.s32 $0x1  }
0x2: {  	[smem:$0x3F88] =	sst lr;
	_ =	strace $0xD0000000  }
0x3: {  	_ = 	snop  }
0x4: {  	_ = 	snop  }
0x5: {  	_ = 	snop  }
0x6: {  	_ = 	snop  }
0x7: {  	_ = 	snop  }
__scs_overlays_trampoline_lowered:
0x8: {  	[smem:$0x3F97] =	sst s0  }
0x9: {  	[smem:$0x3F98] =	sst s1  }
0xa: {  	[smem:$0x3F99] =	sst s2  }
0xb: {  	[smem:$0x3F9A] =	sst s3  }
0xc: {  	[smem:$0x3F9B] =	sst s4  }
0xd: {  	[smem:$0x3F9C] =	sst s5  }
0xe: {  	[smem:$0x3F9D] =	sst s6  }
0xf: {  	[smem:$0x3F9E] =	sst s7  }
0x10: {  	[smem:$0x3F9F] =	sst s8  }
0x11: {  	[smem:$0x3FA0] =	sst s9;
	s0 =	simm.s32 @!p0 $0x0  }
0x12: {  	s1 =	sld [smem:$0x3F86];
	s0 =	simm.s32 @p0 $0x1  }
0x13: {  	[smem:$0x3FA1] =	sst s0;
	s0 =	simm.s32 @!p1 $0x0  }
0x14: {  	s2 =	sld [smem:$0x3F85];
	s0 =	simm.s32 @p1 $0x1  }
0x15: {  	[smem:$0x3FA2] =	sst s0;
	s0 =	simm.s32 @!p2 $0x0  }
0x16: {  	s3 =	sld [smem:$0x3FDB];
	s0 =	simm.s32 @p2 $0x1  }
0x17: {  	s4 =	simm.s32 $0x1BF5;
	[smem:$0x3FA4] =	sst s0  }
0x18: {  	s0 =	sld [smem:$0x3F87];
	_ =	swait.ge [sflag:s4], $0x0  }
0x19: {  	s7 =	sld [smem:$0x3F88]  }
0x1a: {  	s8 =	sadd.s32 $0xFFFFE003, lr  }
0x1b: {  	s9 =	sadd.s32 $0xFFFFFEF7, lr;
	s5 =	simm.s32 $0xFFFFFFFF;
	p2 =	slt.u32 s8, $0xFFFFF086  }
0x1c: {  	p1 =	slt.u32 s9, $0xF7A;
	s5 =	simm.s32 @!p2 $0x0  }
0x1d: {  	s5 =	simm.s32 @p1 $0x1;
	p0 =	seq.s32 s7, s2  }
0x1e: {  	s7 =	smul.u32 @!p0 $0xF7A, s2;
	p2 =	seq.s32 @!p0 s5, $0x0  }
0x1f: {  	s9 =	smul.u32 $0xF7A, s1;
	s8 =	simm.s32 @!p0 $0x1BF5;
	p2 =	por !p2, p0  }
0x20: {  	[sflag:s8] =	ssyncset.s32 @!p0 $0xFFFFF086;
	s6 =	sadd.s32 @!p0 s3, s7;
	s7 =	simm.s32 @!p0 $0x108  }
0x21: {  	s3 =	sadd.s32 s3, s9;
	s6 =	sadd.s32 @!p0 $0x88, s6;
	s7 =	simm.s32 @p2 $0x1082  }
0x22: {  	[simem:s7], [sflag:s8] =	dma.local @!p0 [hbm:s6], $0xF7A  }
0x23: {  	s9 =	sor.u32 $0xD0000000, s2;
	s6 =	simm.s32 $0x108;
	_ =	swait.ge @!p0 [sflag:s8], $0x0  }
0x24: {  	s3 =	sadd.s32 $0x88, s3;
	s6 =	simm.s32 @!p1 $0x1082;
	[sflag:s4] =	ssyncset.s32 $0xFFFFF086  }
0x25: {  	[simem:s6], [sflag:s4] =	dma.local [hbm:s3], $0xF7A  }
0x26: {  	[smem:$0x3F88] =	sst s1;
	(tag) =	ssettag s2;
	_ =	strace s9  }
0x27: {  	s1 =	sld [smem:$0x3F98]  }
0x28: {  	s2 =	sld [smem:$0x3F99]  }
0x29: {  	s4 =	sld [smem:$0x3F9B]  }
0x2a: {  	p0 =	seq.s32 s5, $0x0;
	s5 =	sld [smem:$0x3F9C]  }
0x2b: {  	s6 =	sld [smem:$0x3F9D]  }
0x2c: {  	s7 =	sld [smem:$0x3F9E]  }
0x2d: {  	s3 =	simm.s32 $0x108;
	s8 =	sld [smem:$0x3F9F]  }
0x2e: {  	s3 =	simm.s32 @!p0 $0x1082;
	s9 =	sld [smem:$0x3FA0]  }
0x2f: {  	lr =	sadd.s32 s0, s3;
	s0 =	sld [smem:$0x3F97]  }
0x30: {  	s3 =	sld [smem:$0x3F9A]  }
0x31: {  	[smem:$0x3FA3] =	sst s10  }
0x32: {  	s10 =	sld [smem:$0x3FA1];
	_ =	sdelay $0x3  }
0x33: {  	p0 =	seq.s32 s10, $0x1;
	s10 =	sld [smem:$0x3FA3];
	_ =	sdelay $0x3  }
0x34: {  	[smem:$0x3FA3] =	sst s10  }
0x35: {  	s10 =	sld [smem:$0x3FA2];
	_ =	sdelay $0x3  }
0x36: {  	p1 =	seq.s32 s10, $0x1;
	s10 =	sld [smem:$0x3FA3];
	_ =	sdelay $0x3  }
0x37: {  	[smem:$0x3FA3] =	sst s10  }
0x38: {  	s10 =	sld [smem:$0x3FA4]  }
0x39: {  	_ = 	snop;
	(pc) =	sbr.ind lr, $3  }
0x3a: {  	_ = 	snop  }
0x3b: {  	_ = 	snop  }
0x3c: {  	p2 =	seq.s32 s10, $0x1;
	s10 =	sld [smem:$0x3FA3]  }
0x3d: {  	_ =	shalt  }
0x3e: {  	_ =	shalt  }
0x3f: {  	_ =	shalt  }
0x40: {  	_ =	shalt  }
0x41: {  	_ =	shalt  }
0x42: {  	_ =	shalt  }
0x43: {  	_ =	shalt  }
0x44: {  	_ =	shalt  }
0x45: {  	_ =	shalt  }
0x46: {  	_ =	shalt  }
0x47: {  	_ =	shalt  }
0x48: {  	_ =	shalt  }
0x49: {  	_ =	shalt  }
0x4a: {  	_ =	shalt  }
0x4b: {  	_ =	shalt  }
0x4c: {  	_ =	shalt  }
0x4d: {  	_ =	shalt  }
0x4e: {  	_ =	shalt  }
0x4f: {  	_ =	shalt  }
0x50: {  	_ =	shalt  }
0x51: {  	_ =	shalt  }
0x52: {  	_ =	shalt  }
0x53: {  	_ =	shalt  }
0x54: {  	_ =	shalt  }
0x55: {  	_ =	shalt  }
0x56: {  	_ =	shalt  }
0x57: {  	_ =	shalt  }
0x58: {  	_ =	shalt  }
0x59: {  	_ =	shalt  }
0x5a: {  	_ =	shalt  }
0x5b: {  	_ =	shalt  }
0x5c: {  	_ =	shalt  }
0x5d: {  	_ =	shalt  }
0x5e: {  	_ =	shalt  }
0x5f: {  	_ =	shalt  }
0x60: {  	_ =	shalt  }
0x61: {  	_ =	shalt  }
0x62: {  	_ =	shalt  }
0x63: {  	_ =	shalt  }
0x64: {  	_ =	shalt  }
0x65: {  	_ =	shalt  }
0x66: {  	_ =	shalt  }
0x67: {  	_ =	shalt  }
0x68: {  	_ =	shalt  }
0x69: {  	_ =	shalt  }
0x6a: {  	_ =	shalt  }
0x6b: {  	_ =	shalt  }
0x6c: {  	_ =	shalt  }
0x6d: {  	_ =	shalt  }
0x6e: {  	_ =	shalt  }
0x6f: {  	_ =	shalt  }
0x70: {  	_ =	shalt  }
0x71: {  	_ =	shalt  }
0x72: {  	_ =	shalt  }
0x73: {  	_ =	shalt  }
0x74: {  	_ =	shalt  }
0x75: {  	_ =	shalt  }
0x76: {  	_ =	shalt  }
0x77: {  	_ =	shalt  }
0x78: {  	_ =	shalt  }
0x79: {  	_ =	shalt  }
0x7a: {  	_ =	shalt  }
0x7b: {  	_ =	shalt  }
0x7c: {  	_ =	shalt  }
0x7d: {  	_ =	shalt  }
0x7e: {  	_ =	shalt  }
0x7f: {  	_ =	shalt  }
0x80: {  	_ =	shalt  }
0x81: {  	_ =	shalt  }
0x82: {  	_ =	shalt  }
0x83: {  	_ =	shalt  }
0x84: {  	_ =	shalt  }
0x85: {  	_ =	shalt  }
0x86: {  	_ =	shalt  }
0x87: {  	_ =	shalt  }
.Lfunc_end0:
.L_simem_size_0:
called_computation.1_lowered:
.L_overlay_start_0:
0x88: {  	s2 =	sld [smem:$0x3FD9]  }
0x89: {  	s3 =	sld [smem:$0x3FFE];
	_ =	sdelay $0x1  }
0x8a: {  	s1 =	srdreg.scid  }
0x8b: {  	s0 =	sand.u32 $0x1, s1  }
0x8c: {  	s16 =	sshll.u32 s0, $0xA;
	s2 =	sadd.s32 s3, s2  }
0x8d: {  	s2 =	sadd.s32 s2, s16  }
0x8e: {  	[smem:$0x3FAF] =	sst s2  }
0x8f: {  	_ = 	snop  }
0x90: {  	(tm) =	ssettm $0x1  }
0x91: {  	s17 =	sld [smem:$0x3FFB];
	_ =	sdelay $0x3  }
0x92: {  	_ =	strace s17  }
0x93: {  	s2 =	sld [smem:$0x3FFC];
	_ =	sdelay $0x3  }
0x94: {  	_ =	strace s2  }
0x95: {  	s2 =	sld [smem:$0x3FFD];
	_ =	sdelay $0x3  }
0x96: {  	_ =	strace s2  }
0x97: {  	_ =	strace $0x8FFFFFFF  }
0x98: {  	s18 =	sld [smem:$0x3FDB];
	_ =	sdelay $0x1  }
0x99: {  	s19 =	simm.s32 $_scs_section_size  }
0x9a: {  	s4 =	simm.s32 $_size__tile_overlayer_lowered;
	s5 =	simm.s32 $_tile_overlayer_lowered  }
0x9b: {  	s22 =	simm.s32 $0x1BFF;
	s21 =	sshll.u32 s5, $0x1;
	s2 =	sadd.s32 s19, s18  }
0x9c: {  	s6 =	simm.s32 $0x0;
	s20 =	sshll.u32 s4, $0x1;
	s4 =	sadd.s32 s21, s2  }
0x9d: {  	[timem:s6], [sflag:s22] =	dma.local [hbm:s4], s20  }
0x9e: {  	_ =	swait.ge [sflag:s22], s20  }
0x9f: {  	s3 =	ssub.s32 $0x0, s20;
	[sflag:s22] =	ssyncset.done $0x0  }
0xa0: {  	[sflag:s22] =	ssyncadd.s32 s3;
	_ =	sdelay $0x1  }
0xa1: {  	s23 =	simm.s32 $0x1B8B  }
0xa2: {  	_ =	swait.ge [sflag:s23], $0x1  }
0xa3: {  	[sflag:s23] =	ssyncset.done $0x0  }
0xa4: {  	s25 =	simm.s32 $0x1B8E;
	s24 =	sld [smem:$0x3FFE];
	[sflag:s23] =	ssyncadd.s32 $0xFFFFFFFF  }
0xa5: {  	s26 =	simm.s32 $execute0_lowered;
	[smem:$0x3FD2] =	sst s25  }
0xa6: {  	s4 =	sshll.u32 s26, $0x1;
	_ =	strace $0x80000049;
	[dreg:$0x1] =	wrdreg $0xFFFFFFFF  }
0xa7: {  	s28 =	simm.s32 $_size_execute0_lowered;
	s2 =	sadd.s32 s2, s4;
	[dreg:$0x0] =	wrdreg $0x0  }
0xa8: {  	s4 =	sshll.u32 s28, $0x1;
	[dreg:$0x2] =	wrdreg s2  }
0xa9: {  	[dreg:$0x3] =	wrdreg s4  }
0xaa: {  	[dreg:$0x4] =	wrdreg $0xC0  }
0xab: {  	_ =	task [dreg:s6], $0x5FFFF  }
0xac: {  	[dreg:$0x1] =	wrdreg $0xFFFFFFFF  }
0xad: {  	[dreg:$0x0] =	wrdreg $0x60  }
0xae: {  	[dreg:$0x2] =	wrdreg s24  }
0xaf: {  	[dreg:$0x3] =	wrdreg $0xC1800  }
0xb0: {  	[dreg:$0x4] =	wrdreg $0x9  }
0xb1: {  	_ =	task.clear_ibuf [dreg:s6], $0x5FFFF;
	_ =	strace $0x90000049  }
0xb2: {  	s29 =	simm.s32 $0x9;
	_ =	strace $0x8000004B  }
0xb3: {  	_ =	swait.ge [sflag:s29], $0x1  }
0xb4: {  	[sflag:s29] =	ssyncadd.s32 $0xFFFFFFFF  }
0xb5: {  	_ =	strace $0x9000004B  }
0xb6: {  	_ =	sfence  }
0xb7: {  	s30 =	sld [smem:$0x0];
	_ =	sdelay $0x2  }
0xb8: {  	s31 =	sshll.u32 s1, $0xD;
	s1 =	sshrl.u32 s1, $0x2  }
0xb9: {  	s3 =	sand.u32 $0x4000, s31;
	s1 =	sadd.s32 s1, s30  }
0xba: {  	s0 =	sor.u32 s3, s0;
	s1 =	sshll.u32 s1, $0x11  }
0xbb: {  	s0 =	sor.u32 s1, s0  }
0xbc: {  	s0 =	sadd.s32 $0x8F2B, s0  }
0xbd: {  	[sflag:s0] =	ssyncadd.remote.s32 $0x1  }
0xbe: {  	_ =	sfence.sel $0xFFFF  }
0xbf: {  	[dreg:$0x0] =	wrdreg $0xFFFFFFFF;
	(pc) =	sbr.abs _section_cstart, $3  }
0xc0: {  	[dreg:$0x1] =	wrdreg $0xFFFFFFFF  }
0xc1: {  	_ =	task.clear_ibuf [dreg:s6], $0x2FFFF;
	_ =	strace $0x9FFFFFFF  }
0xc2: {  	(tm) =	ssettm $0x7FFFFFFF  }
0xc3: {  	_ =	shalt  }
tec
execute0_lowered:
.L_overlay_start_1:
0x0: {  	(tag) =	ssettag $0x1  }
0x1: {  	s0 =	srdreg.scid  }
0x2: {  	s12 =	stileid.u32;
	s6 =	rddreg [dreg:$0x0]  }
0x3: {  	s2 =	rddreg [dreg:$0x1];
	s3 =	simm.s32 $0x0;
	s28 =	simm.s32 $0x2900  }
0x4: {  	s29 =	simm.s32 $0x2800;
	s30 =	simm.s32 $0x5900;
	s10 =	smul.u32 $0x4E000, s12  }
0x5: {  	s31 =	simm.s32 $0x2880;
	s0 =	sand.u32 $0x1, s0;
	s20 =	smul.u32 $0x2700, s12  }
0x6: {  	[smem:$0x7FF] =	sst s3;
	s4 =	sadd.s32 $0x3EA00, s6;
	s25 =	smul.u32 $0x13800, s12  }
0x7: {  	s5 =	sadd.s32 $0x3C00, s6;
	s11 =	sadd.s32 $0x17800, s6;
	s16 =	smul.u32 $0x2710, s12  }
0x8: {  	p2 =	seq.s32 s12, $0x0;
	p0 =	sne.s32 s12, $0x0;
	s1 =	sshll.u32 s0, $0x4  }
0x9: {  	_ =	strace $0x8000004A;
	s8 =	ssub.s32 $0x2, s0;
	s22 =	smul.u32 $0x138800, s0  }
0xa: {  	[dreg:$0x3] =	wrdreg s11;
	s15 =	smul.u32 $0x27100, s0;
	p1 =	sne.s32 s0, $0x0  }
0xb: {  	s1 =	sor.u32 s12, s1;
	s9 =	sshrl.u32 s8, $0x1;
	s24 =	sshrl.u32 s10, $0x2  }
0xc: {  	s26 =	sadd.s32 s11, s20;
	s11 =	sadd.s32 $0x138000, s2;
	s10 =	simm.s32 $0x2  }
0xd: {  	s12 =	simm.s32 $0x3;
	s1 =	smul.u32 $0x2710, s1;
	[dreg:$0xa] =	wrdreg s26  }
0xe: {  	s8 =	ssub.s32 s8, s9;
	s9 =	sadd.s32 s24, s2;
	[dreg:$0xb] =	wrdreg s11  }
0xf: {  	s11 =	simm.s32 $0x6;
	[dreg:$0x9] =	wrdreg s9;
	s19 =	smax.u32 s8, $0x1  }
0x10: {  	s8 =	simm.s32 $0x1;
	s1 =	sshrl.u32 s1, $0x3;
	[dreg:$0xf] =	wrdreg s19  }
0x11: {  	s7 =	sadd.s32 s1, s6;
	s13 =	sadd.s32 s5, s1;
	s1 =	sadd.s32 s4, s20  }
0x12: {  	s6 =	sadd.s32 $0x65C00, s6;
	s20 =	sadd.s32 s16, s15;
	[dreg:$0xc] =	wrdreg s1  }
0x13: {  	s15 =	simm.s32 $0xB980;
	s7 =	sadd.s32 $0xDA00, s7;
	[dreg:$0x4] =	wrdreg s13  }
0x14: {  	s16 =	simm.s32 $0x7;
	s21 =	sadd.s32 $0xC, s13;
	[dreg:$0x5] =	wrdreg s7  }
0x15: {  	s23 =	sadd.s32 $0x18, s13;
	s14 =	sadd.s32 $0x4E0, s13;
	[dreg:$0x6] =	wrdreg s21  }
0x16: {  	s24 =	sadd.s32 $0x1E0, s20;
	s26 =	sadd.s32 $0x4D4, s13;
	[dreg:$0x7] =	wrdreg s23  }
0x17: {  	[dreg:$0x8] =	wrdreg s14;
	s14 =	sadd.s32 s25, s22;
	s7 =	sshrl.u32 s22, $0x3  }
0x18: {  	s23 =	sadd.s32 $0x4C8, s13;
	s25 =	sadd.s32 $0x180, s20;
	[dreg:$0x11] =	wrdreg s26  }
0x19: {  	s26 =	simm.s32 $0x60;
	s13 =	simm.s32 $0x8900;
	s9 =	sshrl.u32 s14, $0x3  }
0x1a: {  	s18 =	sadd.s32 s6, s7;
	[dreg:$0x10] =	wrdreg s23;
	s7 =	sshrl.u32 s25, $0x3  }
0x1b: {  	s23 =	sadd.s32 $0x120, s20;
	s25 =	simm.s32 $0x2780;
	s14 =	simm.s32 $0x10  }
0x1c: {  	s17 =	sadd.s32 s6, s9;
	s1 =	sadd.s32 $0x27000, s18;
	s6 =	sshrl.u32 s24, $0x3  }
0x1d: {  	s22 =	sadd.s32 s7, s5;
	s24 =	simm.s32 $0x8;
	[dreg:$0xd] =	wrdreg s17  }
0x1e: {  	s7 =	simm.s32 $0xB900;
	s9 =	simm.s32 $0x5;
	[dreg:$0xe] =	wrdreg s1  }
0x1f: {  	s21 =	sadd.s32 s6, s5;
	s1 =	simm.s32 $0x4;
	s17 =	simm.s32 $0x0  }
.LBB2_1:
0x20: {  	s0 =	rddreg [dreg:$0x5]  }
0x21: {  	[tilespmem:s3], [sflag:$0x8] =	stream.linear.gather [hbm4b:s0+s3], $0x2710, $0x38;
	[tilespmem:$0x1FA00] =	vst v63  }
0x22: {  	_ =	swait.ge [sflag:s24], $0x2710  }
0x23: {  	[sflag:s24] =	ssyncset.done $0x0  }
0x24: {  	s18 =	rddreg [dreg:$0x4];
	[sflag:s24] =	ssyncadd.s32 $0xFFFFD8F0  }
0x25: {  	[tilespmem:s25], [sflag:$0x4] =	stream.linear.gather [hbm4b:s18+s3], $0x60, $0x38;
	[tilespmem:$0x1FA00] =	vst v63  }
0x26: {  	_ = 	snop  }
0x27: {  	[tilespmem:s28], [sflag:$0x1] =	stream.indirect.gather [hbm4b:s4+s26], $0x80, s3, s26, $0xb8;
	[tilespmem:$0x1FA00] =	vst v63  }
0x28: {  	s19 =	rddreg [dreg:$0x6]  }
0x29: {  	[tilespmem:s29], [sflag:$0x5] =	stream.linear.gather [hbm4b:s19+s3], $0x60, $0x38;
	[tilespmem:$0x1FA00] =	vst v63  }
0x2a: {  	_ = 	snop  }
0x2b: {  	[tilespmem:s30], [sflag:$0x2] =	stream.indirect.gather [hbm4b:s4+s26], $0x80, s26, s26, $0xb8;
	[tilespmem:$0x1FA00] =	vst v63  }
0x2c: {  	s20 =	rddreg [dreg:$0x7]  }
0x2d: {  	[tilespmem:s31], [sflag:$0x6] =	stream.linear.gather [hbm4b:s20+s3], $0x60, $0x38;
	[tilespmem:$0x1FA00] =	vst v63  }
0x2e: {  	s6 =	simm.s32 $0xC0;
	s18 =	rddreg [dreg:$0x8]  }
0x2f: {  	[tilespmem:s13], [sflag:$0x3] =	stream.indirect.gather [hbm4b:s4+s26], $0x80, s6, s26, $0xb8;
	[tilespmem:$0x1FA00] =	vst v63  }
.Ltmp0:
0x30: {  	s20 =	stileid.u32;
	(pc) =	sbr.rel @p1 .LBB2_3-.Ltmp0, $4  }
0x31: {  	[tilespmem:s7], [sflag:$0x7] =	stream.linear.gather [hbm4b:s18+s3], $0x10, $0x38;
	[tilespmem:$0x1FA00] =	vst v63  }
0x32: {  	s19 =	simm.s32 $0x2700;
	s0 =	sshll.u32 s20, $0x6;
	s6 =	rddreg [dreg:$0x9]  }
0x33: {  	[tilespmem:s15], [sflag:$0x7] =	stream.indirect.gather [hbm4b:s4+s14], $0x80, s19, s14, $0xb8;
	[tilespmem:$0x1FA00] =	vst v63  }
0x34: {  	s18 =	sor.u32 $0x1C08, s0;
	s19 =	sshrl.u32 s6, $0x3  }
0x35: {  	s0 =	rddreg [dreg:$0xc]  }
0x36: {  	[spmem:s19], [sflag:s18] =	dma.local [hbm:s0], $0x2700  }
.Ltmp1:
0x37: {  	_ = 	snop;
	(pc) =	sbr.rel @!p2 .LBB2_5-.Ltmp1, $4  }
.Ltmp2:
0x38: {  	_ = 	snop;
	(pc) =	sbr.rel @p2 .LBB2_4-.Ltmp2, $4  }
0x39: {  	_ =	swait.ge [sflag:s24], $0x2700  }
0x3a: {  	[sflag:s24] =	ssyncset.done $0x0  }
0x3b: {  	p3 =	por $0x0, $0x0;
	s0 =	smov.u32 s4;
	[sflag:s24] =	ssyncadd.s32 $0xFFFFD900  }
0x3c: {  	_ = 	snop  }
.LBB2_3:
.Ltmp3:
0x3d: {  	s0 =	rddreg [dreg:$0xa];
	(pc) =	sbr.rel @p0 .LBB2_5-.Ltmp3, $4  }
0x3e: {  	[spmem:s19], [sflag:s18] =	dma.local [hbm:s0], $0x2700  }
0x3f: {  	_ =	swait.ge [sflag:s24], $0x2700  }
0x40: {  	[sflag:s24] =	ssyncset.done $0x0  }
0x41: {  	p3 =	por $0x0, $0x0;
	s0 =	rddreg [dreg:$0x3];
	[sflag:s24] =	ssyncadd.s32 $0xFFFFD900  }
.LBB2_4:
0x42: {  	s6 =	rddreg [dreg:$0xb]  }
0x43: {  	s0 =	sadd.s32 $0x27000, s0;
	s7 =	simm.s32 $0x1C08;
	s6 =	sshrl.u32 s6, $0x3  }
0x44: {  	[spmem:s6], [sflag:s7] =	dma.local [hbm:s0], $0x100  }
0x45: {  	_ =	swait.ge [sflag:s24], $0x100  }
0x46: {  	[sflag:s24] =	ssyncset.done $0x0  }
0x47: {  	p3 =	por $0x1, $0x1;
	[sflag:s24] =	ssyncadd.s32 $0xFFFFFF00  }
.LBB2_5:
0x48: {  	[bflag:$0x0] =	sbarrier.arrive $0xFFFF  }
0x49: {  	_ =	swait.ge [sflag:s1], $0x60  }
0x4a: {  	[sflag:s1] =	ssyncset.done $0x0  }
0x4b: {  	[sflag:s1] =	ssyncadd.s32 $0xFFFFFFA0  }
0x4c: {  	_ =	swait.ge [sflag:s8], $0x3000  }
0x4d: {  	[sflag:s8] =	ssyncset.done $0x0  }
0x4e: {  	[sflag:s8] =	ssyncadd.s32 $0xFFFFD000  }
0x4f: {  	[spmem:s2] =	stream.indirect.scatter.add.f32 [tilespmem:s28], [sflag:$0x8], $0x80, s25, s26, $0xb8;
	[tilespmem:$0x1FA00] =	vst v63  }
0x50: {  	_ =	swait.ge [sflag:s24], $0x3000  }
0x51: {  	s0 =	sshrl.u32 s23, $0x3;
	[sflag:s24] =	ssyncset.done $0x0  }
0x52: {  	s0 =	sadd.s32 s5, s0;
	[sflag:s24] =	ssyncadd.s32 $0xFFFFD000  }
0x53: {  	[tilespmem:s25], [sflag:$0x4] =	stream.linear.gather [hbm4b:s0+s3], $0x60, $0x38;
	[tilespmem:$0x1FA00] =	vst v63  }
0x54: {  	s15 =	simm.s32 $0x120  }
0x55: {  	[tilespmem:s28], [sflag:$0x1] =	stream.indirect.gather [hbm4b:s4+s26], $0x80, s15, s26, $0xb8;
	[tilespmem:$0x1FA00] =	vst v63  }
0x56: {  	_ =	swait.ge [sflag:s9], $0x60  }
0x57: {  	[sflag:s9] =	ssyncset.done $0x0  }
0x58: {  	[sflag:s9] =	ssyncadd.s32 $0xFFFFFFA0  }
0x59: {  	_ =	swait.ge [sflag:s10], $0x3000  }
0x5a: {  	[sflag:s10] =	ssyncset.done $0x0  }
0x5b: {  	[sflag:s10] =	ssyncadd.s32 $0xFFFFD000  }
0x5c: {  	[spmem:s2] =	stream.indirect.scatter.add.f32 [tilespmem:s30], [sflag:$0x8], $0x80, s29, s26, $0xb8;
	[tilespmem:$0x1FA00] =	vst v63  }
0x5d: {  	_ =	swait.ge [sflag:s24], $0x3000  }
0x5e: {  	[sflag:s24] =	ssyncset.done $0x0  }
0x5f: {  	[sflag:s24] =	ssyncadd.s32 $0xFFFFD000  }
0x60: {  	[tilespmem:s29], [sflag:$0x5] =	stream.linear.gather [hbm4b:s22+s3], $0x60, $0x38;
	[tilespmem:$0x1FA00] =	vst v63  }
0x61: {  	s20 =	simm.s32 $0x180  }
0x62: {  	[tilespmem:s30], [sflag:$0x2] =	stream.indirect.gather [hbm4b:s4+s26], $0x80, s20, s26, $0xb8;
	[tilespmem:$0x1FA00] =	vst v63  }
0x63: {  	_ =	swait.ge [sflag:s11], $0x60  }
0x64: {  	[sflag:s11] =	ssyncset.done $0x0  }
0x65: {  	[sflag:s11] =	ssyncadd.s32 $0xFFFFFFA0  }
0x66: {  	_ =	swait.ge [sflag:s12], $0x3000  }
0x67: {  	[sflag:s12] =	ssyncset.done $0x0  }
0x68: {  	[sflag:s12] =	ssyncadd.s32 $0xFFFFD000  }
0x69: {  	[spmem:s2] =	stream.indirect.scatter.add.f32 [tilespmem:s13], [sflag:$0x8], $0x80, s31, s26, $0xb8;
	[tilespmem:$0x1FA00] =	vst v63  }
0x6a: {  	s6 =	sadd.s32 $0x120, s23;
	_ =	swait.ge [sflag:s24], $0x3000  }
0x6b: {  	s7 =	simm.s32 $0x1E0;
	s0 =	sadd.s32 $0x24, s22;
	[sflag:s24] =	ssyncset.done $0x0  }
0x6c: {  	s15 =	sadd.s32 $0x24, s21;
	s20 =	simm.s32 $0x480;
	[sflag:s24] =	ssyncadd.s32 $0xFFFFD000  }
0x6d: {  	[tilespmem:s31], [sflag:$0x6] =	stream.linear.gather [hbm4b:s21+s3], $0x60, $0x38;
	[tilespmem:$0x1FA00] =	vst v63  }
.LBB2_6:
0x6e: {  	[tilespmem:s13], [sflag:$0x3] =	stream.indirect.gather [hbm4b:s4+s26], $0x80, s7, s26, $0xb8;
	[tilespmem:$0x1FA00] =	vst v63  }
0x6f: {  	s7 =	smov.u32 s20  }
0x70: {  	p4 =	sne.s32 s20, $0x9000;
	s20 =	sadd.s32 $0x480, s20;
	_ =	swait.ge [sflag:s1], $0x60  }
0x71: {  	[sflag:s1] =	ssyncset.done $0x0  }
0x72: {  	[sflag:s1] =	ssyncadd.s32 $0xFFFFFFA0  }
0x73: {  	_ =	swait.ge [sflag:s8], $0x3000  }
0x74: {  	[sflag:s8] =	ssyncset.done $0x0  }
0x75: {  	[sflag:s8] =	ssyncadd.s32 $0xFFFFD000  }
0x76: {  	[spmem:s2] =	stream.indirect.scatter.add.f32 [tilespmem:s28], [sflag:$0x8], $0x80, s25, s26, $0xb8;
	[tilespmem:$0x1FA00] =	vst v63  }
0x77: {  	_ =	swait.ge [sflag:s24], $0x3000  }
0x78: {  	s14 =	sshrl.u32 s6, $0x3;
	[sflag:s24] =	ssyncset.done $0x0  }
0x79: {  	s14 =	sadd.s32 s5, s14;
	s7 =	sshra.s32 s7, $0x2;
	[sflag:s24] =	ssyncadd.s32 $0xFFFFD000  }
0x7a: {  	[tilespmem:s25], [sflag:$0x4] =	stream.linear.gather [hbm4b:s14+s3], $0x60, $0x38;
	[tilespmem:$0x1FA00] =	vst v63  }
0x7b: {  	s14 =	sadd.s32 $0x120, s7  }
0x7c: {  	[tilespmem:s28], [sflag:$0x1] =	stream.indirect.gather [hbm4b:s4+s26], $0x80, s14, s26, $0xb8;
	[tilespmem:$0x1FA00] =	vst v63  }
0x7d: {  	_ =	swait.ge [sflag:s9], $0x60  }
0x7e: {  	[sflag:s9] =	ssyncset.done $0x0  }
0x7f: {  	[sflag:s9] =	ssyncadd.s32 $0xFFFFFFA0  }
0x80: {  	_ =	swait.ge [sflag:s10], $0x3000  }
0x81: {  	[sflag:s10] =	ssyncset.done $0x0  }
0x82: {  	[sflag:s10] =	ssyncadd.s32 $0xFFFFD000  }
0x83: {  	[spmem:s2] =	stream.indirect.scatter.add.f32 [tilespmem:s30], [sflag:$0x8], $0x80, s29, s26, $0xb8;
	[tilespmem:$0x1FA00] =	vst v63  }
0x84: {  	_ =	swait.ge [sflag:s24], $0x3000  }
0x85: {  	[sflag:s24] =	ssyncset.done $0x0  }
0x86: {  	[sflag:s24] =	ssyncadd.s32 $0xFFFFD000  }
0x87: {  	[tilespmem:s29], [sflag:$0x5] =	stream.linear.gather [hbm4b:s0+s3], $0x60, $0x38;
	[tilespmem:$0x1FA00] =	vst v63  }
0x88: {  	s14 =	sadd.s32 $0x180, s7  }
0x89: {  	[tilespmem:s30], [sflag:$0x2] =	stream.indirect.gather [hbm4b:s4+s26], $0x80, s14, s26, $0xb8;
	[tilespmem:$0x1FA00] =	vst v63  }
0x8a: {  	_ =	swait.ge [sflag:s11], $0x60  }
0x8b: {  	[sflag:s11] =	ssyncset.done $0x0  }
0x8c: {  	[sflag:s11] =	ssyncadd.s32 $0xFFFFFFA0  }
0x8d: {  	_ =	swait.ge [sflag:s12], $0x3000  }
0x8e: {  	[sflag:s12] =	ssyncset.done $0x0  }
0x8f: {  	[sflag:s12] =	ssyncadd.s32 $0xFFFFD000  }
0x90: {  	[spmem:s2] =	stream.indirect.scatter.add.f32 [tilespmem:s13], [sflag:$0x8], $0x80, s31, s26, $0xb8;
	[tilespmem:$0x1FA00] =	vst v63  }
.Ltmp4:
0x91: {  	_ =	swait.ge [sflag:s24], $0x3000;
	(pc) =	sbr.rel @p4 .LBB2_6-.Ltmp4, $4  }
0x92: {  	[sflag:s24] =	ssyncset.done $0x0  }
0x93: {  	s6 =	sadd.s32 $0x120, s6;
	[sflag:s24] =	ssyncadd.s32 $0xFFFFD000  }
0x94: {  	[tilespmem:s31], [sflag:$0x6] =	stream.linear.gather [hbm4b:s15+s3], $0x60, $0x38;
	[tilespmem:$0x1FA00] =	vst v63  }
0x95: {  	s7 =	sadd.s32 $0x1E0, s7;
	s0 =	sadd.s32 $0x24, s0;
	s15 =	sadd.s32 $0x24, s15  }
0x96: {  	[tilespmem:s13], [sflag:$0x3] =	stream.indirect.gather [hbm4b:s4+s26], $0x80, s7, s26, $0xb8;
	[tilespmem:$0x1FA00] =	vst v63  }
0x97: {  	_ =	swait.ge [sflag:s1], $0x60  }
0x98: {  	[sflag:s1] =	ssyncset.done $0x0  }
0x99: {  	[sflag:s1] =	ssyncadd.s32 $0xFFFFFFA0  }
0x9a: {  	_ =	swait.ge [sflag:s8], $0x3000  }
0x9b: {  	[sflag:s8] =	ssyncset.done $0x0  }
0x9c: {  	[sflag:s8] =	ssyncadd.s32 $0xFFFFD000  }
0x9d: {  	[spmem:s2] =	stream.indirect.scatter.add.f32 [tilespmem:s28], [sflag:$0x8], $0x80, s25, s26, $0xb8;
	[tilespmem:$0x1FA00] =	vst v63  }
0x9e: {  	_ =	swait.ge [sflag:s24], $0x3000  }
0x9f: {  	[sflag:s24] =	ssyncset.done $0x0  }
0xa0: {  	s0 =	rddreg [dreg:$0x10];
	[sflag:s24] =	ssyncadd.s32 $0xFFFFD000  }
0xa1: {  	[tilespmem:s25], [sflag:$0x4] =	stream.linear.gather [hbm4b:s0+s3], $0x60, $0x38;
	[tilespmem:$0x1FA00] =	vst v63  }
0xa2: {  	s14 =	simm.s32 $0x2640  }
0xa3: {  	[tilespmem:s28], [sflag:$0x1] =	stream.indirect.gather [hbm4b:s4+s26], $0x80, s14, s26, $0xb8;
	[tilespmem:$0x1FA00] =	vst v63  }
0xa4: {  	_ =	swait.ge [sflag:s9], $0x60  }
0xa5: {  	[sflag:s9] =	ssyncset.done $0x0  }
0xa6: {  	[sflag:s9] =	ssyncadd.s32 $0xFFFFFFA0  }
0xa7: {  	_ =	swait.ge [sflag:s10], $0x3000  }
0xa8: {  	[sflag:s10] =	ssyncset.done $0x0  }
0xa9: {  	[sflag:s10] =	ssyncadd.s32 $0xFFFFD000  }
0xaa: {  	[spmem:s2] =	stream.indirect.scatter.add.f32 [tilespmem:s30], [sflag:$0x8], $0x80, s29, s26, $0xb8;
	[tilespmem:$0x1FA00] =	vst v63  }
0xab: {  	_ =	swait.ge [sflag:s24], $0x3000  }
0xac: {  	[sflag:s24] =	ssyncset.done $0x0  }
0xad: {  	s15 =	rddreg [dreg:$0x11];
	[sflag:s24] =	ssyncadd.s32 $0xFFFFD000  }
0xae: {  	[tilespmem:s29], [sflag:$0x5] =	stream.linear.gather [hbm4b:s15+s3], $0x60, $0x38;
	[tilespmem:$0x1FA00] =	vst v63  }
0xaf: {  	s20 =	simm.s32 $0x26A0  }
0xb0: {  	[tilespmem:s30], [sflag:$0x2] =	stream.indirect.gather [hbm4b:s4+s26], $0x80, s20, s26, $0xb8;
	[tilespmem:$0x1FA00] =	vst v63  }
0xb1: {  	_ =	swait.ge [sflag:s11], $0x60  }
0xb2: {  	[sflag:s11] =	ssyncset.done $0x0  }
0xb3: {  	[sflag:s11] =	ssyncadd.s32 $0xFFFFFFA0  }
0xb4: {  	_ =	swait.ge [sflag:s12], $0x3000  }
0xb5: {  	[sflag:s12] =	ssyncset.done $0x0  }
0xb6: {  	[sflag:s12] =	ssyncadd.s32 $0xFFFFD000  }
0xb7: {  	[spmem:s2] =	stream.indirect.scatter.add.f32 [tilespmem:s13], [sflag:$0x8], $0x80, s31, s26, $0xb8;
	[tilespmem:$0x1FA00] =	vst v63  }
0xb8: {  	_ =	swait.ge [sflag:s24], $0x3000  }
0xb9: {  	[sflag:s24] =	ssyncset.done $0x0  }
0xba: {  	[sflag:s24] =	ssyncadd.s32 $0xFFFFD000  }
0xbb: {  	_ =	swait.ge [sflag:s1], $0x60  }
0xbc: {  	[sflag:s1] =	ssyncset.done $0x0  }
0xbd: {  	[sflag:s1] =	ssyncadd.s32 $0xFFFFFFA0  }
0xbe: {  	_ =	swait.ge [sflag:s8], $0x3000  }
0xbf: {  	[sflag:s8] =	ssyncset.done $0x0  }
0xc0: {  	[sflag:s8] =	ssyncadd.s32 $0xFFFFD000  }
0xc1: {  	[spmem:s2] =	stream.indirect.scatter.add.f32 [tilespmem:s28], [sflag:$0x8], $0x80, s25, s26, $0xb8;
	[tilespmem:$0x1FA00] =	vst v63  }
0xc2: {  	_ =	swait.ge [sflag:s24], $0x3000  }
0xc3: {  	[sflag:s24] =	ssyncset.done $0x0  }
0xc4: {  	[sflag:s24] =	ssyncadd.s32 $0xFFFFD000  }
0xc5: {  	_ =	swait.ge [sflag:s9], $0x60  }
0xc6: {  	[sflag:s9] =	ssyncset.done $0x0  }
0xc7: {  	[sflag:s9] =	ssyncadd.s32 $0xFFFFFFA0  }
0xc8: {  	_ =	swait.ge [sflag:s10], $0x3000  }
0xc9: {  	[sflag:s10] =	ssyncset.done $0x0  }
0xca: {  	[sflag:s10] =	ssyncadd.s32 $0xFFFFD000  }
0xcb: {  	[spmem:s2] =	stream.indirect.scatter.add.f32 [tilespmem:s30], [sflag:$0x8], $0x80, s29, s26, $0xb8;
	[tilespmem:$0x1FA00] =	vst v63  }
0xcc: {  	_ =	swait.ge [sflag:s24], $0x3000  }
0xcd: {  	[sflag:s24] =	ssyncset.done $0x0  }
0xce: {  	[sflag:s24] =	ssyncadd.s32 $0xFFFFD000  }
0xcf: {  	_ =	swait.ge [sflag:s16], $0x10  }
0xd0: {  	[sflag:s16] =	ssyncset.done $0x0  }
0xd1: {  	[sflag:s16] =	ssyncadd.s32 $0xFFFFFFF0  }
0xd2: {  	_ =	swait.ge [sflag:s16], $0x800  }
0xd3: {  	s7 =	simm.s32 $0xB900;
	[sflag:s16] =	ssyncset.done $0x0  }
0xd4: {  	s14 =	simm.s32 $0x10;
	s15 =	simm.s32 $0xB980;
	[sflag:s16] =	ssyncadd.s32 $0xFFFFF800  }
0xd5: {  	[spmem:s2] =	stream.indirect.scatter.add.f32 [tilespmem:s15], [sflag:$0x8], $0x80, s7, s14, $0xb8;
	[tilespmem:$0x1FA00] =	vst v63  }
0xd6: {  	_ =	swait.ge [sflag:s24], $0x800  }
0xd7: {  	[sflag:s24] =	ssyncset.done $0x0  }
0xd8: {  	[sflag:s24] =	ssyncadd.s32 $0xFFFFF800  }
0xd9: {  	[bflag:$0x0] =	sbarrier.arrive $0xFFFF  }
0xda: {  	s6 =	rddreg [dreg:$0xd]  }
0xdb: {  	[hbm:s6], [sflag:s18] =	dma.local [spmem:s19], $0x2700  }
0xdc: {  	_ =	swait.ge [sflag:s24], $0x2700  }
0xdd: {  	[sflag:s24] =	ssyncset.done $0x0;
	s0 =	rddreg [dreg:$0xb]  }
0xde: {  	s6 =	rddreg [dreg:$0xe];
	[sflag:s24] =	ssyncadd.s32 $0xFFFFD900;
	s0 =	sshrl.u32 @p3 s0, $0x3  }
0xdf: {  	[hbm:s6], [sflag:s18] =	dma.local @p3 [spmem:s0], $0x100  }
0xe0: {  	s0 =	simm.s32 @p3 $0x8  }
0xe1: {  	_ =	swait.ge @p3 [sflag:s0], $0x100  }
0xe2: {  	s17 =	sadd.s32 $0x1, s17;
	s20 =	rddreg [dreg:$0xf]  }
0xe3: {  	p4 =	sne.s32 s17, s20  }
.Ltmp5:
0xe4: {  	_ = 	snop;
	(pc) =	sbr.rel @p4 .LBB2_1-.Ltmp5, $3  }
0xe5: {  	_ =	sdelay $0x1  }
0xe6: {  	[sflag:s0] =	ssyncset.done @p3 $0x0  }
0xe7: {  	[sflag:s0] =	ssyncadd.s32 @p3 $0xFFFFFF00  }
0xe8: {  	_ =	sfence.sel $0x180000  }
0xe9: {  	[bflag:$0x0] =	sbarrier.arrive $0xFFFF  }
0xea: {  	_ =	strace $0x9000004A  }
0xeb: {  	[bflag:$0x2] =	sbarrier.arrive $0xFFFF  }
0xec: {  	s0 =	rddreg [dreg:$0x2]  }
0xed: {  	s0 =	sadd.s32 @!p0 $0x100000, s0  }
0xee: {  	[sflag:s0] =	ssyncadd.tile.s32 @!p0 $0x1;
	_ =	shalt  }
.Lfunc_end2:
_tile_overlayer_lowered:
.L_overlay_start_2:
0xef: {  	(tag) =	ssettag $0x2  }
0xf0: {  	s0 =	rddreg [dreg:$0x0];
	s2 =	stileid.u32  }
0xf1: {  	s1 =	rddreg [dreg:$0x1];
	p0 =	sne.s32 s2, $0x0  }
0xf2: {  	s3 =	rddreg [dreg:$0x2];
	[bflag:$0x3] =	sbarrier.arrive $0xFFFF;
	s2 =	simm.s32 @!p0 $0x1C08  }
0xf3: {  	[timem:s3], [sflag:s2] =	dma.local @!p0 [hbm:s0], s1  }
0xf4: {  	s0 =	simm.s32 @!p0 $0x8  }
0xf5: {  	_ =	swait.ge @!p0 [sflag:s0], s1  }
0xf6: {  	s1 =	ssub.s32 @!p0 $0x0, s1;
	[sflag:s0] =	ssyncset.done @!p0 $0x0  }
0xf7: {  	[sflag:s0] =	ssyncadd.s32 @!p0 s1  }
0xf8: {  	[bflag:$0x3] =	sbarrier.arrive $0xFFFF  }
0xf9: {  	_ =	shalt  }

// kernel: kernel.14.cloned.1.call-start
scs
__scs_entry_jumppad:
0x0: {  	(pc) =	sbr.rel $0x88, $3  }
0x1: {  	(tag) =	ssettag $0x0;
	lr =	simm.s32 $0x1  }
0x2: {  	[smem:$0x3F88] =	sst lr;
	_ =	strace $0xD0000000  }
0x3: {  	_ = 	snop  }
0x4: {  	_ = 	snop  }
0x5: {  	_ = 	snop  }
0x6: {  	_ = 	snop  }
0x7: {  	_ = 	snop  }
__scs_overlays_trampoline_lowered:
0x8: {  	[smem:$0x3F97] =	sst s0  }
0x9: {  	[smem:$0x3F98] =	sst s1  }
0xa: {  	[smem:$0x3F99] =	sst s2  }
0xb: {  	[smem:$0x3F9A] =	sst s3  }
0xc: {  	[smem:$0x3F9B] =	sst s4  }
0xd: {  	[smem:$0x3F9C] =	sst s5  }
0xe: {  	[smem:$0x3F9D] =	sst s6  }
0xf: {  	[smem:$0x3F9E] =	sst s7  }
0x10: {  	[smem:$0x3F9F] =	sst s8  }
0x11: {  	[smem:$0x3FA0] =	sst s9;
	s0 =	simm.s32 @!p0 $0x0  }
0x12: {  	s1 =	sld [smem:$0x3F86];
	s0 =	simm.s32 @p0 $0x1  }
0x13: {  	[smem:$0x3FA1] =	sst s0;
	s0 =	simm.s32 @!p1 $0x0  }
0x14: {  	s2 =	sld [smem:$0x3F85];
	s0 =	simm.s32 @p1 $0x1  }
0x15: {  	[smem:$0x3FA2] =	sst s0;
	s0 =	simm.s32 @!p2 $0x0  }
0x16: {  	s3 =	sld [smem:$0x3FDB];
	s0 =	simm.s32 @p2 $0x1  }
0x17: {  	s4 =	simm.s32 $0x1BF5;
	[smem:$0x3FA4] =	sst s0  }
0x18: {  	s0 =	sld [smem:$0x3F87];
	_ =	swait.ge [sflag:s4], $0x0  }
0x19: {  	s7 =	sld [smem:$0x3F88]  }
0x1a: {  	s8 =	sadd.s32 $0xFFFFE003, lr  }
0x1b: {  	s9 =	sadd.s32 $0xFFFFFEF7, lr;
	s5 =	simm.s32 $0xFFFFFFFF;
	p2 =	slt.u32 s8, $0xFFFFF086  }
0x1c: {  	p1 =	slt.u32 s9, $0xF7A;
	s5 =	simm.s32 @!p2 $0x0  }
0x1d: {  	s5 =	simm.s32 @p1 $0x1;
	p0 =	seq.s32 s7, s2  }
0x1e: {  	s7 =	smul.u32 @!p0 $0xF7A, s2;
	p2 =	seq.s32 @!p0 s5, $0x0  }
0x1f: {  	s9 =	smul.u32 $0xF7A, s1;
	s8 =	simm.s32 @!p0 $0x1BF5;
	p2 =	por !p2, p0  }
0x20: {  	[sflag:s8] =	ssyncset.s32 @!p0 $0xFFFFF086;
	s6 =	sadd.s32 @!p0 s3, s7;
	s7 =	simm.s32 @!p0 $0x108  }
0x21: {  	s3 =	sadd.s32 s3, s9;
	s6 =	sadd.s32 @!p0 $0x88, s6;
	s7 =	simm.s32 @p2 $0x1082  }
0x22: {  	[simem:s7], [sflag:s8] =	dma.local @!p0 [hbm:s6], $0xF7A  }
0x23: {  	s9 =	sor.u32 $0xD0000000, s2;
	s6 =	simm.s32 $0x108;
	_ =	swait.ge @!p0 [sflag:s8], $0x0  }
0x24: {  	s3 =	sadd.s32 $0x88, s3;
	s6 =	simm.s32 @!p1 $0x1082;
	[sflag:s4] =	ssyncset.s32 $0xFFFFF086  }
0x25: {  	[simem:s6], [sflag:s4] =	dma.local [hbm:s3], $0xF7A  }
0x26: {  	[smem:$0x3F88] =	sst s1;
	(tag) =	ssettag s2;
	_ =	strace s9  }
0x27: {  	s1 =	sld [smem:$0x3F98]  }
0x28: {  	s2 =	sld [smem:$0x3F99]  }
0x29: {  	s4 =	sld [smem:$0x3F9B]  }
0x2a: {  	p0 =	seq.s32 s5, $0x0;
	s5 =	sld [smem:$0x3F9C]  }
0x2b: {  	s6 =	sld [smem:$0x3F9D]  }
0x2c: {  	s7 =	sld [smem:$0x3F9E]  }
0x2d: {  	s3 =	simm.s32 $0x108;
	s8 =	sld [smem:$0x3F9F]  }
0x2e: {  	s3 =	simm.s32 @!p0 $0x1082;
	s9 =	sld [smem:$0x3FA0]  }
0x2f: {  	lr =	sadd.s32 s0, s3;
	s0 =	sld [smem:$0x3F97]  }
0x30: {  	s3 =	sld [smem:$0x3F9A]  }
0x31: {  	[smem:$0x3FA3] =	sst s10  }
0x32: {  	s10 =	sld [smem:$0x3FA1];
	_ =	sdelay $0x3  }
0x33: {  	p0 =	seq.s32 s10, $0x1;
	s10 =	sld [smem:$0x3FA3];
	_ =	sdelay $0x3  }
0x34: {  	[smem:$0x3FA3] =	sst s10  }
0x35: {  	s10 =	sld [smem:$0x3FA2];
	_ =	sdelay $0x3  }
0x36: {  	p1 =	seq.s32 s10, $0x1;
	s10 =	sld [smem:$0x3FA3];
	_ =	sdelay $0x3  }
0x37: {  	[smem:$0x3FA3] =	sst s10  }
0x38: {  	s10 =	sld [smem:$0x3FA4]  }
0x39: {  	_ = 	snop;
	(pc) =	sbr.ind lr, $3  }
0x3a: {  	_ = 	snop  }
0x3b: {  	_ = 	snop  }
0x3c: {  	p2 =	seq.s32 s10, $0x1;
	s10 =	sld [smem:$0x3FA3]  }
0x3d: {  	_ =	shalt  }
0x3e: {  	_ =	shalt  }
0x3f: {  	_ =	shalt  }
0x40: {  	_ =	shalt  }
0x41: {  	_ =	shalt  }
0x42: {  	_ =	shalt  }
0x43: {  	_ =	shalt  }
0x44: {  	_ =	shalt  }
0x45: {  	_ =	shalt  }
0x46: {  	_ =	shalt  }
0x47: {  	_ =	shalt  }
0x48: {  	_ =	shalt  }
0x49: {  	_ =	shalt  }
0x4a: {  	_ =	shalt  }
0x4b: {  	_ =	shalt  }
0x4c: {  	_ =	shalt  }
0x4d: {  	_ =	shalt  }
0x4e: {  	_ =	shalt  }
0x4f: {  	_ =	shalt  }
0x50: {  	_ =	shalt  }
0x51: {  	_ =	shalt  }
0x52: {  	_ =	shalt  }
0x53: {  	_ =	shalt  }
0x54: {  	_ =	shalt  }
0x55: {  	_ =	shalt  }
0x56: {  	_ =	shalt  }
0x57: {  	_ =	shalt  }
0x58: {  	_ =	shalt  }
0x59: {  	_ =	shalt  }
0x5a: {  	_ =	shalt  }
0x5b: {  	_ =	shalt  }
0x5c: {  	_ =	shalt  }
0x5d: {  	_ =	shalt  }
0x5e: {  	_ =	shalt  }
0x5f: {  	_ =	shalt  }
0x60: {  	_ =	shalt  }
0x61: {  	_ =	shalt  }
0x62: {  	_ =	shalt  }
0x63: {  	_ =	shalt  }
0x64: {  	_ =	shalt  }
0x65: {  	_ =	shalt  }
0x66: {  	_ =	shalt  }
0x67: {  	_ =	shalt  }
0x68: {  	_ =	shalt  }
0x69: {  	_ =	shalt  }
0x6a: {  	_ =	shalt  }
0x6b: {  	_ =	shalt  }
0x6c: {  	_ =	shalt  }
0x6d: {  	_ =	shalt  }
0x6e: {  	_ =	shalt  }
0x6f: {  	_ =	shalt  }
0x70: {  	_ =	shalt  }
0x71: {  	_ =	shalt  }
0x72: {  	_ =	shalt  }
0x73: {  	_ =	shalt  }
0x74: {  	_ =	shalt  }
0x75: {  	_ =	shalt  }
0x76: {  	_ =	shalt  }
0x77: {  	_ =	shalt  }
0x78: {  	_ =	shalt  }
0x79: {  	_ =	shalt  }
0x7a: {  	_ =	shalt  }
0x7b: {  	_ =	shalt  }
0x7c: {  	_ =	shalt  }
0x7d: {  	_ =	shalt  }
0x7e: {  	_ =	shalt  }
0x7f: {  	_ =	shalt  }
0x80: {  	_ =	shalt  }
0x81: {  	_ =	shalt  }
0x82: {  	_ =	shalt  }
0x83: {  	_ =	shalt  }
0x84: {  	_ =	shalt  }
0x85: {  	_ =	shalt  }
0x86: {  	_ =	shalt  }
0x87: {  	_ =	shalt  }
.Lfunc_end0:
.L_simem_size_0:
called_computation.2_lowered:
.L_overlay_start_0:
0x88: {  	s2 =	sld [smem:$0x3FD9]  }
0x89: {  	s3 =	sld [smem:$0x3FFE];
	_ =	sdelay $0x1  }
0x8a: {  	s1 =	srdreg.scid  }
0x8b: {  	s0 =	sand.u32 $0x1, s1  }
0x8c: {  	s16 =	sshll.u32 s0, $0xA;
	s2 =	sadd.s32 s3, s2  }
0x8d: {  	s2 =	sadd.s32 s2, s16  }
0x8e: {  	[smem:$0x3FAF] =	sst s2  }
0x8f: {  	_ = 	snop  }
0x90: {  	(tm) =	ssettm $0x1  }
0x91: {  	s17 =	sld [smem:$0x3FFB];
	_ =	sdelay $0x3  }
0x92: {  	_ =	strace s17  }
0x93: {  	s2 =	sld [smem:$0x3FFC];
	_ =	sdelay $0x3  }
0x94: {  	_ =	strace s2  }
0x95: {  	s2 =	sld [smem:$0x3FFD];
	_ =	sdelay $0x3  }
0x96: {  	_ =	strace s2  }
0x97: {  	_ =	strace $0x8FFFFFFF  }
0x98: {  	s18 =	sld [smem:$0x3FDB];
	_ =	sdelay $0x1  }
0x99: {  	s19 =	simm.s32 $_scs_section_size  }
0x9a: {  	s4 =	simm.s32 $_size__tile_overlayer_lowered;
	s5 =	simm.s32 $_tile_overlayer_lowered  }
0x9b: {  	s22 =	simm.s32 $0x1BFF;
	s21 =	sshll.u32 s5, $0x1;
	s2 =	sadd.s32 s19, s18  }
0x9c: {  	s6 =	simm.s32 $0x0;
	s20 =	sshll.u32 s4, $0x1;
	s4 =	sadd.s32 s21, s2  }
0x9d: {  	[timem:s6], [sflag:s22] =	dma.local [hbm:s4], s20  }
0x9e: {  	_ =	swait.ge [sflag:s22], s20  }
0x9f: {  	s3 =	ssub.s32 $0x0, s20;
	[sflag:s22] =	ssyncset.done $0x0  }
0xa0: {  	[sflag:s22] =	ssyncadd.s32 s3;
	_ =	sdelay $0x1  }
0xa1: {  	s23 =	simm.s32 $0x1B8B  }
0xa2: {  	_ =	swait.ge [sflag:s23], $0x1  }
0xa3: {  	[sflag:s23] =	ssyncset.done $0x0  }
0xa4: {  	s25 =	simm.s32 $0x1B8E;
	s24 =	sld [smem:$0x3FFE];
	[sflag:s23] =	ssyncadd.s32 $0xFFFFFFFF  }
0xa5: {  	s26 =	simm.s32 $execute0_lowered;
	[smem:$0x3FD2] =	sst s25  }
0xa6: {  	s4 =	sshll.u32 s26, $0x1;
	_ =	strace $0x8000004C;
	[dreg:$0x1] =	wrdreg $0xFFFFFFFF  }
0xa7: {  	s28 =	simm.s32 $_size_execute0_lowered;
	s2 =	sadd.s32 s2, s4;
	[dreg:$0x0] =	wrdreg $0x0  }
0xa8: {  	s4 =	sshll.u32 s28, $0x1;
	[dreg:$0x2] =	wrdreg s2  }
0xa9: {  	[dreg:$0x3] =	wrdreg s4  }
0xaa: {  	[dreg:$0x4] =	wrdreg $0xC0  }
0xab: {  	_ =	task [dreg:s6], $0x5FFFF  }
0xac: {  	[dreg:$0x1] =	wrdreg $0xFFFFFFFF  }
0xad: {  	[dreg:$0x0] =	wrdreg $0x60  }
0xae: {  	[dreg:$0x2] =	wrdreg s24  }
0xaf: {  	[dreg:$0x3] =	wrdreg $0xC1800  }
0xb0: {  	[dreg:$0x4] =	wrdreg $0x9  }
0xb1: {  	_ =	task.clear_ibuf [dreg:s6], $0x5FFFF;
	_ =	strace $0x9000004C  }
0xb2: {  	s29 =	simm.s32 $0x9;
	_ =	strace $0x8000004E  }
0xb3: {  	_ =	swait.ge [sflag:s29], $0x1  }
0xb4: {  	[sflag:s29] =	ssyncadd.s32 $0xFFFFFFFF  }
0xb5: {  	_ =	strace $0x9000004E  }
0xb6: {  	_ =	sfence  }
0xb7: {  	s30 =	sld [smem:$0x0];
	_ =	sdelay $0x2  }
0xb8: {  	s31 =	sshll.u32 s1, $0xD;
	s1 =	sshrl.u32 s1, $0x2  }
0xb9: {  	s3 =	sand.u32 $0x4000, s31;
	s1 =	sadd.s32 s1, s30  }
0xba: {  	s0 =	sor.u32 s3, s0;
	s1 =	sshll.u32 s1, $0x11  }
0xbb: {  	s0 =	sor.u32 s1, s0  }
0xbc: {  	s0 =	sadd.s32 $0x8F2B, s0  }
0xbd: {  	[sflag:s0] =	ssyncadd.remote.s32 $0x1  }
0xbe: {  	_ =	sfence.sel $0xFFFF  }
0xbf: {  	[dreg:$0x0] =	wrdreg $0xFFFFFFFF;
	(pc) =	sbr.abs _section_cstart, $3  }
0xc0: {  	[dreg:$0x1] =	wrdreg $0xFFFFFFFF  }
0xc1: {  	_ =	task.clear_ibuf [dreg:s6], $0x2FFFF;
	_ =	strace $0x9FFFFFFF  }
0xc2: {  	(tm) =	ssettm $0x7FFFFFFF  }
0xc3: {  	_ =	shalt  }
tec
execute0_lowered:
.L_overlay_start_1:
0x0: {  	(tag) =	ssettag $0x1  }
0x1: {  	s0 =	srdreg.scid  }
0x2: {  	s12 =	stileid.u32;
	s6 =	rddreg [dreg:$0x0]  }
0x3: {  	s2 =	rddreg [dreg:$0x1];
	s3 =	simm.s32 $0x0;
	s28 =	simm.s32 $0x2900  }
0x4: {  	s29 =	simm.s32 $0x2800;
	s30 =	simm.s32 $0x5900;
	s10 =	smul.u32 $0x4E000, s12  }
0x5: {  	s31 =	simm.s32 $0x2880;
	s0 =	sand.u32 $0x1, s0;
	s20 =	smul.u32 $0x2700, s12  }
0x6: {  	[smem:$0x7FF] =	sst s3;
	s4 =	sadd.s32 $0x3EA00, s6;
	s25 =	smul.u32 $0x13800, s12  }
0x7: {  	s5 =	sadd.s32 $0x3C00, s6;
	s11 =	sadd.s32 $0x17800, s6;
	s16 =	smul.u32 $0x2710, s12  }
0x8: {  	p2 =	seq.s32 s12, $0x0;
	p0 =	sne.s32 s12, $0x0;
	s1 =	sshll.u32 s0, $0x4  }
0x9: {  	_ =	strace $0x8000004D;
	s8 =	ssub.s32 $0x2, s0;
	s22 =	smul.u32 $0x138800, s0  }
0xa: {  	[dreg:$0x3] =	wrdreg s11;
	s15 =	smul.u32 $0x27100, s0;
	p1 =	sne.s32 s0, $0x0  }
0xb: {  	s1 =	sor.u32 s12, s1;
	s9 =	sshrl.u32 s8, $0x1;
	s24 =	sshrl.u32 s10, $0x2  }
0xc: {  	s26 =	sadd.s32 s11, s20;
	s11 =	sadd.s32 $0x138000, s2;
	s10 =	simm.s32 $0x2  }
0xd: {  	s12 =	simm.s32 $0x3;
	s1 =	smul.u32 $0x2710, s1;
	[dreg:$0xa] =	wrdreg s26  }
0xe: {  	s8 =	ssub.s32 s8, s9;
	s9 =	sadd.s32 s24, s2;
	[dreg:$0xb] =	wrdreg s11  }
0xf: {  	s11 =	simm.s32 $0x6;
	[dreg:$0x9] =	wrdreg s9;
	s19 =	smax.u32 s8, $0x1  }
0x10: {  	s8 =	simm.s32 $0x1;
	s1 =	sshrl.u32 s1, $0x3;
	[dreg:$0xf] =	wrdreg s19  }
0x11: {  	s7 =	sadd.s32 s1, s6;
	s13 =	sadd.s32 s5, s1;
	s1 =	sadd.s32 s4, s20  }
0x12: {  	s6 =	sadd.s32 $0x65C00, s6;
	s20 =	sadd.s32 s16, s15;
	[dreg:$0xc] =	wrdreg s1  }
0x13: {  	s15 =	simm.s32 $0xB980;
	s7 =	sadd.s32 $0xDA00, s7;
	[dreg:$0x4] =	wrdreg s13  }
0x14: {  	s16 =	simm.s32 $0x7;
	s21 =	sadd.s32 $0xC, s13;
	[dreg:$0x5] =	wrdreg s7  }
0x15: {  	s23 =	sadd.s32 $0x18, s13;
	s14 =	sadd.s32 $0x4E0, s13;
	[dreg:$0x6] =	wrdreg s21  }
0x16: {  	s24 =	sadd.s32 $0x1E0, s20;
	s26 =	sadd.s32 $0x4D4, s13;
	[dreg:$0x7] =	wrdreg s23  }
0x17: {  	[dreg:$0x8] =	wrdreg s14;
	s14 =	sadd.s32 s25, s22;
	s7 =	sshrl.u32 s22, $0x3  }
0x18: {  	s23 =	sadd.s32 $0x4C8, s13;
	s25 =	sadd.s32 $0x180, s20;
	[dreg:$0x11] =	wrdreg s26  }
0x19: {  	s26 =	simm.s32 $0x60;
	s13 =	simm.s32 $0x8900;
	s9 =	sshrl.u32 s14, $0x3  }
0x1a: {  	s18 =	sadd.s32 s6, s7;
	[dreg:$0x10] =	wrdreg s23;
	s7 =	sshrl.u32 s25, $0x3  }
0x1b: {  	s23 =	sadd.s32 $0x120, s20;
	s25 =	simm.s32 $0x2780;
	s14 =	simm.s32 $0x10  }
0x1c: {  	s17 =	sadd.s32 s6, s9;
	s1 =	sadd.s32 $0x27000, s18;
	s6 =	sshrl.u32 s24, $0x3  }
0x1d: {  	s22 =	sadd.s32 s7, s5;
	s24 =	simm.s32 $0x8;
	[dreg:$0xd] =	wrdreg s17  }
0x1e: {  	s7 =	simm.s32 $0xB900;
	s9 =	simm.s32 $0x5;
	[dreg:$0xe] =	wrdreg s1  }
0x1f: {  	s21 =	sadd.s32 s6, s5;
	s1 =	simm.s32 $0x4;
	s17 =	simm.s32 $0x0  }
.LBB2_1:
0x20: {  	s0 =	rddreg [dreg:$0x5]  }
0x21: {  	[tilespmem:s3], [sflag:$0x8] =	stream.linear.gather [hbm4b:s0+s3], $0x2710, $0x38;
	[tilespmem:$0x1FA00] =	vst v63  }
0x22: {  	_ =	swait.ge [sflag:s24], $0x2710  }
0x23: {  	[sflag:s24] =	ssyncset.done $0x0  }
0x24: {  	s18 =	rddreg [dreg:$0x4];
	[sflag:s24] =	ssyncadd.s32 $0xFFFFD8F0  }
0x25: {  	[tilespmem:s25], [sflag:$0x4] =	stream.linear.gather [hbm4b:s18+s3], $0x60, $0x38;
	[tilespmem:$0x1FA00] =	vst v63  }
0x26: {  	_ = 	snop  }
0x27: {  	[tilespmem:s28], [sflag:$0x1] =	stream.indirect.gather [hbm4b:s4+s26], $0x80, s3, s26, $0xb8;
	[tilespmem:$0x1FA00] =	vst v63  }
0x28: {  	s19 =	rddreg [dreg:$0x6]  }
0x29: {  	[tilespmem:s29], [sflag:$0x5] =	stream.linear.gather [hbm4b:s19+s3], $0x60, $0x38;
	[tilespmem:$0x1FA00] =	vst v63  }
0x2a: {  	_ = 	snop  }
0x2b: {  	[tilespmem:s30], [sflag:$0x2] =	stream.indirect.gather [hbm4b:s4+s26], $0x80, s26, s26, $0xb8;
	[tilespmem:$0x1FA00] =	vst v63  }
0x2c: {  	s20 =	rddreg [dreg:$0x7]  }
0x2d: {  	[tilespmem:s31], [sflag:$0x6] =	stream.linear.gather [hbm4b:s20+s3], $0x60, $0x38;
	[tilespmem:$0x1FA00] =	vst v63  }
0x2e: {  	s6 =	simm.s32 $0xC0;
	s18 =	rddreg [dreg:$0x8]  }
0x2f: {  	[tilespmem:s13], [sflag:$0x3] =	stream.indirect.gather [hbm4b:s4+s26], $0x80, s6, s26, $0xb8;
	[tilespmem:$0x1FA00] =	vst v63  }
.Ltmp0:
0x30: {  	s20 =	stileid.u32;
	(pc) =	sbr.rel @p1 .LBB2_3-.Ltmp0, $4  }
0x31: {  	[tilespmem:s7], [sflag:$0x7] =	stream.linear.gather [hbm4b:s18+s3], $0x10, $0x38;
	[tilespmem:$0x1FA00] =	vst v63  }
0x32: {  	s19 =	simm.s32 $0x2700;
	s0 =	sshll.u32 s20, $0x6;
	s6 =	rddreg [dreg:$0x9]  }
0x33: {  	[tilespmem:s15], [sflag:$0x7] =	stream.indirect.gather [hbm4b:s4+s14], $0x80, s19, s14, $0xb8;
	[tilespmem:$0x1FA00] =	vst v63  }
0x34: {  	s18 =	sor.u32 $0x1C08, s0;
	s19 =	sshrl.u32 s6, $0x3  }
0x35: {  	s0 =	rddreg [dreg:$0xc]  }
0x36: {  	[spmem:s19], [sflag:s18] =	dma.local [hbm:s0], $0x2700  }
.Ltmp1:
0x37: {  	_ = 	snop;
	(pc) =	sbr.rel @!p2 .LBB2_5-.Ltmp1, $4  }
.Ltmp2:
0x38: {  	_ = 	snop;
	(pc) =	sbr.rel @p2 .LBB2_4-.Ltmp2, $4  }
0x39: {  	_ =	swait.ge [sflag:s24], $0x2700  }
0x3a: {  	[sflag:s24] =	ssyncset.done $0x0  }
0x3b: {  	p3 =	por $0x0, $0x0;
	s0 =	smov.u32 s4;
	[sflag:s24] =	ssyncadd.s32 $0xFFFFD900  }
0x3c: {  	_ = 	snop  }
.LBB2_3:
.Ltmp3:
0x3d: {  	s0 =	rddreg [dreg:$0xa];
	(pc) =	sbr.rel @p0 .LBB2_5-.Ltmp3, $4  }
0x3e: {  	[spmem:s19], [sflag:s18] =	dma.local [hbm:s0], $0x2700  }
0x3f: {  	_ =	swait.ge [sflag:s24], $0x2700  }
0x40: {  	[sflag:s24] =	ssyncset.done $0x0  }
0x41: {  	p3 =	por $0x0, $0x0;
	s0 =	rddreg [dreg:$0x3];
	[sflag:s24] =	ssyncadd.s32 $0xFFFFD900  }
.LBB2_4:
0x42: {  	s6 =	rddreg [dreg:$0xb]  }
0x43: {  	s0 =	sadd.s32 $0x27000, s0;
	s7 =	simm.s32 $0x1C08;
	s6 =	sshrl.u32 s6, $0x3  }
0x44: {  	[spmem:s6], [sflag:s7] =	dma.local [hbm:s0], $0x100  }
0x45: {  	_ =	swait.ge [sflag:s24], $0x100  }
0x46: {  	[sflag:s24] =	ssyncset.done $0x0  }
0x47: {  	p3 =	por $0x1, $0x1;
	[sflag:s24] =	ssyncadd.s32 $0xFFFFFF00  }
.LBB2_5:
0x48: {  	[bflag:$0x0] =	sbarrier.arrive $0xFFFF  }
0x49: {  	_ =	swait.ge [sflag:s1], $0x60  }
0x4a: {  	[sflag:s1] =	ssyncset.done $0x0  }
0x4b: {  	[sflag:s1] =	ssyncadd.s32 $0xFFFFFFA0  }
0x4c: {  	_ =	swait.ge [sflag:s8], $0x3000  }
0x4d: {  	[sflag:s8] =	ssyncset.done $0x0  }
0x4e: {  	[sflag:s8] =	ssyncadd.s32 $0xFFFFD000  }
0x4f: {  	[spmem:s2] =	stream.indirect.scatter.add.f32 [tilespmem:s28], [sflag:$0x8], $0x80, s25, s26, $0xb8;
	[tilespmem:$0x1FA00] =	vst v63  }
0x50: {  	_ =	swait.ge [sflag:s24], $0x3000  }
0x51: {  	s0 =	sshrl.u32 s23, $0x3;
	[sflag:s24] =	ssyncset.done $0x0  }
0x52: {  	s0 =	sadd.s32 s5, s0;
	[sflag:s24] =	ssyncadd.s32 $0xFFFFD000  }
0x53: {  	[tilespmem:s25], [sflag:$0x4] =	stream.linear.gather [hbm4b:s0+s3], $0x60, $0x38;
	[tilespmem:$0x1FA00] =	vst v63  }
0x54: {  	s15 =	simm.s32 $0x120  }
0x55: {  	[tilespmem:s28], [sflag:$0x1] =	stream.indirect.gather [hbm4b:s4+s26], $0x80, s15, s26, $0xb8;
	[tilespmem:$0x1FA00] =	vst v63  }
0x56: {  	_ =	swait.ge [sflag:s9], $0x60  }
0x57: {  	[sflag:s9] =	ssyncset.done $0x0  }
0x58: {  	[sflag:s9] =	ssyncadd.s32 $0xFFFFFFA0  }
0x59: {  	_ =	swait.ge [sflag:s10], $0x3000  }
0x5a: {  	[sflag:s10] =	ssyncset.done $0x0  }
0x5b: {  	[sflag:s10] =	ssyncadd.s32 $0xFFFFD000  }
0x5c: {  	[spmem:s2] =	stream.indirect.scatter.add.f32 [tilespmem:s30], [sflag:$0x8], $0x80, s29, s26, $0xb8;
	[tilespmem:$0x1FA00] =	vst v63  }
0x5d: {  	_ =	swait.ge [sflag:s24], $0x3000  }
0x5e: {  	[sflag:s24] =	ssyncset.done $0x0  }
0x5f: {  	[sflag:s24] =	ssyncadd.s32 $0xFFFFD000  }
0x60: {  	[tilespmem:s29], [sflag:$0x5] =	stream.linear.gather [hbm4b:s22+s3], $0x60, $0x38;
	[tilespmem:$0x1FA00] =	vst v63  }
0x61: {  	s20 =	simm.s32 $0x180  }
0x62: {  	[tilespmem:s30], [sflag:$0x2] =	stream.indirect.gather [hbm4b:s4+s26], $0x80, s20, s26, $0xb8;
	[tilespmem:$0x1FA00] =	vst v63  }
0x63: {  	_ =	swait.ge [sflag:s11], $0x60  }
0x64: {  	[sflag:s11] =	ssyncset.done $0x0  }
0x65: {  	[sflag:s11] =	ssyncadd.s32 $0xFFFFFFA0  }
0x66: {  	_ =	swait.ge [sflag:s12], $0x3000  }
0x67: {  	[sflag:s12] =	ssyncset.done $0x0  }
0x68: {  	[sflag:s12] =	ssyncadd.s32 $0xFFFFD000  }
0x69: {  	[spmem:s2] =	stream.indirect.scatter.add.f32 [tilespmem:s13], [sflag:$0x8], $0x80, s31, s26, $0xb8;
	[tilespmem:$0x1FA00] =	vst v63  }
0x6a: {  	s6 =	sadd.s32 $0x120, s23;
	_ =	swait.ge [sflag:s24], $0x3000  }
0x6b: {  	s7 =	simm.s32 $0x1E0;
	s0 =	sadd.s32 $0x24, s22;
	[sflag:s24] =	ssyncset.done $0x0  }
0x6c: {  	s15 =	sadd.s32 $0x24, s21;
	s20 =	simm.s32 $0x480;
	[sflag:s24] =	ssyncadd.s32 $0xFFFFD000  }
0x6d: {  	[tilespmem:s31], [sflag:$0x6] =	stream.linear.gather [hbm4b:s21+s3], $0x60, $0x38;
	[tilespmem:$0x1FA00] =	vst v63  }
.LBB2_6:
0x6e: {  	[tilespmem:s13], [sflag:$0x3] =	stream.indirect.gather [hbm4b:s4+s26], $0x80, s7, s26, $0xb8;
	[tilespmem:$0x1FA00] =	vst v63  }
0x6f: {  	s7 =	smov.u32 s20  }
0x70: {  	p4 =	sne.s32 s20, $0x9000;
	s20 =	sadd.s32 $0x480, s20;
	_ =	swait.ge [sflag:s1], $0x60  }
0x71: {  	[sflag:s1] =	ssyncset.done $0x0  }
0x72: {  	[sflag:s1] =	ssyncadd.s32 $0xFFFFFFA0  }
0x73: {  	_ =	swait.ge [sflag:s8], $0x3000  }
0x74: {  	[sflag:s8] =	ssyncset.done $0x0  }
0x75: {  	[sflag:s8] =	ssyncadd.s32 $0xFFFFD000  }
0x76: {  	[spmem:s2] =	stream.indirect.scatter.add.f32 [tilespmem:s28], [sflag:$0x8], $0x80, s25, s26, $0xb8;
	[tilespmem:$0x1FA00] =	vst v63  }
0x77: {  	_ =	swait.ge [sflag:s24], $0x3000  }
0x78: {  	s14 =	sshrl.u32 s6, $0x3;
	[sflag:s24] =	ssyncset.done $0x0  }
0x79: {  	s14 =	sadd.s32 s5, s14;
	s7 =	sshra.s32 s7, $0x2;
	[sflag:s24] =	ssyncadd.s32 $0xFFFFD000  }
0x7a: {  	[tilespmem:s25], [sflag:$0x4] =	stream.linear.gather [hbm4b:s14+s3], $0x60, $0x38;
	[tilespmem:$0x1FA00] =	vst v63  }
0x7b: {  	s14 =	sadd.s32 $0x120, s7  }
0x7c: {  	[tilespmem:s28], [sflag:$0x1] =	stream.indirect.gather [hbm4b:s4+s26], $0x80, s14, s26, $0xb8;
	[tilespmem:$0x1FA00] =	vst v63  }
0x7d: {  	_ =	swait.ge [sflag:s9], $0x60  }
0x7e: {  	[sflag:s9] =	ssyncset.done $0x0  }
0x7f: {  	[sflag:s9] =	ssyncadd.s32 $0xFFFFFFA0  }
0x80: {  	_ =	swait.ge [sflag:s10], $0x3000  }
0x81: {  	[sflag:s10] =	ssyncset.done $0x0  }
0x82: {  	[sflag:s10] =	ssyncadd.s32 $0xFFFFD000  }
0x83: {  	[spmem:s2] =	stream.indirect.scatter.add.f32 [tilespmem:s30], [sflag:$0x8], $0x80, s29, s26, $0xb8;
	[tilespmem:$0x1FA00] =	vst v63  }
0x84: {  	_ =	swait.ge [sflag:s24], $0x3000  }
0x85: {  	[sflag:s24] =	ssyncset.done $0x0  }
0x86: {  	[sflag:s24] =	ssyncadd.s32 $0xFFFFD000  }
0x87: {  	[tilespmem:s29], [sflag:$0x5] =	stream.linear.gather [hbm4b:s0+s3], $0x60, $0x38;
	[tilespmem:$0x1FA00] =	vst v63  }
0x88: {  	s14 =	sadd.s32 $0x180, s7  }
0x89: {  	[tilespmem:s30], [sflag:$0x2] =	stream.indirect.gather [hbm4b:s4+s26], $0x80, s14, s26, $0xb8;
	[tilespmem:$0x1FA00] =	vst v63  }
0x8a: {  	_ =	swait.ge [sflag:s11], $0x60  }
0x8b: {  	[sflag:s11] =	ssyncset.done $0x0  }
0x8c: {  	[sflag:s11] =	ssyncadd.s32 $0xFFFFFFA0  }
0x8d: {  	_ =	swait.ge [sflag:s12], $0x3000  }
0x8e: {  	[sflag:s12] =	ssyncset.done $0x0  }
0x8f: {  	[sflag:s12] =	ssyncadd.s32 $0xFFFFD000  }
0x90: {  	[spmem:s2] =	stream.indirect.scatter.add.f32 [tilespmem:s13], [sflag:$0x8], $0x80, s31, s26, $0xb8;
	[tilespmem:$0x1FA00] =	vst v63  }
.Ltmp4:
0x91: {  	_ =	swait.ge [sflag:s24], $0x3000;
	(pc) =	sbr.rel @p4 .LBB2_6-.Ltmp4, $4  }
0x92: {  	[sflag:s24] =	ssyncset.done $0x0  }
0x93: {  	s6 =	sadd.s32 $0x120, s6;
	[sflag:s24] =	ssyncadd.s32 $0xFFFFD000  }
0x94: {  	[tilespmem:s31], [sflag:$0x6] =	stream.linear.gather [hbm4b:s15+s3], $0x60, $0x38;
	[tilespmem:$0x1FA00] =	vst v63  }
0x95: {  	s7 =	sadd.s32 $0x1E0, s7;
	s0 =	sadd.s32 $0x24, s0;
	s15 =	sadd.s32 $0x24, s15  }
0x96: {  	[tilespmem:s13], [sflag:$0x3] =	stream.indirect.gather [hbm4b:s4+s26], $0x80, s7, s26, $0xb8;
	[tilespmem:$0x1FA00] =	vst v63  }
0x97: {  	_ =	swait.ge [sflag:s1], $0x60  }
0x98: {  	[sflag:s1] =	ssyncset.done $0x0  }
0x99: {  	[sflag:s1] =	ssyncadd.s32 $0xFFFFFFA0  }
0x9a: {  	_ =	swait.ge [sflag:s8], $0x3000  }
0x9b: {  	[sflag:s8] =	ssyncset.done $0x0  }
0x9c: {  	[sflag:s8] =	ssyncadd.s32 $0xFFFFD000  }
0x9d: {  	[spmem:s2] =	stream.indirect.scatter.add.f32 [tilespmem:s28], [sflag:$0x8], $0x80, s25, s26, $0xb8;
	[tilespmem:$0x1FA00] =	vst v63  }
0x9e: {  	_ =	swait.ge [sflag:s24], $0x3000  }
0x9f: {  	[sflag:s24] =	ssyncset.done $0x0  }
0xa0: {  	s0 =	rddreg [dreg:$0x10];
	[sflag:s24] =	ssyncadd.s32 $0xFFFFD000  }
0xa1: {  	[tilespmem:s25], [sflag:$0x4] =	stream.linear.gather [hbm4b:s0+s3], $0x60, $0x38;
	[tilespmem:$0x1FA00] =	vst v63  }
0xa2: {  	s14 =	simm.s32 $0x2640  }
0xa3: {  	[tilespmem:s28], [sflag:$0x1] =	stream.indirect.gather [hbm4b:s4+s26], $0x80, s14, s26, $0xb8;
	[tilespmem:$0x1FA00] =	vst v63  }
0xa4: {  	_ =	swait.ge [sflag:s9], $0x60  }
0xa5: {  	[sflag:s9] =	ssyncset.done $0x0  }
0xa6: {  	[sflag:s9] =	ssyncadd.s32 $0xFFFFFFA0  }
0xa7: {  	_ =	swait.ge [sflag:s10], $0x3000  }
0xa8: {  	[sflag:s10] =	ssyncset.done $0x0  }
0xa9: {  	[sflag:s10] =	ssyncadd.s32 $0xFFFFD000  }
0xaa: {  	[spmem:s2] =	stream.indirect.scatter.add.f32 [tilespmem:s30], [sflag:$0x8], $0x80, s29, s26, $0xb8;
	[tilespmem:$0x1FA00] =	vst v63  }
0xab: {  	_ =	swait.ge [sflag:s24], $0x3000  }
0xac: {  	[sflag:s24] =	ssyncset.done $0x0  }
0xad: {  	s15 =	rddreg [dreg:$0x11];
	[sflag:s24] =	ssyncadd.s32 $0xFFFFD000  }
0xae: {  	[tilespmem:s29], [sflag:$0x5] =	stream.linear.gather [hbm4b:s15+s3], $0x60, $0x38;
	[tilespmem:$0x1FA00] =	vst v63  }
0xaf: {  	s20 =	simm.s32 $0x26A0  }
0xb0: {  	[tilespmem:s30], [sflag:$0x2] =	stream.indirect.gather [hbm4b:s4+s26], $0x80, s20, s26, $0xb8;
	[tilespmem:$0x1FA00] =	vst v63  }
0xb1: {  	_ =	swait.ge [sflag:s11], $0x60  }
0xb2: {  	[sflag:s11] =	ssyncset.done $0x0  }
0xb3: {  	[sflag:s11] =	ssyncadd.s32 $0xFFFFFFA0  }
0xb4: {  	_ =	swait.ge [sflag:s12], $0x3000  }
0xb5: {  	[sflag:s12] =	ssyncset.done $0x0  }
0xb6: {  	[sflag:s12] =	ssyncadd.s32 $0xFFFFD000  }
0xb7: {  	[spmem:s2] =	stream.indirect.scatter.add.f32 [tilespmem:s13], [sflag:$0x8], $0x80, s31, s26, $0xb8;
	[tilespmem:$0x1FA00] =	vst v63  }
0xb8: {  	_ =	swait.ge [sflag:s24], $0x3000  }
0xb9: {  	[sflag:s24] =	ssyncset.done $0x0  }
0xba: {  	[sflag:s24] =	ssyncadd.s32 $0xFFFFD000  }
0xbb: {  	_ =	swait.ge [sflag:s1], $0x60  }
0xbc: {  	[sflag:s1] =	ssyncset.done $0x0  }
0xbd: {  	[sflag:s1] =	ssyncadd.s32 $0xFFFFFFA0  }
0xbe: {  	_ =	swait.ge [sflag:s8], $0x3000  }
0xbf: {  	[sflag:s8] =	ssyncset.done $0x0  }
0xc0: {  	[sflag:s8] =	ssyncadd.s32 $0xFFFFD000  }
0xc1: {  	[spmem:s2] =	stream.indirect.scatter.add.f32 [tilespmem:s28], [sflag:$0x8], $0x80, s25, s26, $0xb8;
	[tilespmem:$0x1FA00] =	vst v63  }
0xc2: {  	_ =	swait.ge [sflag:s24], $0x3000  }
0xc3: {  	[sflag:s24] =	ssyncset.done $0x0  }
0xc4: {  	[sflag:s24] =	ssyncadd.s32 $0xFFFFD000  }
0xc5: {  	_ =	swait.ge [sflag:s9], $0x60  }
0xc6: {  	[sflag:s9] =	ssyncset.done $0x0  }
0xc7: {  	[sflag:s9] =	ssyncadd.s32 $0xFFFFFFA0  }
0xc8: {  	_ =	swait.ge [sflag:s10], $0x3000  }
0xc9: {  	[sflag:s10] =	ssyncset.done $0x0  }
0xca: {  	[sflag:s10] =	ssyncadd.s32 $0xFFFFD000  }
0xcb: {  	[spmem:s2] =	stream.indirect.scatter.add.f32 [tilespmem:s30], [sflag:$0x8], $0x80, s29, s26, $0xb8;
	[tilespmem:$0x1FA00] =	vst v63  }
0xcc: {  	_ =	swait.ge [sflag:s24], $0x3000  }
0xcd: {  	[sflag:s24] =	ssyncset.done $0x0  }
0xce: {  	[sflag:s24] =	ssyncadd.s32 $0xFFFFD000  }
0xcf: {  	_ =	swait.ge [sflag:s16], $0x10  }
0xd0: {  	[sflag:s16] =	ssyncset.done $0x0  }
0xd1: {  	[sflag:s16] =	ssyncadd.s32 $0xFFFFFFF0  }
0xd2: {  	_ =	swait.ge [sflag:s16], $0x800  }
0xd3: {  	s7 =	simm.s32 $0xB900;
	[sflag:s16] =	ssyncset.done $0x0  }
0xd4: {  	s14 =	simm.s32 $0x10;
	s15 =	simm.s32 $0xB980;
	[sflag:s16] =	ssyncadd.s32 $0xFFFFF800  }
0xd5: {  	[spmem:s2] =	stream.indirect.scatter.add.f32 [tilespmem:s15], [sflag:$0x8], $0x80, s7, s14, $0xb8;
	[tilespmem:$0x1FA00] =	vst v63  }
0xd6: {  	_ =	swait.ge [sflag:s24], $0x800  }
0xd7: {  	[sflag:s24] =	ssyncset.done $0x0  }
0xd8: {  	[sflag:s24] =	ssyncadd.s32 $0xFFFFF800  }
0xd9: {  	[bflag:$0x0] =	sbarrier.arrive $0xFFFF  }
0xda: {  	s6 =	rddreg [dreg:$0xd]  }
0xdb: {  	[hbm:s6], [sflag:s18] =	dma.local [spmem:s19], $0x2700  }
0xdc: {  	_ =	swait.ge [sflag:s24], $0x2700  }
0xdd: {  	[sflag:s24] =	ssyncset.done $0x0;
	s0 =	rddreg [dreg:$0xb]  }
0xde: {  	s6 =	rddreg [dreg:$0xe];
	[sflag:s24] =	ssyncadd.s32 $0xFFFFD900;
	s0 =	sshrl.u32 @p3 s0, $0x3  }
0xdf: {  	[hbm:s6], [sflag:s18] =	dma.local @p3 [spmem:s0], $0x100  }
0xe0: {  	s0 =	simm.s32 @p3 $0x8  }
0xe1: {  	_ =	swait.ge @p3 [sflag:s0], $0x100  }
0xe2: {  	s17 =	sadd.s32 $0x1, s17;
	s20 =	rddreg [dreg:$0xf]  }
0xe3: {  	p4 =	sne.s32 s17, s20  }
.Ltmp5:
0xe4: {  	_ = 	snop;
	(pc) =	sbr.rel @p4 .LBB2_1-.Ltmp5, $3  }
0xe5: {  	_ =	sdelay $0x1  }
0xe6: {  	[sflag:s0] =	ssyncset.done @p3 $0x0  }
0xe7: {  	[sflag:s0] =	ssyncadd.s32 @p3 $0xFFFFFF00  }
0xe8: {  	_ =	sfence.sel $0x180000  }
0xe9: {  	[bflag:$0x0] =	sbarrier.arrive $0xFFFF  }
0xea: {  	_ =	strace $0x9000004D  }
0xeb: {  	[bflag:$0x2] =	sbarrier.arrive $0xFFFF  }
0xec: {  	s0 =	rddreg [dreg:$0x2]  }
0xed: {  	s0 =	sadd.s32 @!p0 $0x100000, s0  }
0xee: {  	[sflag:s0] =	ssyncadd.tile.s32 @!p0 $0x1;
	_ =	shalt  }
.Lfunc_end2:
_tile_overlayer_lowered:
.L_overlay_start_2:
0xef: {  	(tag) =	ssettag $0x2  }
0xf0: {  	s0 =	rddreg [dreg:$0x0];
	s2 =	stileid.u32  }
0xf1: {  	s1 =	rddreg [dreg:$0x1];
	p0 =	sne.s32 s2, $0x0  }
0xf2: {  	s3 =	rddreg [dreg:$0x2];
	[bflag:$0x3] =	sbarrier.arrive $0xFFFF;
	s2 =	simm.s32 @!p0 $0x1C08  }
0xf3: {  	[timem:s3], [sflag:s2] =	dma.local @!p0 [hbm:s0], s1  }
0xf4: {  	s0 =	simm.s32 @!p0 $0x8  }
0xf5: {  	_ =	swait.ge @!p0 [sflag:s0], s1  }
0xf6: {  	s1 =	ssub.s32 @!p0 $0x0, s1;
	[sflag:s0] =	ssyncset.done @!p0 $0x0  }
0xf7: {  	[sflag:s0] =	ssyncadd.s32 @!p0 s1  }
0xf8: {  	[bflag:$0x3] =	sbarrier.arrive $0xFFFF  }
0xf9: {  	_ =	shalt  }

// kernel: kernel.8.cloned.1.call-start
scs
__scs_entry_jumppad:
0x0: {  	(pc) =	sbr.rel $0x88, $3  }
0x1: {  	(tag) =	ssettag $0x0;
	lr =	simm.s32 $0x1  }
0x2: {  	[smem:$0x3F88] =	sst lr;
	_ =	strace $0xD0000000  }
0x3: {  	_ = 	snop  }
0x4: {  	_ = 	snop  }
0x5: {  	_ = 	snop  }
0x6: {  	_ = 	snop  }
0x7: {  	_ = 	snop  }
__scs_overlays_trampoline_lowered:
0x8: {  	[smem:$0x3F97] =	sst s0  }
0x9: {  	[smem:$0x3F98] =	sst s1  }
0xa: {  	[smem:$0x3F99] =	sst s2  }
0xb: {  	[smem:$0x3F9A] =	sst s3  }
0xc: {  	[smem:$0x3F9B] =	sst s4  }
0xd: {  	[smem:$0x3F9C] =	sst s5  }
0xe: {  	[smem:$0x3F9D] =	sst s6  }
0xf: {  	[smem:$0x3F9E] =	sst s7  }
0x10: {  	[smem:$0x3F9F] =	sst s8  }
0x11: {  	[smem:$0x3FA0] =	sst s9;
	s0 =	simm.s32 @!p0 $0x0  }
0x12: {  	s1 =	sld [smem:$0x3F86];
	s0 =	simm.s32 @p0 $0x1  }
0x13: {  	[smem:$0x3FA1] =	sst s0;
	s0 =	simm.s32 @!p1 $0x0  }
0x14: {  	s2 =	sld [smem:$0x3F85];
	s0 =	simm.s32 @p1 $0x1  }
0x15: {  	[smem:$0x3FA2] =	sst s0;
	s0 =	simm.s32 @!p2 $0x0  }
0x16: {  	s3 =	sld [smem:$0x3FDB];
	s0 =	simm.s32 @p2 $0x1  }
0x17: {  	s4 =	simm.s32 $0x1BF5;
	[smem:$0x3FA4] =	sst s0  }
0x18: {  	s0 =	sld [smem:$0x3F87];
	_ =	swait.ge [sflag:s4], $0x0  }
0x19: {  	s7 =	sld [smem:$0x3F88]  }
0x1a: {  	s8 =	sadd.s32 $0xFFFFE003, lr  }
0x1b: {  	s9 =	sadd.s32 $0xFFFFFEF7, lr;
	s5 =	simm.s32 $0xFFFFFFFF;
	p2 =	slt.u32 s8, $0xFFFFF086  }
0x1c: {  	p1 =	slt.u32 s9, $0xF7A;
	s5 =	simm.s32 @!p2 $0x0  }
0x1d: {  	s5 =	simm.s32 @p1 $0x1;
	p0 =	seq.s32 s7, s2  }
0x1e: {  	s7 =	smul.u32 @!p0 $0xF7A, s2;
	p2 =	seq.s32 @!p0 s5, $0x0  }
0x1f: {  	s9 =	smul.u32 $0xF7A, s1;
	s8 =	simm.s32 @!p0 $0x1BF5;
	p2 =	por !p2, p0  }
0x20: {  	[sflag:s8] =	ssyncset.s32 @!p0 $0xFFFFF086;
	s6 =	sadd.s32 @!p0 s3, s7;
	s7 =	simm.s32 @!p0 $0x108  }
0x21: {  	s3 =	sadd.s32 s3, s9;
	s6 =	sadd.s32 @!p0 $0x88, s6;
	s7 =	simm.s32 @p2 $0x1082  }
0x22: {  	[simem:s7], [sflag:s8] =	dma.local @!p0 [hbm:s6], $0xF7A  }
0x23: {  	s9 =	sor.u32 $0xD0000000, s2;
	s6 =	simm.s32 $0x108;
	_ =	swait.ge @!p0 [sflag:s8], $0x0  }
0x24: {  	s3 =	sadd.s32 $0x88, s3;
	s6 =	simm.s32 @!p1 $0x1082;
	[sflag:s4] =	ssyncset.s32 $0xFFFFF086  }
0x25: {  	[simem:s6], [sflag:s4] =	dma.local [hbm:s3], $0xF7A  }
0x26: {  	[smem:$0x3F88] =	sst s1;
	(tag) =	ssettag s2;
	_ =	strace s9  }
0x27: {  	s1 =	sld [smem:$0x3F98]  }
0x28: {  	s2 =	sld [smem:$0x3F99]  }
0x29: {  	s4 =	sld [smem:$0x3F9B]  }
0x2a: {  	p0 =	seq.s32 s5, $0x0;
	s5 =	sld [smem:$0x3F9C]  }
0x2b: {  	s6 =	sld [smem:$0x3F9D]  }
0x2c: {  	s7 =	sld [smem:$0x3F9E]  }
0x2d: {  	s3 =	simm.s32 $0x108;
	s8 =	sld [smem:$0x3F9F]  }
0x2e: {  	s3 =	simm.s32 @!p0 $0x1082;
	s9 =	sld [smem:$0x3FA0]  }
0x2f: {  	lr =	sadd.s32 s0, s3;
	s0 =	sld [smem:$0x3F97]  }
0x30: {  	s3 =	sld [smem:$0x3F9A]  }
0x31: {  	[smem:$0x3FA3] =	sst s10  }
0x32: {  	s10 =	sld [smem:$0x3FA1];
	_ =	sdelay $0x3  }
0x33: {  	p0 =	seq.s32 s10, $0x1;
	s10 =	sld [smem:$0x3FA3];
	_ =	sdelay $0x3  }
0x34: {  	[smem:$0x3FA3] =	sst s10  }
0x35: {  	s10 =	sld [smem:$0x3FA2];
	_ =	sdelay $0x3  }
0x36: {  	p1 =	seq.s32 s10, $0x1;
	s10 =	sld [smem:$0x3FA3];
	_ =	sdelay $0x3  }
0x37: {  	[smem:$0x3FA3] =	sst s10  }
0x38: {  	s10 =	sld [smem:$0x3FA4]  }
0x39: {  	_ = 	snop;
	(pc) =	sbr.ind lr, $3  }
0x3a: {  	_ = 	snop  }
0x3b: {  	_ = 	snop  }
0x3c: {  	p2 =	seq.s32 s10, $0x1;
	s10 =	sld [smem:$0x3FA3]  }
0x3d: {  	_ =	shalt  }
0x3e: {  	_ =	shalt  }
0x3f: {  	_ =	shalt  }
0x40: {  	_ =	shalt  }
0x41: {  	_ =	shalt  }
0x42: {  	_ =	shalt  }
0x43: {  	_ =	shalt  }
0x44: {  	_ =	shalt  }
0x45: {  	_ =	shalt  }
0x46: {  	_ =	shalt  }
0x47: {  	_ =	shalt  }
0x48: {  	_ =	shalt  }
0x49: {  	_ =	shalt  }
0x4a: {  	_ =	shalt  }
0x4b: {  	_ =	shalt  }
0x4c: {  	_ =	shalt  }
0x4d: {  	_ =	shalt  }
0x4e: {  	_ =	shalt  }
0x4f: {  	_ =	shalt  }
0x50: {  	_ =	shalt  }
0x51: {  	_ =	shalt  }
0x52: {  	_ =	shalt  }
0x53: {  	_ =	shalt  }
0x54: {  	_ =	shalt  }
0x55: {  	_ =	shalt  }
0x56: {  	_ =	shalt  }
0x57: {  	_ =	shalt  }
0x58: {  	_ =	shalt  }
0x59: {  	_ =	shalt  }
0x5a: {  	_ =	shalt  }
0x5b: {  	_ =	shalt  }
0x5c: {  	_ =	shalt  }
0x5d: {  	_ =	shalt  }
0x5e: {  	_ =	shalt  }
0x5f: {  	_ =	shalt  }
0x60: {  	_ =	shalt  }
0x61: {  	_ =	shalt  }
0x62: {  	_ =	shalt  }
0x63: {  	_ =	shalt  }
0x64: {  	_ =	shalt  }
0x65: {  	_ =	shalt  }
0x66: {  	_ =	shalt  }
0x67: {  	_ =	shalt  }
0x68: {  	_ =	shalt  }
0x69: {  	_ =	shalt  }
0x6a: {  	_ =	shalt  }
0x6b: {  	_ =	shalt  }
0x6c: {  	_ =	shalt  }
0x6d: {  	_ =	shalt  }
0x6e: {  	_ =	shalt  }
0x6f: {  	_ =	shalt  }
0x70: {  	_ =	shalt  }
0x71: {  	_ =	shalt  }
0x72: {  	_ =	shalt  }
0x73: {  	_ =	shalt  }
0x74: {  	_ =	shalt  }
0x75: {  	_ =	shalt  }
0x76: {  	_ =	shalt  }
0x77: {  	_ =	shalt  }
0x78: {  	_ =	shalt  }
0x79: {  	_ =	shalt  }
0x7a: {  	_ =	shalt  }
0x7b: {  	_ =	shalt  }
0x7c: {  	_ =	shalt  }
0x7d: {  	_ =	shalt  }
0x7e: {  	_ =	shalt  }
0x7f: {  	_ =	shalt  }
0x80: {  	_ =	shalt  }
0x81: {  	_ =	shalt  }
0x82: {  	_ =	shalt  }
0x83: {  	_ =	shalt  }
0x84: {  	_ =	shalt  }
0x85: {  	_ =	shalt  }
0x86: {  	_ =	shalt  }
0x87: {  	_ =	shalt  }
.Lfunc_end0:
.L_simem_size_0:
called_computation_lowered:
.L_overlay_start_0:
0x88: {  	s2 =	sld [smem:$0x3FD9]  }
0x89: {  	s3 =	sld [smem:$0x3FFE];
	_ =	sdelay $0x1  }
0x8a: {  	s1 =	srdreg.scid  }
0x8b: {  	s0 =	sand.u32 $0x1, s1  }
0x8c: {  	s17 =	sshll.u32 s0, $0xA;
	s2 =	sadd.s32 s3, s2  }
0x8d: {  	s2 =	sadd.s32 s2, s17  }
0x8e: {  	[smem:$0x3FAF] =	sst s2  }
0x8f: {  	_ = 	snop  }
0x90: {  	s2 =	sld [smem:$0x3FC9];
	(tm) =	ssettm $0x1  }
0x91: {  	s18 =	sld [smem:$0x3FFB];
	_ =	sdelay $0x3  }
0x92: {  	_ =	strace s18  }
0x93: {  	s3 =	sld [smem:$0x3FFC];
	_ =	sdelay $0x3  }
0x94: {  	_ =	strace s3  }
0x95: {  	s3 =	sld [smem:$0x3FFD];
	_ =	sdelay $0x3  }
0x96: {  	_ =	strace s3  }
0x97: {  	_ =	strace $0x8FFFFFFF  }
0x98: {  	s19 =	sld [smem:$0x3FDB];
	_ =	sdelay $0x1  }
0x99: {  	s4 =	simm.s32 $_scs_section_size  }
0x9a: {  	s5 =	simm.s32 $_size__tile_overlayer_lowered;
	s6 =	simm.s32 $_tile_overlayer_lowered  }
0x9b: {  	s22 =	simm.s32 $0x1BFF;
	s21 =	sshll.u32 s6, $0x1;
	s3 =	sadd.s32 s4, s19  }
0x9c: {  	s7 =	simm.s32 $0x0;
	s20 =	sshll.u32 s5, $0x1;
	s5 =	sadd.s32 s21, s3  }
0x9d: {  	[timem:s7], [sflag:s22] =	dma.local [hbm:s5], s20  }
0x9e: {  	_ =	swait.ge [sflag:s22], s20  }
0x9f: {  	s4 =	ssub.s32 $0x0, s20;
	[sflag:s22] =	ssyncset.done $0x0  }
0xa0: {  	[sflag:s22] =	ssyncadd.s32 s4;
	_ =	sdelay $0x1  }
0xa1: {  	s23 =	simm.s32 $0x1B8B  }
0xa2: {  	_ =	swait.ge [sflag:s23], $0x1  }
0xa3: {  	[sflag:s23] =	ssyncset.done $0x0  }
0xa4: {  	s25 =	simm.s32 $0x1B8E;
	s24 =	sld [smem:$0x3FFE];
	[sflag:s23] =	ssyncadd.s32 $0xFFFFFFFF  }
0xa5: {  	s26 =	simm.s32 $execute0_lowered;
	[smem:$0x3FD2] =	sst s25  }
0xa6: {  	s5 =	sshll.u32 s26, $0x1;
	_ =	strace $0x80000046;
	[dreg:$0x1] =	wrdreg $0xFFFFFFFF  }
0xa7: {  	s28 =	simm.s32 $_size_execute0_lowered;
	s3 =	sadd.s32 s3, s5;
	[dreg:$0x0] =	wrdreg $0x0  }
0xa8: {  	s5 =	sshll.u32 s28, $0x1;
	[dreg:$0x2] =	wrdreg s3  }
0xa9: {  	[dreg:$0x3] =	wrdreg s5  }
0xaa: {  	[dreg:$0x4] =	wrdreg $0xC0  }
0xab: {  	_ =	task [dreg:s7], $0x5FFFF  }
0xac: {  	[dreg:$0x1] =	wrdreg $0xFFFFFFFF  }
0xad: {  	[dreg:$0x0] =	wrdreg $0x60  }
0xae: {  	[dreg:$0x2] =	wrdreg s2  }
0xaf: {  	[dreg:$0x3] =	wrdreg s24  }
0xb0: {  	[dreg:$0x4] =	wrdreg $0xC1800  }
0xb1: {  	[dreg:$0x5] =	wrdreg $0x9  }
0xb2: {  	_ =	task.clear_ibuf [dreg:s7], $0x6FFFF;
	_ =	strace $0x90000046  }
0xb3: {  	s29 =	simm.s32 $0x9;
	_ =	strace $0x80000048  }
0xb4: {  	_ =	swait.ge [sflag:s29], $0x1  }
0xb5: {  	[sflag:s29] =	ssyncadd.s32 $0xFFFFFFFF  }
0xb6: {  	_ =	strace $0x90000048  }
0xb7: {  	_ =	sfence  }
0xb8: {  	s30 =	sld [smem:$0x0];
	_ =	sdelay $0x2  }
0xb9: {  	s31 =	sshll.u32 s1, $0xD;
	s1 =	sshrl.u32 s1, $0x2  }
0xba: {  	s3 =	sand.u32 $0x4000, s31;
	s1 =	sadd.s32 s1, s30  }
0xbb: {  	s0 =	sor.u32 s3, s0;
	s1 =	sshll.u32 s1, $0x11  }
0xbc: {  	s0 =	sor.u32 s1, s0  }
0xbd: {  	s0 =	sadd.s32 $0x8F2B, s0  }
0xbe: {  	[sflag:s0] =	ssyncadd.remote.s32 $0x1  }
0xbf: {  	_ =	sfence.sel $0xFFFF  }
0xc0: {  	[dreg:$0x0] =	wrdreg $0xFFFFFFFF;
	(pc) =	sbr.abs _section_cstart, $3  }
0xc1: {  	[dreg:$0x1] =	wrdreg $0xFFFFFFFF  }
0xc2: {  	_ =	task.clear_ibuf [dreg:s7], $0x2FFFF;
	_ =	strace $0x9FFFFFFF  }
0xc3: {  	(tm) =	ssettm $0x7FFFFFFF  }
tec
execute0_lowered:
.L_overlay_start_1:
0x0: {  	(tag) =	ssettag $0x1  }
0x1: {  	s0 =	srdreg.scid  }
0x2: {  	s12 =	stileid.u32;
	s6 =	rddreg [dreg:$0x1]  }
0x3: {  	s3 =	rddreg [dreg:$0x2];
	s4 =	simm.s32 $0x0;
	s28 =	simm.s32 $0x2900  }
0x4: {  	s29 =	simm.s32 $0x2800;
	s30 =	simm.s32 $0x5900;
	s10 =	smul.u32 $0x4E000, s12  }
0x5: {  	s1 =	sand.u32 $0x1, s0;
	s0 =	rddreg [dreg:$0x0];
	s20 =	smul.u32 $0x2700, s12  }
0x6: {  	s31 =	simm.s32 $0x2880;
	[smem:$0x7FF] =	sst s4;
	s25 =	smul.u32 $0x13800, s12  }
0x7: {  	s5 =	sadd.s32 $0x3C00, s6;
	s11 =	sadd.s32 $0x17800, s6;
	s16 =	smul.u32 $0x2710, s12  }
0x8: {  	p2 =	seq.s32 s12, $0x0;
	p0 =	sne.s32 s12, $0x0;
	s2 =	sshll.u32 s1, $0x4  }
0x9: {  	_ =	strace $0x80000047;
	s8 =	ssub.s32 $0x2, s1;
	s22 =	smul.u32 $0x138800, s1  }
0xa: {  	[dreg:$0x4] =	wrdreg s11;
	s15 =	smul.u32 $0x27100, s1;
	p1 =	sne.s32 s1, $0x0  }
0xb: {  	s2 =	sor.u32 s12, s2;
	s9 =	sshrl.u32 s8, $0x1;
	s24 =	sshrl.u32 s10, $0x2  }
0xc: {  	s26 =	sadd.s32 s11, s20;
	s11 =	sadd.s32 $0x138000, s3;
	s10 =	simm.s32 $0x2  }
0xd: {  	s12 =	simm.s32 $0x3;
	s2 =	smul.u32 $0x2710, s2;
	[dreg:$0xb] =	wrdreg s26  }
0xe: {  	s8 =	ssub.s32 s8, s9;
	s9 =	sadd.s32 s24, s3;
	[dreg:$0xc] =	wrdreg s11  }
0xf: {  	s11 =	simm.s32 $0x6;
	[dreg:$0xa] =	wrdreg s9;
	s19 =	smax.u32 s8, $0x1  }
0x10: {  	s8 =	simm.s32 $0x1;
	s2 =	sshrl.u32 s2, $0x3;
	[dreg:$0x10] =	wrdreg s19  }
0x11: {  	s7 =	sadd.s32 s2, s6;
	s13 =	sadd.s32 s5, s2;
	s2 =	sadd.s32 s0, s20  }
0x12: {  	s6 =	sadd.s32 $0x3EA00, s6;
	s20 =	sadd.s32 s16, s15;
	[dreg:$0xd] =	wrdreg s2  }
0x13: {  	s15 =	simm.s32 $0xB980;
	s7 =	sadd.s32 $0xDA00, s7;
	[dreg:$0x5] =	wrdreg s13  }
0x14: {  	s16 =	simm.s32 $0x7;
	s21 =	sadd.s32 $0xC, s13;
	[dreg:$0x6] =	wrdreg s7  }
0x15: {  	s23 =	sadd.s32 $0x18, s13;
	s14 =	sadd.s32 $0x4E0, s13;
	[dreg:$0x7] =	wrdreg s21  }
0x16: {  	s24 =	sadd.s32 $0x1E0, s20;
	s26 =	sadd.s32 $0x4D4, s13;
	[dreg:$0x8] =	wrdreg s23  }
0x17: {  	[dreg:$0x9] =	wrdreg s14;
	s14 =	sadd.s32 s25, s22;
	s7 =	sshrl.u32 s22, $0x3  }
0x18: {  	s23 =	sadd.s32 $0x4C8, s13;
	s25 =	sadd.s32 $0x180, s20;
	[dreg:$0x12] =	wrdreg s26  }
0x19: {  	s26 =	simm.s32 $0x60;
	s13 =	simm.s32 $0x8900;
	s9 =	sshrl.u32 s14, $0x3  }
0x1a: {  	s18 =	sadd.s32 s6, s7;
	[dreg:$0x11] =	wrdreg s23;
	s7 =	sshrl.u32 s25, $0x3  }
0x1b: {  	s23 =	sadd.s32 $0x120, s20;
	s25 =	simm.s32 $0x2780;
	s14 =	simm.s32 $0x10  }
0x1c: {  	s17 =	sadd.s32 s6, s9;
	s2 =	sadd.s32 $0x27000, s18;
	s6 =	sshrl.u32 s24, $0x3  }
0x1d: {  	s22 =	sadd.s32 s7, s5;
	s24 =	simm.s32 $0x8;
	[dreg:$0xe] =	wrdreg s17  }
0x1e: {  	s7 =	simm.s32 $0xB900;
	s9 =	simm.s32 $0x5;
	[dreg:$0xf] =	wrdreg s2  }
0x1f: {  	s21 =	sadd.s32 s6, s5;
	s2 =	simm.s32 $0x4;
	s17 =	simm.s32 $0x0  }
.LBB2_1:
0x20: {  	s1 =	rddreg [dreg:$0x6]  }
0x21: {  	[tilespmem:s4], [sflag:$0x8] =	stream.linear.gather [hbm4b:s1+s4], $0x2710, $0x38;
	[tilespmem:$0x1FA00] =	vst v63  }
0x22: {  	_ =	swait.ge [sflag:s24], $0x2710  }
0x23: {  	[sflag:s24] =	ssyncset.done $0x0  }
0x24: {  	s18 =	rddreg [dreg:$0x5];
	[sflag:s24] =	ssyncadd.s32 $0xFFFFD8F0  }
0x25: {  	[tilespmem:s25], [sflag:$0x4] =	stream.linear.gather [hbm4b:s18+s4], $0x60, $0x38;
	[tilespmem:$0x1FA00] =	vst v63  }
0x26: {  	_ = 	snop  }
0x27: {  	[tilespmem:s28], [sflag:$0x1] =	stream.indirect.gather [hbm4b:s0+s26], $0x80, s4, s26, $0xb8;
	[tilespmem:$0x1FA00] =	vst v63  }
0x28: {  	s19 =	rddreg [dreg:$0x7]  }
0x29: {  	[tilespmem:s29], [sflag:$0x5] =	stream.linear.gather [hbm4b:s19+s4], $0x60, $0x38;
	[tilespmem:$0x1FA00] =	vst v63  }
0x2a: {  	_ = 	snop  }
0x2b: {  	[tilespmem:s30], [sflag:$0x2] =	stream.indirect.gather [hbm4b:s0+s26], $0x80, s26, s26, $0xb8;
	[tilespmem:$0x1FA00] =	vst v63  }
0x2c: {  	s20 =	rddreg [dreg:$0x8]  }
0x2d: {  	[tilespmem:s31], [sflag:$0x6] =	stream.linear.gather [hbm4b:s20+s4], $0x60, $0x38;
	[tilespmem:$0x1FA00] =	vst v63  }
0x2e: {  	s6 =	simm.s32 $0xC0;
	s18 =	rddreg [dreg:$0x9]  }
0x2f: {  	[tilespmem:s13], [sflag:$0x3] =	stream.indirect.gather [hbm4b:s0+s26], $0x80, s6, s26, $0xb8;
	[tilespmem:$0x1FA00] =	vst v63  }
.Ltmp0:
0x30: {  	s20 =	stileid.u32;
	(pc) =	sbr.rel @p1 .LBB2_3-.Ltmp0, $4  }
0x31: {  	[tilespmem:s7], [sflag:$0x7] =	stream.linear.gather [hbm4b:s18+s4], $0x10, $0x38;
	[tilespmem:$0x1FA00] =	vst v63  }
0x32: {  	s19 =	simm.s32 $0x2700;
	s1 =	sshll.u32 s20, $0x6;
	s6 =	rddreg [dreg:$0xa]  }
0x33: {  	[tilespmem:s15], [sflag:$0x7] =	stream.indirect.gather [hbm4b:s0+s14], $0x80, s19, s14, $0xb8;
	[tilespmem:$0x1FA00] =	vst v63  }
0x34: {  	s18 =	sor.u32 $0x1C08, s1;
	s19 =	sshrl.u32 s6, $0x3  }
0x35: {  	s1 =	rddreg [dreg:$0xd]  }
0x36: {  	[spmem:s19], [sflag:s18] =	dma.local [hbm:s1], $0x2700  }
.Ltmp1:
0x37: {  	_ = 	snop;
	(pc) =	sbr.rel @!p2 .LBB2_5-.Ltmp1, $4  }
.Ltmp2:
0x38: {  	_ = 	snop;
	(pc) =	sbr.rel @p2 .LBB2_4-.Ltmp2, $4  }
0x39: {  	_ =	swait.ge [sflag:s24], $0x2700  }
0x3a: {  	[sflag:s24] =	ssyncset.done $0x0  }
0x3b: {  	p3 =	por $0x0, $0x0;
	s1 =	smov.u32 s0;
	[sflag:s24] =	ssyncadd.s32 $0xFFFFD900  }
0x3c: {  	_ = 	snop  }
.LBB2_3:
.Ltmp3:
0x3d: {  	s1 =	rddreg [dreg:$0xb];
	(pc) =	sbr.rel @p0 .LBB2_5-.Ltmp3, $4  }
0x3e: {  	[spmem:s19], [sflag:s18] =	dma.local [hbm:s1], $0x2700  }
0x3f: {  	_ =	swait.ge [sflag:s24], $0x2700  }
0x40: {  	[sflag:s24] =	ssyncset.done $0x0  }
0x41: {  	p3 =	por $0x0, $0x0;
	s1 =	rddreg [dreg:$0x4];
	[sflag:s24] =	ssyncadd.s32 $0xFFFFD900  }
.LBB2_4:
0x42: {  	s6 =	rddreg [dreg:$0xc]  }
0x43: {  	s1 =	sadd.s32 $0x27000, s1;
	s7 =	simm.s32 $0x1C08;
	s6 =	sshrl.u32 s6, $0x3  }
0x44: {  	[spmem:s6], [sflag:s7] =	dma.local [hbm:s1], $0x100  }
0x45: {  	_ =	swait.ge [sflag:s24], $0x100  }
0x46: {  	[sflag:s24] =	ssyncset.done $0x0  }
0x47: {  	p3 =	por $0x1, $0x1;
	[sflag:s24] =	ssyncadd.s32 $0xFFFFFF00  }
.LBB2_5:
0x48: {  	[bflag:$0x0] =	sbarrier.arrive $0xFFFF  }
0x49: {  	_ =	swait.ge [sflag:s2], $0x60  }
0x4a: {  	[sflag:s2] =	ssyncset.done $0x0  }
0x4b: {  	[sflag:s2] =	ssyncadd.s32 $0xFFFFFFA0  }
0x4c: {  	_ =	swait.ge [sflag:s8], $0x3000  }
0x4d: {  	[sflag:s8] =	ssyncset.done $0x0  }
0x4e: {  	[sflag:s8] =	ssyncadd.s32 $0xFFFFD000  }
0x4f: {  	[spmem:s3] =	stream.indirect.scatter.add.f32 [tilespmem:s28], [sflag:$0x8], $0x80, s25, s26, $0xb8;
	[tilespmem:$0x1FA00] =	vst v63  }
0x50: {  	_ =	swait.ge [sflag:s24], $0x3000  }
0x51: {  	s1 =	sshrl.u32 s23, $0x3;
	[sflag:s24] =	ssyncset.done $0x0  }
0x52: {  	s1 =	sadd.s32 s5, s1;
	[sflag:s24] =	ssyncadd.s32 $0xFFFFD000  }
0x53: {  	[tilespmem:s25], [sflag:$0x4] =	stream.linear.gather [hbm4b:s1+s4], $0x60, $0x38;
	[tilespmem:$0x1FA00] =	vst v63  }
0x54: {  	s15 =	simm.s32 $0x120  }
0x55: {  	[tilespmem:s28], [sflag:$0x1] =	stream.indirect.gather [hbm4b:s0+s26], $0x80, s15, s26, $0xb8;
	[tilespmem:$0x1FA00] =	vst v63  }
0x56: {  	_ =	swait.ge [sflag:s9], $0x60  }
0x57: {  	[sflag:s9] =	ssyncset.done $0x0  }
0x58: {  	[sflag:s9] =	ssyncadd.s32 $0xFFFFFFA0  }
0x59: {  	_ =	swait.ge [sflag:s10], $0x3000  }
0x5a: {  	[sflag:s10] =	ssyncset.done $0x0  }
0x5b: {  	[sflag:s10] =	ssyncadd.s32 $0xFFFFD000  }
0x5c: {  	[spmem:s3] =	stream.indirect.scatter.add.f32 [tilespmem:s30], [sflag:$0x8], $0x80, s29, s26, $0xb8;
	[tilespmem:$0x1FA00] =	vst v63  }
0x5d: {  	_ =	swait.ge [sflag:s24], $0x3000  }
0x5e: {  	[sflag:s24] =	ssyncset.done $0x0  }
0x5f: {  	[sflag:s24] =	ssyncadd.s32 $0xFFFFD000  }
0x60: {  	[tilespmem:s29], [sflag:$0x5] =	stream.linear.gather [hbm4b:s22+s4], $0x60, $0x38;
	[tilespmem:$0x1FA00] =	vst v63  }
0x61: {  	s20 =	simm.s32 $0x180  }
0x62: {  	[tilespmem:s30], [sflag:$0x2] =	stream.indirect.gather [hbm4b:s0+s26], $0x80, s20, s26, $0xb8;
	[tilespmem:$0x1FA00] =	vst v63  }
0x63: {  	_ =	swait.ge [sflag:s11], $0x60  }
0x64: {  	[sflag:s11] =	ssyncset.done $0x0  }
0x65: {  	[sflag:s11] =	ssyncadd.s32 $0xFFFFFFA0  }
0x66: {  	_ =	swait.ge [sflag:s12], $0x3000  }
0x67: {  	[sflag:s12] =	ssyncset.done $0x0  }
0x68: {  	[sflag:s12] =	ssyncadd.s32 $0xFFFFD000  }
0x69: {  	[spmem:s3] =	stream.indirect.scatter.add.f32 [tilespmem:s13], [sflag:$0x8], $0x80, s31, s26, $0xb8;
	[tilespmem:$0x1FA00] =	vst v63  }
0x6a: {  	s6 =	sadd.s32 $0x120, s23;
	_ =	swait.ge [sflag:s24], $0x3000  }
0x6b: {  	s7 =	simm.s32 $0x1E0;
	s1 =	sadd.s32 $0x24, s22;
	[sflag:s24] =	ssyncset.done $0x0  }
0x6c: {  	s15 =	sadd.s32 $0x24, s21;
	s20 =	simm.s32 $0x480;
	[sflag:s24] =	ssyncadd.s32 $0xFFFFD000  }
0x6d: {  	[tilespmem:s31], [sflag:$0x6] =	stream.linear.gather [hbm4b:s21+s4], $0x60, $0x38;
	[tilespmem:$0x1FA00] =	vst v63  }
.LBB2_6:
0x6e: {  	[tilespmem:s13], [sflag:$0x3] =	stream.indirect.gather [hbm4b:s0+s26], $0x80, s7, s26, $0xb8;
	[tilespmem:$0x1FA00] =	vst v63  }
0x6f: {  	s7 =	smov.u32 s20  }
0x70: {  	p4 =	sne.s32 s20, $0x9000;
	s20 =	sadd.s32 $0x480, s20;
	_ =	swait.ge [sflag:s2], $0x60  }
0x71: {  	[sflag:s2] =	ssyncset.done $0x0  }
0x72: {  	[sflag:s2] =	ssyncadd.s32 $0xFFFFFFA0  }
0x73: {  	_ =	swait.ge [sflag:s8], $0x3000  }
0x74: {  	[sflag:s8] =	ssyncset.done $0x0  }
0x75: {  	[sflag:s8] =	ssyncadd.s32 $0xFFFFD000  }
0x76: {  	[spmem:s3] =	stream.indirect.scatter.add.f32 [tilespmem:s28], [sflag:$0x8], $0x80, s25, s26, $0xb8;
	[tilespmem:$0x1FA00] =	vst v63  }
0x77: {  	_ =	swait.ge [sflag:s24], $0x3000  }
0x78: {  	s14 =	sshrl.u32 s6, $0x3;
	[sflag:s24] =	ssyncset.done $0x0  }
0x79: {  	s14 =	sadd.s32 s5, s14;
	s7 =	sshra.s32 s7, $0x2;
	[sflag:s24] =	ssyncadd.s32 $0xFFFFD000  }
0x7a: {  	[tilespmem:s25], [sflag:$0x4] =	stream.linear.gather [hbm4b:s14+s4], $0x60, $0x38;
	[tilespmem:$0x1FA00] =	vst v63  }
0x7b: {  	s14 =	sadd.s32 $0x120, s7  }
0x7c: {  	[tilespmem:s28], [sflag:$0x1] =	stream.indirect.gather [hbm4b:s0+s26], $0x80, s14, s26, $0xb8;
	[tilespmem:$0x1FA00] =	vst v63  }
0x7d: {  	_ =	swait.ge [sflag:s9], $0x60  }
0x7e: {  	[sflag:s9] =	ssyncset.done $0x0  }
0x7f: {  	[sflag:s9] =	ssyncadd.s32 $0xFFFFFFA0  }
0x80: {  	_ =	swait.ge [sflag:s10], $0x3000  }
0x81: {  	[sflag:s10] =	ssyncset.done $0x0  }
0x82: {  	[sflag:s10] =	ssyncadd.s32 $0xFFFFD000  }
0x83: {  	[spmem:s3] =	stream.indirect.scatter.add.f32 [tilespmem:s30], [sflag:$0x8], $0x80, s29, s26, $0xb8;
	[tilespmem:$0x1FA00] =	vst v63  }
0x84: {  	_ =	swait.ge [sflag:s24], $0x3000  }
0x85: {  	[sflag:s24] =	ssyncset.done $0x0  }
0x86: {  	[sflag:s24] =	ssyncadd.s32 $0xFFFFD000  }
0x87: {  	[tilespmem:s29], [sflag:$0x5] =	stream.linear.gather [hbm4b:s1+s4], $0x60, $0x38;
	[tilespmem:$0x1FA00] =	vst v63  }
0x88: {  	s14 =	sadd.s32 $0x180, s7  }
0x89: {  	[tilespmem:s30], [sflag:$0x2] =	stream.indirect.gather [hbm4b:s0+s26], $0x80, s14, s26, $0xb8;
	[tilespmem:$0x1FA00] =	vst v63  }
0x8a: {  	_ =	swait.ge [sflag:s11], $0x60  }
0x8b: {  	[sflag:s11] =	ssyncset.done $0x0  }
0x8c: {  	[sflag:s11] =	ssyncadd.s32 $0xFFFFFFA0  }
0x8d: {  	_ =	swait.ge [sflag:s12], $0x3000  }
0x8e: {  	[sflag:s12] =	ssyncset.done $0x0  }
0x8f: {  	[sflag:s12] =	ssyncadd.s32 $0xFFFFD000  }
0x90: {  	[spmem:s3] =	stream.indirect.scatter.add.f32 [tilespmem:s13], [sflag:$0x8], $0x80, s31, s26, $0xb8;
	[tilespmem:$0x1FA00] =	vst v63  }
.Ltmp4:
0x91: {  	_ =	swait.ge [sflag:s24], $0x3000;
	(pc) =	sbr.rel @p4 .LBB2_6-.Ltmp4, $4  }
0x92: {  	[sflag:s24] =	ssyncset.done $0x0  }
0x93: {  	s6 =	sadd.s32 $0x120, s6;
	[sflag:s24] =	ssyncadd.s32 $0xFFFFD000  }
0x94: {  	[tilespmem:s31], [sflag:$0x6] =	stream.linear.gather [hbm4b:s15+s4], $0x60, $0x38;
	[tilespmem:$0x1FA00] =	vst v63  }
0x95: {  	s7 =	sadd.s32 $0x1E0, s7;
	s1 =	sadd.s32 $0x24, s1;
	s15 =	sadd.s32 $0x24, s15  }
0x96: {  	[tilespmem:s13], [sflag:$0x3] =	stream.indirect.gather [hbm4b:s0+s26], $0x80, s7, s26, $0xb8;
	[tilespmem:$0x1FA00] =	vst v63  }
0x97: {  	_ =	swait.ge [sflag:s2], $0x60  }
0x98: {  	[sflag:s2] =	ssyncset.done $0x0  }
0x99: {  	[sflag:s2] =	ssyncadd.s32 $0xFFFFFFA0  }
0x9a: {  	_ =	swait.ge [sflag:s8], $0x3000  }
0x9b: {  	[sflag:s8] =	ssyncset.done $0x0  }
0x9c: {  	[sflag:s8] =	ssyncadd.s32 $0xFFFFD000  }
0x9d: {  	[spmem:s3] =	stream.indirect.scatter.add.f32 [tilespmem:s28], [sflag:$0x8], $0x80, s25, s26, $0xb8;
	[tilespmem:$0x1FA00] =	vst v63  }
0x9e: {  	_ =	swait.ge [sflag:s24], $0x3000  }
0x9f: {  	[sflag:s24] =	ssyncset.done $0x0  }
0xa0: {  	s1 =	rddreg [dreg:$0x11];
	[sflag:s24] =	ssyncadd.s32 $0xFFFFD000  }
0xa1: {  	[tilespmem:s25], [sflag:$0x4] =	stream.linear.gather [hbm4b:s1+s4], $0x60, $0x38;
	[tilespmem:$0x1FA00] =	vst v63  }
0xa2: {  	s14 =	simm.s32 $0x2640  }
0xa3: {  	[tilespmem:s28], [sflag:$0x1] =	stream.indirect.gather [hbm4b:s0+s26], $0x80, s14, s26, $0xb8;
	[tilespmem:$0x1FA00] =	vst v63  }
0xa4: {  	_ =	swait.ge [sflag:s9], $0x60  }
0xa5: {  	[sflag:s9] =	ssyncset.done $0x0  }
0xa6: {  	[sflag:s9] =	ssyncadd.s32 $0xFFFFFFA0  }
0xa7: {  	_ =	swait.ge [sflag:s10], $0x3000  }
0xa8: {  	[sflag:s10] =	ssyncset.done $0x0  }
0xa9: {  	[sflag:s10] =	ssyncadd.s32 $0xFFFFD000  }
0xaa: {  	[spmem:s3] =	stream.indirect.scatter.add.f32 [tilespmem:s30], [sflag:$0x8], $0x80, s29, s26, $0xb8;
	[tilespmem:$0x1FA00] =	vst v63  }
0xab: {  	_ =	swait.ge [sflag:s24], $0x3000  }
0xac: {  	[sflag:s24] =	ssyncset.done $0x0  }
0xad: {  	s15 =	rddreg [dreg:$0x12];
	[sflag:s24] =	ssyncadd.s32 $0xFFFFD000  }
0xae: {  	[tilespmem:s29], [sflag:$0x5] =	stream.linear.gather [hbm4b:s15+s4], $0x60, $0x38;
	[tilespmem:$0x1FA00] =	vst v63  }
0xaf: {  	s20 =	simm.s32 $0x26A0  }
0xb0: {  	[tilespmem:s30], [sflag:$0x2] =	stream.indirect.gather [hbm4b:s0+s26], $0x80, s20, s26, $0xb8;
	[tilespmem:$0x1FA00] =	vst v63  }
0xb1: {  	_ =	swait.ge [sflag:s11], $0x60  }
0xb2: {  	[sflag:s11] =	ssyncset.done $0x0  }
0xb3: {  	[sflag:s11] =	ssyncadd.s32 $0xFFFFFFA0  }
0xb4: {  	_ =	swait.ge [sflag:s12], $0x3000  }
0xb5: {  	[sflag:s12] =	ssyncset.done $0x0  }
0xb6: {  	[sflag:s12] =	ssyncadd.s32 $0xFFFFD000  }
0xb7: {  	[spmem:s3] =	stream.indirect.scatter.add.f32 [tilespmem:s13], [sflag:$0x8], $0x80, s31, s26, $0xb8;
	[tilespmem:$0x1FA00] =	vst v63  }
0xb8: {  	_ =	swait.ge [sflag:s24], $0x3000  }
0xb9: {  	[sflag:s24] =	ssyncset.done $0x0  }
0xba: {  	[sflag:s24] =	ssyncadd.s32 $0xFFFFD000  }
0xbb: {  	_ =	swait.ge [sflag:s2], $0x60  }
0xbc: {  	[sflag:s2] =	ssyncset.done $0x0  }
0xbd: {  	[sflag:s2] =	ssyncadd.s32 $0xFFFFFFA0  }
0xbe: {  	_ =	swait.ge [sflag:s8], $0x3000  }
0xbf: {  	[sflag:s8] =	ssyncset.done $0x0  }
0xc0: {  	[sflag:s8] =	ssyncadd.s32 $0xFFFFD000  }
0xc1: {  	[spmem:s3] =	stream.indirect.scatter.add.f32 [tilespmem:s28], [sflag:$0x8], $0x80, s25, s26, $0xb8;
	[tilespmem:$0x1FA00] =	vst v63  }
0xc2: {  	_ =	swait.ge [sflag:s24], $0x3000  }
0xc3: {  	[sflag:s24] =	ssyncset.done $0x0  }
0xc4: {  	[sflag:s24] =	ssyncadd.s32 $0xFFFFD000  }
0xc5: {  	_ =	swait.ge [sflag:s9], $0x60  }
0xc6: {  	[sflag:s9] =	ssyncset.done $0x0  }
0xc7: {  	[sflag:s9] =	ssyncadd.s32 $0xFFFFFFA0  }
0xc8: {  	_ =	swait.ge [sflag:s10], $0x3000  }
0xc9: {  	[sflag:s10] =	ssyncset.done $0x0  }
0xca: {  	[sflag:s10] =	ssyncadd.s32 $0xFFFFD000  }
0xcb: {  	[spmem:s3] =	stream.indirect.scatter.add.f32 [tilespmem:s30], [sflag:$0x8], $0x80, s29, s26, $0xb8;
	[tilespmem:$0x1FA00] =	vst v63  }
0xcc: {  	_ =	swait.ge [sflag:s24], $0x3000  }
0xcd: {  	[sflag:s24] =	ssyncset.done $0x0  }
0xce: {  	[sflag:s24] =	ssyncadd.s32 $0xFFFFD000  }
0xcf: {  	_ =	swait.ge [sflag:s16], $0x10  }
0xd0: {  	[sflag:s16] =	ssyncset.done $0x0  }
0xd1: {  	[sflag:s16] =	ssyncadd.s32 $0xFFFFFFF0  }
0xd2: {  	_ =	swait.ge [sflag:s16], $0x800  }
0xd3: {  	s7 =	simm.s32 $0xB900;
	[sflag:s16] =	ssyncset.done $0x0  }
0xd4: {  	s14 =	simm.s32 $0x10;
	s15 =	simm.s32 $0xB980;
	[sflag:s16] =	ssyncadd.s32 $0xFFFFF800  }
0xd5: {  	[spmem:s3] =	stream.indirect.scatter.add.f32 [tilespmem:s15], [sflag:$0x8], $0x80, s7, s14, $0xb8;
	[tilespmem:$0x1FA00] =	vst v63  }
0xd6: {  	_ =	swait.ge [sflag:s24], $0x800  }
0xd7: {  	[sflag:s24] =	ssyncset.done $0x0  }
0xd8: {  	[sflag:s24] =	ssyncadd.s32 $0xFFFFF800  }
0xd9: {  	[bflag:$0x0] =	sbarrier.arrive $0xFFFF  }
0xda: {  	s6 =	rddreg [dreg:$0xe]  }
0xdb: {  	[hbm:s6], [sflag:s18] =	dma.local [spmem:s19], $0x2700  }
0xdc: {  	_ =	swait.ge [sflag:s24], $0x2700  }
0xdd: {  	[sflag:s24] =	ssyncset.done $0x0;
	s1 =	rddreg [dreg:$0xc]  }
0xde: {  	s6 =	rddreg [dreg:$0xf];
	[sflag:s24] =	ssyncadd.s32 $0xFFFFD900;
	s1 =	sshrl.u32 @p3 s1, $0x3  }
0xdf: {  	[hbm:s6], [sflag:s18] =	dma.local @p3 [spmem:s1], $0x100  }
0xe0: {  	s1 =	simm.s32 @p3 $0x8  }
0xe1: {  	_ =	swait.ge @p3 [sflag:s1], $0x100  }
0xe2: {  	s17 =	sadd.s32 $0x1, s17;
	s20 =	rddreg [dreg:$0x10]  }
0xe3: {  	p4 =	sne.s32 s17, s20  }
.Ltmp5:
0xe4: {  	_ = 	snop;
	(pc) =	sbr.rel @p4 .LBB2_1-.Ltmp5, $3  }
0xe5: {  	_ =	sdelay $0x1  }
0xe6: {  	[sflag:s1] =	ssyncset.done @p3 $0x0  }
0xe7: {  	[sflag:s1] =	ssyncadd.s32 @p3 $0xFFFFFF00  }
0xe8: {  	_ =	sfence.sel $0x180000  }
0xe9: {  	[bflag:$0x0] =	sbarrier.arrive $0xFFFF  }
0xea: {  	_ =	strace $0x90000047  }
0xeb: {  	[bflag:$0x2] =	sbarrier.arrive $0xFFFF  }
0xec: {  	s0 =	rddreg [dreg:$0x3]  }
0xed: {  	s0 =	sadd.s32 @!p0 $0x100000, s0  }
0xee: {  	[sflag:s0] =	ssyncadd.tile.s32 @!p0 $0x1;
	_ =	shalt  }
.Lfunc_end2:
_tile_overlayer_lowered:
.L_overlay_start_2:
0xef: {  	(tag) =	ssettag $0x2  }
0xf0: {  	s0 =	rddreg [dreg:$0x0];
	s2 =	stileid.u32  }
0xf1: {  	s1 =	rddreg [dreg:$0x1];
	p0 =	sne.s32 s2, $0x0  }
0xf2: {  	s3 =	rddreg [dreg:$0x2];
	[bflag:$0x3] =	sbarrier.arrive $0xFFFF;
	s2 =	simm.s32 @!p0 $0x1C08  }
0xf3: {  	[timem:s3], [sflag:s2] =	dma.local @!p0 [hbm:s0], s1  }
0xf4: {  	s0 =	simm.s32 @!p0 $0x8  }
0xf5: {  	_ =	swait.ge @!p0 [sflag:s0], s1  }
0xf6: {  	s1 =	ssub.s32 @!p0 $0x0, s1;
	[sflag:s0] =	ssyncset.done @!p0 $0x0  }
0xf7: {  	[sflag:s0] =	ssyncadd.s32 @!p0 s1  }
0xf8: {  	[bflag:$0x3] =	sbarrier.arrive $0xFFFF  }
0xf9: {  	_ =	shalt  }

</sc_bundles>
